<compile_context>
chip_gen: v7x
topology: tpu7x:2x2x1
jax: 0.10.2.dev20260603
libtpu: 0.0.44.dev20260713+nightly
codegen_flags: <defaults>
</compile_context>

<pallas_src>
import jax
import jax.numpy as jnp
from jax import lax
from jax.experimental import pallas as pl
from jax.experimental.pallas import tpu as pltpu
from jax.experimental.pallas import tpu_sc as plsc

N = 10000
E = 320000
D = 128

NC = 2
NS = 16
NW = NC * NS
EPT = E // NW
CHUNK = 125
NCHUNK = EPT // CHUNK
ECH = E // CHUNK
NP = 10240
RPT = NP // NS
DR = NP // 16
DRT = DR // NS


def _sc_agg_make():
    mesh = plsc.VectorSubcoreMesh(core_axis_name="c", subcore_axis_name="s")
    scratch = (
        [pltpu.VMEM((CHUNK, D), jnp.bfloat16) for _ in range(8)]
        + [pltpu.VMEM((2, NCHUNK, CHUNK), jnp.int32)]
        + [pltpu.VMEM_SHARED((NP, D), jnp.bfloat16)]
        + [pltpu.SemaphoreType.DMA for _ in range(16)]
    )

    def body(y_hbm, ei_hbm, zeros_hbm, agg_a_out, agg_b_out, *rest):
        rb = rest[0:8]
        eidx_v = rest[8]
        acc_sh = rest[9]
        sg = rest[10:18]
        ss = rest[18:26]
        cid = lax.axis_index("c")
        sid = lax.axis_index("s")
        wid = sid * NC + cid

        y2 = y_hbm
        ei3 = ei_hbm
        zeros2 = zeros_hbm
        agg_a2 = agg_a_out
        agg_b2 = agg_b_out

        pltpu.sync_copy(ei3.at[0, pl.ds(wid * NCHUNK, NCHUNK)], eidx_v.at[0])
        pltpu.sync_copy(ei3.at[1, pl.ds(wid * NCHUNK, NCHUNK)], eidx_v.at[1])
        pltpu.sync_copy(zeros2, acc_sh.at[pl.ds(sid * RPT, RPT)])
        plsc.subcore_barrier()

        def gdesc(c, j):
            return pltpu.make_async_copy(
                y2.at[eidx_v.at[0, c]], rb[j % 8], sg[j % 8]
            )

        def sdesc(c, j):
            return pltpu.make_async_copy(
                rb[j % 8], acc_sh.at[eidx_v.at[1, c]], ss[j % 8]
            )

        def step(c, j):
            @pl.when(jnp.logical_and(c >= 8, c <= NCHUNK + 7))
            def _():
                sdesc(c - 8, j).wait()

            @pl.when(c <= NCHUNK - 1)
            def _():
                gdesc(c, j).start()

            @pl.when(jnp.logical_and(c >= 1, c <= NCHUNK))
            def _():
                gdesc(c - 1, j - 1).wait()
                sdesc(c - 1, j - 1).start(add=True)

        def kbody(k, _):
            c0 = 8 * k
            for j in range(8):
                step(c0 + j, j)
            return 0

        lax.fori_loop(0, (NCHUNK + 15) // 8, kbody, 0)
        plsc.subcore_barrier()

        @pl.when(cid == 0)
        def _():
            pltpu.sync_copy(
                acc_sh.at[pl.ds(sid * RPT, RPT)],
                agg_a2.at[pl.ds(sid * RPT, RPT)],
            )

        @pl.when(cid == 1)
        def _():
            pltpu.sync_copy(
                acc_sh.at[pl.ds(sid * RPT, RPT)],
                agg_b2.at[pl.ds(sid * RPT, RPT)],
            )

    return pl.kernel(
        body,
        out_type=[
            jax.ShapeDtypeStruct((NP, D), jnp.bfloat16),
            jax.ShapeDtypeStruct((NP, D), jnp.bfloat16),
        ],
        mesh=mesh,
        scratch_types=scratch,
        compiler_params=pltpu.CompilerParams(
            needs_layout_passes=False, use_tc_tiling_on_sc=False
        ),
    )


def _sc_deg_make():
    mesh = plsc.VectorSubcoreMesh(core_axis_name="c", subcore_axis_name="s")
    scratch = [
        pltpu.VMEM((EPT,), jnp.int32),
        pltpu.VMEM((DR, 16), jnp.float32),
        pltpu.VMEM((DR,), jnp.int32),
        pltpu.VMEM_SHARED((DR, 16), jnp.float32),
    ]

    def body(ei_hbm, zdeg_hbm, iota_hbm, deg_out, dst_v, deg_v, id_v, deg_sh):
        cid = lax.axis_index("c")
        sid = lax.axis_index("s")
        wid = sid * NC + cid

        dst_hbm = ei_hbm.at[1]
        pltpu.sync_copy(dst_hbm.at[pl.ds(wid * EPT, EPT)], dst_v)
        pltpu.sync_copy(zdeg_hbm, deg_v)
        pltpu.sync_copy(iota_hbm, id_v)
        pltpu.sync_copy(
            zdeg_hbm.at[pl.ds(0, DRT)], deg_sh.at[pl.ds(sid * DRT, DRT)]
        )
        plsc.subcore_barrier()

        ones16 = jnp.full((16,), 1.0, jnp.float32)

        def dbody(i, _):
            dvals = dst_v[pl.ds(i * 16, 16)]
            plsc.addupdate_scatter(deg_v, [dvals >> 4, dvals & 15], ones16)
            return 0

        lax.fori_loop(0, EPT // 16, dbody, 0)

        pltpu.sync_copy(deg_v, deg_sh.at[id_v], add=True)
        plsc.subcore_barrier()
        pltpu.sync_copy(
            deg_sh.at[pl.ds(sid * DRT, DRT)],
            deg_out.at[pl.ds(cid * DR + sid * DRT, DRT)],
        )

    return pl.kernel(
        body,
        out_type=jax.ShapeDtypeStruct((NC * DR, 16), jnp.float32),
        mesh=mesh,
        scratch_types=scratch,
        compiler_params=pltpu.CompilerParams(
            needs_layout_passes=False, use_tc_tiling_on_sc=False
        ),
    )


_sc_agg = _sc_agg_make()
_sc_deg = _sc_deg_make()


BM = 2000


def _tc_pre_body(x_ref, wl_ref, wr_ref, b_ref, y_ref, z_ref):
    xb = x_ref[...]
    y = jnp.dot(xb, wl_ref[...], preferred_element_type=jnp.float32)
    y_ref[...] = y.astype(jnp.bfloat16).reshape(BM * D)
    z_ref[...] = (
        jnp.dot(xb, wr_ref[...], preferred_element_type=jnp.float32) + b_ref[...]
    )


def _tc_pre(x, wlT, wrT, b):
    return pl.pallas_call(
        _tc_pre_body,
        grid=(N // BM,),
        in_specs=[
            pl.BlockSpec((BM, D), lambda i: (i, 0)),
            pl.BlockSpec((D, D), lambda i: (0, 0)),
            pl.BlockSpec((D, D), lambda i: (0, 0)),
            pl.BlockSpec((1, D), lambda i: (0, 0)),
        ],
        out_specs=[
            pl.BlockSpec((BM * D,), lambda i: (i,)),
            pl.BlockSpec((BM, D), lambda i: (i, 0)),
        ],
        out_shape=[
            jax.ShapeDtypeStruct((N * D,), jnp.bfloat16),
            jax.ShapeDtypeStruct((N, D), jnp.float32),
        ],
    )(x, wlT, wrT, b)


def _mean(agg_a_ref, agg_b_ref, deg_a_ref, deg_b_ref, z_ref):
    deg = deg_a_ref[...] + deg_b_ref[...]
    rdeg = 1.0 / jnp.maximum(deg, 1.0)
    agg = agg_a_ref[...].astype(jnp.float32) + agg_b_ref[...].astype(jnp.float32)
    return agg * rdeg + z_ref[...]


def _mean_flat(agg_a_ref, agg_b_ref, deg_a_ref, deg_b_ref, z_ref):
    deg = deg_a_ref[...] + deg_b_ref[...]
    rdeg = 1.0 / jnp.maximum(deg, 1.0)
    agg = (
        agg_a_ref[...].reshape(BM, D).astype(jnp.float32)
        + agg_b_ref[...].reshape(BM, D).astype(jnp.float32)
    )
    return agg * rdeg + z_ref[...]


def _tc_mid_body(agg_a_ref, agg_b_ref, deg_a_ref, deg_b_ref, z_ref,
                 wl_ref, wr_ref, b_ref, y_ref, zo_ref):
    h = jnp.maximum(
        _mean_flat(agg_a_ref, agg_b_ref, deg_a_ref, deg_b_ref, z_ref), 0.0
    )
    y = jnp.dot(h, wl_ref[...], preferred_element_type=jnp.float32)
    y_ref[...] = y.astype(jnp.bfloat16).reshape(BM * D)
    zo_ref[...] = (
        jnp.dot(h, wr_ref[...], preferred_element_type=jnp.float32) + b_ref[...]
    )


def _tc_mid(agg_a, agg_b, deg_a, deg_b, z, wlT, wrT, b):
    return pl.pallas_call(
        _tc_mid_body,
        grid=(N // BM,),
        in_specs=[
            pl.BlockSpec((BM * D,), lambda i: (i,)),
            pl.BlockSpec((BM * D,), lambda i: (i,)),
            pl.BlockSpec((BM, 1), lambda i: (i, 0)),
            pl.BlockSpec((BM, 1), lambda i: (i, 0)),
            pl.BlockSpec((BM, D), lambda i: (i, 0)),
            pl.BlockSpec((D, D), lambda i: (0, 0)),
            pl.BlockSpec((D, D), lambda i: (0, 0)),
            pl.BlockSpec((1, D), lambda i: (0, 0)),
        ],
        out_specs=[
            pl.BlockSpec((BM * D,), lambda i: (i,)),
            pl.BlockSpec((BM, D), lambda i: (i, 0)),
        ],
        out_shape=[
            jax.ShapeDtypeStruct((N * D,), jnp.bfloat16),
            jax.ShapeDtypeStruct((N, D), jnp.float32),
        ],
    )(agg_a, agg_b, deg_a, deg_b, z, wlT, wrT, b)


def _tc_fin_body(agg_a_ref, agg_b_ref, deg_a_ref, deg_b_ref, z_ref, o_ref):
    o_ref[...] = _mean_flat(agg_a_ref, agg_b_ref, deg_a_ref, deg_b_ref, z_ref)


def _tc_fin(agg_a, agg_b, deg_a, deg_b, z):
    return pl.pallas_call(
        _tc_fin_body,
        grid=(N // BM,),
        in_specs=[
            pl.BlockSpec((BM * D,), lambda i: (i,)),
            pl.BlockSpec((BM * D,), lambda i: (i,)),
            pl.BlockSpec((BM, 1), lambda i: (i, 0)),
            pl.BlockSpec((BM, 1), lambda i: (i, 0)),
            pl.BlockSpec((BM, D), lambda i: (i, 0)),
        ],
        out_specs=pl.BlockSpec((BM, D), lambda i: (i, 0)),
        out_shape=jax.ShapeDtypeStruct((N, D), jnp.float32),
    )(agg_a, agg_b, deg_a, deg_b, z)


def kernel(x, edge_index, W0l, b0l, W0r, W1l, b1l, W1r, W2l, b2l, W2r):
    ei = edge_index.astype(jnp.int32)
    ei3 = ei.reshape(2, ECH, CHUNK)
    zeros = jnp.zeros((RPT, D), jnp.bfloat16)
    zdeg = jnp.zeros((DR, 16), jnp.float32)
    iota = jnp.arange(DR, dtype=jnp.int32)

    deg_parts = _sc_deg(ei, zdeg, iota)
    dp = deg_parts.reshape(NC, NP)
    deg_a = dp[0].reshape(NP, 1)
    deg_b = dp[1].reshape(NP, 1)

    y0, z0 = _tc_pre(x, W0l.T, W0r.T, b0l.reshape(1, D))
    a0a, a0b = _sc_agg(y0.reshape(N, D), ei3, zeros)

    y1, z1 = _tc_mid(a0a.reshape(NP * D), a0b.reshape(NP * D), deg_a, deg_b,
                     z0, W1l.T, W1r.T, b1l.reshape(1, D))
    a1a, a1b = _sc_agg(y1.reshape(N, D), ei3, zeros)

    y2, z2 = _tc_mid(a1a.reshape(NP * D), a1b.reshape(NP * D), deg_a, deg_b,
                     z1, W2l.T, W2r.T, b2l.reshape(1, D))
    a2a, a2b = _sc_agg(y2.reshape(N, D), ei3, zeros)

    return _tc_fin(a2a.reshape(NP * D), a2b.reshape(NP * D), deg_a, deg_b, z2)

# --- scband reference (transcript-rebuilt; emitter-appended) ---
"""Pipeline reference for scband-sage-8744553415267 (READ-ONLY COPY).

The authoritative reference and input builder live on the scoring server;
editing this copy changes nothing except your own understanding.
"""

import jax, jax.numpy as jnp
import numpy as np

N_NODES = 10000
N_EDGES = 320000
D_IN = 128
D_HID = 128
D_OUT = 128


def _glorot(key, shape):
    fan_in, fan_out = shape[1], shape[0]
    lim = np.sqrt(6.0 / (fan_in + fan_out))
    return jax.random.uniform(key, shape, dtype=jnp.float32, minval=-lim, maxval=lim)


def setup_inputs(seed: int = 0) -> dict:
    key = jax.random.key(seed)
    ks = jax.random.split(key, 12)
    x = jax.random.normal(ks[0], (N_NODES, D_IN), dtype=jnp.float32)
    edge_index = jax.random.randint(ks[1], (2, N_EDGES), 0, N_NODES, dtype=jnp.int64)
    dims = [(D_HID, D_IN), (D_HID, D_HID), (D_OUT, D_HID)]
    params = {}
    for i, (do, di) in enumerate(dims):
        params[f"W{i}l"] = _glorot(ks[2 + 3 * i], (do, di))
        params[f"b{i}l"] = jnp.zeros((do,), dtype=jnp.float32)
        params[f"W{i}r"] = _glorot(ks[3 + 3 * i], (do, di))
    return {"x": x, "edge_index": edge_index, **params}


def _sage_conv(x, src, dst, Wl, bl, Wr):
    msgs = jnp.take(x, src, axis=0)
    agg = jax.ops.segment_sum(msgs, dst, num_segments=N_NODES)
    deg = jax.ops.segment_sum(jnp.ones((src.shape[0],), dtype=x.dtype), dst, num_segments=N_NODES)
    mean = agg / jnp.clip(deg, 1.0, None)[:, None]
    return mean @ Wl.T + bl + x @ Wr.T


def reference(x, edge_index, W0l, b0l, W0r, W1l, b1l, W1r, W2l, b2l, W2r):
    src = edge_index[0]
    dst = edge_index[1]
    h = _sage_conv(x, src, dst, W0l, b0l, W0r)
    h = jax.nn.relu(h)
    # dropout is identity in eval mode (training=False)
    h = _sage_conv(h, src, dst, W1l, b1l, W1r)
    h = jax.nn.relu(h)
    h = _sage_conv(h, src, dst, W2l, b2l, W2r)
    return h

if __name__ == "__main__":
    import jax
    _d = setup_inputs()
    print(jax.jit(kernel)(*tuple(_d.values())))

</pallas_src>

<mosaic_0001>
#map = affine_map<(d0, d1) -> (0, 0)>
#map1 = affine_map<(d0, d1) -> (0, 0, 0)>
module attributes {stable_mosaic.version = 14 : i64} {
  func.func @body(%arg0: i32, %arg1: i32, %arg2: memref<10000x128xbf16, #tpu.memory_space<hbm>>, %arg3: memref<2x2560x125xi32, #tpu.memory_space<hbm>>, %arg4: memref<640x128xbf16, #tpu.memory_space<hbm>>, %arg5: memref<10240x128xbf16, #tpu.memory_space<hbm>>, %arg6: memref<10240x128xbf16, #tpu.memory_space<hbm>>, %arg7: memref<125x128xbf16, #tpu.memory_space<vmem>>, %arg8: memref<125x128xbf16, #tpu.memory_space<vmem>>, %arg9: memref<125x128xbf16, #tpu.memory_space<vmem>>, %arg10: memref<125x128xbf16, #tpu.memory_space<vmem>>, %arg11: memref<125x128xbf16, #tpu.memory_space<vmem>>, %arg12: memref<125x128xbf16, #tpu.memory_space<vmem>>, %arg13: memref<125x128xbf16, #tpu.memory_space<vmem>>, %arg14: memref<125x128xbf16, #tpu.memory_space<vmem>>, %arg15: memref<2x80x125xi32, #tpu.memory_space<vmem>>, %arg16: memref<10240x128xbf16, #tpu.memory_space<vmem_shared>>, %arg17: memref<!tpu.dma_semaphore, #tpu.memory_space<semaphore_mem>>, %arg18: memref<!tpu.dma_semaphore, #tpu.memory_space<semaphore_mem>>, %arg19: memref<!tpu.dma_semaphore, #tpu.memory_space<semaphore_mem>>, %arg20: memref<!tpu.dma_semaphore, #tpu.memory_space<semaphore_mem>>, %arg21: memref<!tpu.dma_semaphore, #tpu.memory_space<semaphore_mem>>, %arg22: memref<!tpu.dma_semaphore, #tpu.memory_space<semaphore_mem>>, %arg23: memref<!tpu.dma_semaphore, #tpu.memory_space<semaphore_mem>>, %arg24: memref<!tpu.dma_semaphore, #tpu.memory_space<semaphore_mem>>, %arg25: memref<!tpu.dma_semaphore, #tpu.memory_space<semaphore_mem>>, %arg26: memref<!tpu.dma_semaphore, #tpu.memory_space<semaphore_mem>>, %arg27: memref<!tpu.dma_semaphore, #tpu.memory_space<semaphore_mem>>, %arg28: memref<!tpu.dma_semaphore, #tpu.memory_space<semaphore_mem>>, %arg29: memref<!tpu.dma_semaphore, #tpu.memory_space<semaphore_mem>>, %arg30: memref<!tpu.dma_semaphore, #tpu.memory_space<semaphore_mem>>, %arg31: memref<!tpu.dma_semaphore, #tpu.memory_space<semaphore_mem>>, %arg32: memref<!tpu.dma_semaphore, #tpu.memory_space<semaphore_mem>>) attributes {dimension_semantics = [#tpu.dimension_semantics<core_parallel>, #tpu.dimension_semantics<subcore_parallel>], iteration_bounds = array<i64: 2, 16>, scalar_prefetch = 0 : i64, scratch_operands = 26 : i64, tpu.core_type = #tpu.core_type<sc_vector_subcore>, window_params = [{transform_indices = #map}, {transform_indices = #map1}, {transform_indices = #map}, {transform_indices = #map}, {transform_indices = #map}]} {
    %mul3A = arith.constant 2 : i32
    %mul3A_0 = arith.muli %arg1, %mul3A : i32
    %add3A = arith.addi %mul3A_0, %arg0 : i32
    %mul3A_1 = arith.constant 80 : i32
    %mul3A_2 = arith.muli %add3A, %mul3A_1 : i32
    %run_scoped3A = arith.constant 0 : i32
    %run_scoped3A_3 = arith.constant 0 : i32
    "tpu.region"() ({
      %run_scoped3A_24 = tpu.sem_alloc : memref<!tpu.dma_semaphore, #tpu.memory_space<semaphore_mem>>
      %dma_start3A = arith.constant 0 : i32
      %dma_start3A_25 = arith.constant 0 : i32
      %dma_start3A_26 = tpu.memref_slice %arg15[%run_scoped3A_3, %dma_start3A, %dma_start3A_25] : memref<2x80x125xi32, #tpu.memory_space<vmem>> -> memref<1x80x125xi32, #tpu.memory_space<vmem>>
      %dma_start3A_27 = tpu.memref_squeeze %dma_start3A_26 : memref<1x80x125xi32, #tpu.memory_space<vmem>> -> memref<80x125xi32, #tpu.memory_space<vmem>>
      %dma_start3A_28 = arith.constant 0 : i32
      %dma_start3A_29 = tpu.memref_slice %arg3[%run_scoped3A, %mul3A_2, %dma_start3A_28] : memref<2x2560x125xi32, #tpu.memory_space<hbm>> -> memref<1x80x125xi32, #tpu.memory_space<hbm>>
      %dma_start3A_30 = tpu.memref_squeeze %dma_start3A_29 : memref<1x80x125xi32, #tpu.memory_space<hbm>> -> memref<80x125xi32, #tpu.memory_space<hbm>>
      %dma_start3A_31 = arith.constant 0 : i32
      %dma_start3A_32 = arith.constant 0 : i32
      %dma_start3A_33 = tpu.memref_slice %arg15[%run_scoped3A_3, %dma_start3A_31, %dma_start3A_32] : memref<2x80x125xi32, #tpu.memory_space<vmem>> -> memref<1x80x125xi32, #tpu.memory_space<vmem>>
      %dma_start3A_34 = tpu.memref_squeeze %dma_start3A_33 : memref<1x80x125xi32, #tpu.memory_space<vmem>> -> memref<80x125xi32, #tpu.memory_space<vmem>>
      %dma_start3A_35 = arith.constant 0 : i32
      %dma_start3A_36 = tpu.memref_slice %arg3[%run_scoped3A, %mul3A_2, %dma_start3A_35] : memref<2x2560x125xi32, #tpu.memory_space<hbm>> -> memref<1x80x125xi32, #tpu.memory_space<hbm>>
      %dma_start3A_37 = tpu.memref_squeeze %dma_start3A_36 : memref<1x80x125xi32, #tpu.memory_space<hbm>> -> memref<80x125xi32, #tpu.memory_space<hbm>>
      tpu.enqueue_dma source(%dma_start3A_37 : memref<80x125xi32, #tpu.memory_space<hbm>>) target(%dma_start3A_34 : memref<80x125xi32, #tpu.memory_space<vmem>>) target_semaphore(%run_scoped3A_24 : memref<!tpu.dma_semaphore, #tpu.memory_space<semaphore_mem>>)
      %dma_wait3A = arith.constant 0 : i32
      %dma_wait3A_38 = arith.constant 0 : i32
      %dma_wait3A_39 = tpu.memref_slice %arg15[%run_scoped3A_3, %dma_wait3A, %dma_wait3A_38] : memref<2x80x125xi32, #tpu.memory_space<vmem>> -> memref<1x80x125xi32, #tpu.memory_space<vmem>>
      %dma_wait3A_40 = tpu.memref_squeeze %dma_wait3A_39 : memref<1x80x125xi32, #tpu.memory_space<vmem>> -> memref<80x125xi32, #tpu.memory_space<vmem>>
      %dma_wait3A_41 = arith.constant 0 : i32
      %dma_wait3A_42 = tpu.memref_slice %arg3[%run_scoped3A, %mul3A_2, %dma_wait3A_41] : memref<2x2560x125xi32, #tpu.memory_space<hbm>> -> memref<1x80x125xi32, #tpu.memory_space<hbm>>
      %dma_wait3A_43 = tpu.memref_squeeze %dma_wait3A_42 : memref<1x80x125xi32, #tpu.memory_space<hbm>> -> memref<80x125xi32, #tpu.memory_space<hbm>>
      %dma_wait3A_44 = arith.constant 0 : i32
      %dma_wait3A_45 = arith.constant 0 : i32
      %dma_wait3A_46 = tpu.memref_slice %arg15[%run_scoped3A_3, %dma_wait3A_44, %dma_wait3A_45] : memref<2x80x125xi32, #tpu.memory_space<vmem>> -> memref<1x80x125xi32, #tpu.memory_space<vmem>>
      %dma_wait3A_47 = tpu.memref_squeeze %dma_wait3A_46 : memref<1x80x125xi32, #tpu.memory_space<vmem>> -> memref<80x125xi32, #tpu.memory_space<vmem>>
      %dma_wait3A_48 = arith.constant 0 : i32
      %dma_wait3A_49 = tpu.memref_slice %arg3[%run_scoped3A, %mul3A_2, %dma_wait3A_48] : memref<2x2560x125xi32, #tpu.memory_space<hbm>> -> memref<1x80x125xi32, #tpu.memory_space<hbm>>
      %dma_wait3A_50 = tpu.memref_squeeze %dma_wait3A_49 : memref<1x80x125xi32, #tpu.memory_space<hbm>> -> memref<80x125xi32, #tpu.memory_space<hbm>>
      tpu.wait_dma2 semaphore(%run_scoped3A_24 : memref<!tpu.dma_semaphore, #tpu.memory_space<semaphore_mem>>) src(%dma_wait3A_50 : memref<80x125xi32, #tpu.memory_space<hbm>>) dst(%dma_wait3A_47 : memref<80x125xi32, #tpu.memory_space<vmem>>)
      tpu.yield
    }) : () -> ()
    %mul3A_4 = arith.constant 80 : i32
    %mul3A_5 = arith.muli %add3A, %mul3A_4 : i32
    %run_scoped3A_6 = arith.constant 1 : i32
    %run_scoped3A_7 = arith.constant 1 : i32
    "tpu.region"() ({
      %run_scoped3A_24 = tpu.sem_alloc : memref<!tpu.dma_semaphore, #tpu.memory_space<semaphore_mem>>
      %dma_start3A = arith.constant 0 : i32
      %dma_start3A_25 = arith.constant 0 : i32
      %dma_start3A_26 = tpu.memref_slice %arg15[%run_scoped3A_7, %dma_start3A, %dma_start3A_25] : memref<2x80x125xi32, #tpu.memory_space<vmem>> -> memref<1x80x125xi32, #tpu.memory_space<vmem>>
      %dma_start3A_27 = tpu.memref_squeeze %dma_start3A_26 : memref<1x80x125xi32, #tpu.memory_space<vmem>> -> memref<80x125xi32, #tpu.memory_space<vmem>>
      %dma_start3A_28 = arith.constant 0 : i32
      %dma_start3A_29 = tpu.memref_slice %arg3[%run_scoped3A_6, %mul3A_5, %dma_start3A_28] : memref<2x2560x125xi32, #tpu.memory_space<hbm>> -> memref<1x80x125xi32, #tpu.memory_space<hbm>>
      %dma_start3A_30 = tpu.memref_squeeze %dma_start3A_29 : memref<1x80x125xi32, #tpu.memory_space<hbm>> -> memref<80x125xi32, #tpu.memory_space<hbm>>
      %dma_start3A_31 = arith.constant 0 : i32
      %dma_start3A_32 = arith.constant 0 : i32
      %dma_start3A_33 = tpu.memref_slice %arg15[%run_scoped3A_7, %dma_start3A_31, %dma_start3A_32] : memref<2x80x125xi32, #tpu.memory_space<vmem>> -> memref<1x80x125xi32, #tpu.memory_space<vmem>>
      %dma_start3A_34 = tpu.memref_squeeze %dma_start3A_33 : memref<1x80x125xi32, #tpu.memory_space<vmem>> -> memref<80x125xi32, #tpu.memory_space<vmem>>
      %dma_start3A_35 = arith.constant 0 : i32
      %dma_start3A_36 = tpu.memref_slice %arg3[%run_scoped3A_6, %mul3A_5, %dma_start3A_35] : memref<2x2560x125xi32, #tpu.memory_space<hbm>> -> memref<1x80x125xi32, #tpu.memory_space<hbm>>
      %dma_start3A_37 = tpu.memref_squeeze %dma_start3A_36 : memref<1x80x125xi32, #tpu.memory_space<hbm>> -> memref<80x125xi32, #tpu.memory_space<hbm>>
      tpu.enqueue_dma source(%dma_start3A_37 : memref<80x125xi32, #tpu.memory_space<hbm>>) target(%dma_start3A_34 : memref<80x125xi32, #tpu.memory_space<vmem>>) target_semaphore(%run_scoped3A_24 : memref<!tpu.dma_semaphore, #tpu.memory_space<semaphore_mem>>)
      %dma_wait3A = arith.constant 0 : i32
      %dma_wait3A_38 = arith.constant 0 : i32
      %dma_wait3A_39 = tpu.memref_slice %arg15[%run_scoped3A_7, %dma_wait3A, %dma_wait3A_38] : memref<2x80x125xi32, #tpu.memory_space<vmem>> -> memref<1x80x125xi32, #tpu.memory_space<vmem>>
      %dma_wait3A_40 = tpu.memref_squeeze %dma_wait3A_39 : memref<1x80x125xi32, #tpu.memory_space<vmem>> -> memref<80x125xi32, #tpu.memory_space<vmem>>
      %dma_wait3A_41 = arith.constant 0 : i32
      %dma_wait3A_42 = tpu.memref_slice %arg3[%run_scoped3A_6, %mul3A_5, %dma_wait3A_41] : memref<2x2560x125xi32, #tpu.memory_space<hbm>> -> memref<1x80x125xi32, #tpu.memory_space<hbm>>
      %dma_wait3A_43 = tpu.memref_squeeze %dma_wait3A_42 : memref<1x80x125xi32, #tpu.memory_space<hbm>> -> memref<80x125xi32, #tpu.memory_space<hbm>>
      %dma_wait3A_44 = arith.constant 0 : i32
      %dma_wait3A_45 = arith.constant 0 : i32
      %dma_wait3A_46 = tpu.memref_slice %arg15[%run_scoped3A_7, %dma_wait3A_44, %dma_wait3A_45] : memref<2x80x125xi32, #tpu.memory_space<vmem>> -> memref<1x80x125xi32, #tpu.memory_space<vmem>>
      %dma_wait3A_47 = tpu.memref_squeeze %dma_wait3A_46 : memref<1x80x125xi32, #tpu.memory_space<vmem>> -> memref<80x125xi32, #tpu.memory_space<vmem>>
      %dma_wait3A_48 = arith.constant 0 : i32
      %dma_wait3A_49 = tpu.memref_slice %arg3[%run_scoped3A_6, %mul3A_5, %dma_wait3A_48] : memref<2x2560x125xi32, #tpu.memory_space<hbm>> -> memref<1x80x125xi32, #tpu.memory_space<hbm>>
      %dma_wait3A_50 = tpu.memref_squeeze %dma_wait3A_49 : memref<1x80x125xi32, #tpu.memory_space<hbm>> -> memref<80x125xi32, #tpu.memory_space<hbm>>
      tpu.wait_dma2 semaphore(%run_scoped3A_24 : memref<!tpu.dma_semaphore, #tpu.memory_space<semaphore_mem>>) src(%dma_wait3A_50 : memref<80x125xi32, #tpu.memory_space<hbm>>) dst(%dma_wait3A_47 : memref<80x125xi32, #tpu.memory_space<vmem>>)
      tpu.yield
    }) : () -> ()
    %mul3A_8 = arith.constant 640 : i32
    %mul3A_9 = arith.muli %arg1, %mul3A_8 : i32
    "tpu.region"() ({
      %run_scoped3A_24 = tpu.sem_alloc : memref<!tpu.dma_semaphore, #tpu.memory_space<semaphore_mem>>
      %dma_start3A = arith.constant 0 : i32
      %dma_start3A_25 = tpu.memref_slice %arg16[%mul3A_9, %dma_start3A] : memref<10240x128xbf16, #tpu.memory_space<vmem_shared>> -> memref<640x128xbf16, #tpu.memory_space<vmem_shared>>
      tpu.enqueue_dma source(%arg4 : memref<640x128xbf16, #tpu.memory_space<hbm>>) target(%dma_start3A_25 : memref<640x128xbf16, #tpu.memory_space<vmem_shared>>) target_semaphore(%run_scoped3A_24 : memref<!tpu.dma_semaphore, #tpu.memory_space<semaphore_mem>>)
      %dma_wait3A = arith.constant 0 : i32
      %dma_wait3A_26 = tpu.memref_slice %arg16[%mul3A_9, %dma_wait3A] : memref<10240x128xbf16, #tpu.memory_space<vmem_shared>> -> memref<640x128xbf16, #tpu.memory_space<vmem_shared>>
      tpu.wait_dma2 semaphore(%run_scoped3A_24 : memref<!tpu.dma_semaphore, #tpu.memory_space<semaphore_mem>>) src(%arg4 : memref<640x128xbf16, #tpu.memory_space<hbm>>) dst(%dma_wait3A_26 : memref<640x128xbf16, #tpu.memory_space<vmem_shared>>)
      tpu.yield
    }) : () -> ()
    %barrier3A = arith.constant 0 : index
    tpu.barrier barrier_id(%barrier3A)
    %scan3A = arith.constant 0 : i32
    %scan3A_10 = arith.constant 0 : i32
    %scan3A_11 = arith.constant 11 : i32
    %scan3A_12 = arith.addi %scan3A_10, %scan3A_11 : i32
    %scan3A_13 = arith.constant 1 : i32
    %scan3A_14 = scf.for %scan3A_24 = %scan3A_10 to %scan3A_12 step %scan3A_13 iter_args(%scan3A_25 = %scan3A) -> (i32)  : i32 {
      %mul3A_26 = arith.constant 8 : i32
      %mul3A_27 = arith.muli %mul3A_26, %scan3A_24 : i32
      %add3A_28 = arith.constant 0 : i32
      %add3A_29 = arith.addi %mul3A_27, %add3A_28 : i32
      %ge3A = arith.constant 8 : i32
      %ge3A_30 = arith.cmpi sge, %add3A_29, %ge3A : i32
      %le3A = arith.constant 87 : i32
      %le3A_31 = arith.cmpi sle, %add3A_29, %le3A : i32
      %and3A = arith.andi %ge3A_30, %le3A_31 : i1
      %convert_element_type3A_32 = arith.extui %and3A : i1 to i32
      %cond3A_33 = arith.constant 0 : i32
      %cond3A_34 = arith.cmpi ne, %convert_element_type3A_32, %cond3A_33 : i32
      scf.if %cond3A_34 {
        %sub3A = arith.constant 8 : i32
        %sub3A_210 = arith.subi %add3A_29, %sub3A : i32
        %dma_wait3A = arith.constant 1 : i32
        %dma_wait3A_211 = arith.constant 0 : i32
        %dma_wait3A_212 = tpu.memref_slice %arg15[%dma_wait3A, %sub3A_210, %dma_wait3A_211] : memref<2x80x125xi32, #tpu.memory_space<vmem>> -> memref<1x1x125xi32, #tpu.memory_space<vmem>>
        %dma_wait3A_213 = tpu.memref_squeeze %dma_wait3A_212 : memref<1x1x125xi32, #tpu.memory_space<vmem>> -> memref<125xi32, #tpu.memory_space<vmem>>
        %dma_wait3A_214 = arith.constant 0 : i32
        %dma_wait3A_215 = arith.constant 0 : i32
        %dma_wait3A_216 = tpu.memref_slice %arg16[%dma_wait3A_214, %dma_wait3A_215] : memref<10240x128xbf16, #tpu.memory_space<vmem_shared>> -> memref<10240x128xbf16, #tpu.memory_space<vmem_shared>>
        tpu.wait_indirect_dma semaphore(%arg25 : memref<!tpu.dma_semaphore, #tpu.memory_space<semaphore_mem>>) src(%arg7 : memref<125x128xbf16, #tpu.memory_space<vmem>>) dst(%dma_wait3A_216 : memref<10240x128xbf16, #tpu.memory_space<vmem_shared>>)
      } else {
      }
      %le3A_35 = arith.constant 79 : i32
      %le3A_36 = arith.cmpi sle, %add3A_29, %le3A_35 : i32
      %convert_element_type3A_37 = arith.extui %le3A_36 : i1 to i32
      %cond3A_38 = arith.constant 0 : i32
      %cond3A_39 = arith.cmpi ne, %convert_element_type3A_37, %cond3A_38 : i32
      scf.if %cond3A_39 {
        %dma_start3A = arith.constant 0 : i32
        %dma_start3A_210 = arith.constant 0 : i32
        %dma_start3A_211 = tpu.memref_slice %arg15[%dma_start3A, %add3A_29, %dma_start3A_210] : memref<2x80x125xi32, #tpu.memory_space<vmem>> -> memref<1x1x125xi32, #tpu.memory_space<vmem>>
        %dma_start3A_212 = tpu.memref_squeeze %dma_start3A_211 : memref<1x1x125xi32, #tpu.memory_space<vmem>> -> memref<125xi32, #tpu.memory_space<vmem>>
        %dma_start3A_213 = arith.constant 0 : i32
        %dma_start3A_214 = arith.constant 0 : i32
        %dma_start3A_215 = tpu.memref_slice %arg2[%dma_start3A_213, %dma_start3A_214] : memref<10000x128xbf16, #tpu.memory_space<hbm>> -> memref<10000x128xbf16, #tpu.memory_space<hbm>>
        tpu.enqueue_indirect_dma source(%dma_start3A_215 : memref<10000x128xbf16, #tpu.memory_space<hbm>>) target(%arg7 : memref<125x128xbf16, #tpu.memory_space<vmem>>) offsets(%dma_start3A_212 : memref<125xi32, #tpu.memory_space<vmem>>) semaphore(%arg17 : memref<!tpu.dma_semaphore, #tpu.memory_space<semaphore_mem>>)
      } else {
      }
      %ge3A_40 = arith.constant 1 : i32
      %ge3A_41 = arith.cmpi sge, %add3A_29, %ge3A_40 : i32
      %le3A_42 = arith.constant 80 : i32
      %le3A_43 = arith.cmpi sle, %add3A_29, %le3A_42 : i32
      %and3A_44 = arith.andi %ge3A_41, %le3A_43 : i1
      %convert_element_type3A_45 = arith.extui %and3A_44 : i1 to i32
      %cond3A_46 = arith.constant 0 : i32
      %cond3A_47 = arith.cmpi ne, %convert_element_type3A_45, %cond3A_46 : i32
      scf.if %cond3A_47 {
        %sub3A = arith.constant 1 : i32
        %sub3A_210 = arith.subi %add3A_29, %sub3A : i32
        %dma_wait3A = arith.constant 0 : i32
        %dma_wait3A_211 = arith.constant 0 : i32
        %dma_wait3A_212 = tpu.memref_slice %arg15[%dma_wait3A, %sub3A_210, %dma_wait3A_211] : memref<2x80x125xi32, #tpu.memory_space<vmem>> -> memref<1x1x125xi32, #tpu.memory_space<vmem>>
        %dma_wait3A_213 = tpu.memref_squeeze %dma_wait3A_212 : memref<1x1x125xi32, #tpu.memory_space<vmem>> -> memref<125xi32, #tpu.memory_space<vmem>>
        %dma_wait3A_214 = arith.constant 0 : i32
        %dma_wait3A_215 = arith.constant 0 : i32
        %dma_wait3A_216 = tpu.memref_slice %arg2[%dma_wait3A_214, %dma_wait3A_215] : memref<10000x128xbf16, #tpu.memory_space<hbm>> -> memref<10000x128xbf16, #tpu.memory_space<hbm>>
        tpu.wait_indirect_dma semaphore(%arg24 : memref<!tpu.dma_semaphore, #tpu.memory_space<semaphore_mem>>) src(%dma_wait3A_216 : memref<10000x128xbf16, #tpu.memory_space<hbm>>) dst(%arg14 : memref<125x128xbf16, #tpu.memory_space<vmem>>)
        %sub3A_217 = arith.constant 1 : i32
        %sub3A_218 = arith.subi %add3A_29, %sub3A_217 : i32
        %dma_start3A = arith.constant 1 : i32
        %dma_start3A_219 = arith.constant 0 : i32
        %dma_start3A_220 = tpu.memref_slice %arg15[%dma_start3A, %sub3A_218, %dma_start3A_219] : memref<2x80x125xi32, #tpu.memory_space<vmem>> -> memref<1x1x125xi32, #tpu.memory_space<vmem>>
        %dma_start3A_221 = tpu.memref_squeeze %dma_start3A_220 : memref<1x1x125xi32, #tpu.memory_space<vmem>> -> memref<125xi32, #tpu.memory_space<vmem>>
        %dma_start3A_222 = arith.constant 0 : i32
        %dma_start3A_223 = arith.constant 0 : i32
        %dma_start3A_224 = tpu.memref_slice %arg16[%dma_start3A_222, %dma_start3A_223] : memref<10240x128xbf16, #tpu.memory_space<vmem_shared>> -> memref<10240x128xbf16, #tpu.memory_space<vmem_shared>>
        tpu.enqueue_indirect_dma source(%arg14 : memref<125x128xbf16, #tpu.memory_space<vmem>>) target(%dma_start3A_224 : memref<10240x128xbf16, #tpu.memory_space<vmem_shared>>) offsets(%dma_start3A_221 : memref<125xi32, #tpu.memory_space<vmem>>) semaphore(%arg32 : memref<!tpu.dma_semaphore, #tpu.memory_space<semaphore_mem>>) {add = true}
      } else {
      }
      %add3A_48 = arith.constant 1 : i32
      %add3A_49 = arith.addi %mul3A_27, %add3A_48 : i32
      %ge3A_50 = arith.constant 8 : i32
      %ge3A_51 = arith.cmpi sge, %add3A_49, %ge3A_50 : i32
      %le3A_52 = arith.constant 87 : i32
      %le3A_53 = arith.cmpi sle, %add3A_49, %le3A_52 : i32
      %and3A_54 = arith.andi %ge3A_51, %le3A_53 : i1
      %convert_element_type3A_55 = arith.extui %and3A_54 : i1 to i32
      %cond3A_56 = arith.constant 0 : i32
      %cond3A_57 = arith.cmpi ne, %convert_element_type3A_55, %cond3A_56 : i32
      scf.if %cond3A_57 {
        %sub3A = arith.constant 8 : i32
        %sub3A_210 = arith.subi %add3A_49, %sub3A : i32
        %dma_wait3A = arith.constant 1 : i32
        %dma_wait3A_211 = arith.constant 0 : i32
        %dma_wait3A_212 = tpu.memref_slice %arg15[%dma_wait3A, %sub3A_210, %dma_wait3A_211] : memref<2x80x125xi32, #tpu.memory_space<vmem>> -> memref<1x1x125xi32, #tpu.memory_space<vmem>>
        %dma_wait3A_213 = tpu.memref_squeeze %dma_wait3A_212 : memref<1x1x125xi32, #tpu.memory_space<vmem>> -> memref<125xi32, #tpu.memory_space<vmem>>
        %dma_wait3A_214 = arith.constant 0 : i32
        %dma_wait3A_215 = arith.constant 0 : i32
        %dma_wait3A_216 = tpu.memref_slice %arg16[%dma_wait3A_214, %dma_wait3A_215] : memref<10240x128xbf16, #tpu.memory_space<vmem_shared>> -> memref<10240x128xbf16, #tpu.memory_space<vmem_shared>>
        tpu.wait_indirect_dma semaphore(%arg26 : memref<!tpu.dma_semaphore, #tpu.memory_space<semaphore_mem>>) src(%arg8 : memref<125x128xbf16, #tpu.memory_space<vmem>>) dst(%dma_wait3A_216 : memref<10240x128xbf16, #tpu.memory_space<vmem_shared>>)
      } else {
      }
      %le3A_58 = arith.constant 79 : i32
      %le3A_59 = arith.cmpi sle, %add3A_49, %le3A_58 : i32
      %convert_element_type3A_60 = arith.extui %le3A_59 : i1 to i32
      %cond3A_61 = arith.constant 0 : i32
      %cond3A_62 = arith.cmpi ne, %convert_element_type3A_60, %cond3A_61 : i32
      scf.if %cond3A_62 {
        %dma_start3A = arith.constant 0 : i32
        %dma_start3A_210 = arith.constant 0 : i32
        %dma_start3A_211 = tpu.memref_slice %arg15[%dma_start3A, %add3A_49, %dma_start3A_210] : memref<2x80x125xi32, #tpu.memory_space<vmem>> -> memref<1x1x125xi32, #tpu.memory_space<vmem>>
        %dma_start3A_212 = tpu.memref_squeeze %dma_start3A_211 : memref<1x1x125xi32, #tpu.memory_space<vmem>> -> memref<125xi32, #tpu.memory_space<vmem>>
        %dma_start3A_213 = arith.constant 0 : i32
        %dma_start3A_214 = arith.constant 0 : i32
        %dma_start3A_215 = tpu.memref_slice %arg2[%dma_start3A_213, %dma_start3A_214] : memref<10000x128xbf16, #tpu.memory_space<hbm>> -> memref<10000x128xbf16, #tpu.memory_space<hbm>>
        tpu.enqueue_indirect_dma source(%dma_start3A_215 : memref<10000x128xbf16, #tpu.memory_space<hbm>>) target(%arg8 : memref<125x128xbf16, #tpu.memory_space<vmem>>) offsets(%dma_start3A_212 : memref<125xi32, #tpu.memory_space<vmem>>) semaphore(%arg18 : memref<!tpu.dma_semaphore, #tpu.memory_space<semaphore_mem>>)
      } else {
      }
      %ge3A_63 = arith.constant 1 : i32
      %ge3A_64 = arith.cmpi sge, %add3A_49, %ge3A_63 : i32
      %le3A_65 = arith.constant 80 : i32
      %le3A_66 = arith.cmpi sle, %add3A_49, %le3A_65 : i32
      %and3A_67 = arith.andi %ge3A_64, %le3A_66 : i1
      %convert_element_type3A_68 = arith.extui %and3A_67 : i1 to i32
      %cond3A_69 = arith.constant 0 : i32
      %cond3A_70 = arith.cmpi ne, %convert_element_type3A_68, %cond3A_69 : i32
      scf.if %cond3A_70 {
        %sub3A = arith.constant 1 : i32
        %sub3A_210 = arith.subi %add3A_49, %sub3A : i32
        %dma_wait3A = arith.constant 0 : i32
        %dma_wait3A_211 = arith.constant 0 : i32
        %dma_wait3A_212 = tpu.memref_slice %arg15[%dma_wait3A, %sub3A_210, %dma_wait3A_211] : memref<2x80x125xi32, #tpu.memory_space<vmem>> -> memref<1x1x125xi32, #tpu.memory_space<vmem>>
        %dma_wait3A_213 = tpu.memref_squeeze %dma_wait3A_212 : memref<1x1x125xi32, #tpu.memory_space<vmem>> -> memref<125xi32, #tpu.memory_space<vmem>>
        %dma_wait3A_214 = arith.constant 0 : i32
        %dma_wait3A_215 = arith.constant 0 : i32
        %dma_wait3A_216 = tpu.memref_slice %arg2[%dma_wait3A_214, %dma_wait3A_215] : memref<10000x128xbf16, #tpu.memory_space<hbm>> -> memref<10000x128xbf16, #tpu.memory_space<hbm>>
        tpu.wait_indirect_dma semaphore(%arg17 : memref<!tpu.dma_semaphore, #tpu.memory_space<semaphore_mem>>) src(%dma_wait3A_216 : memref<10000x128xbf16, #tpu.memory_space<hbm>>) dst(%arg7 : memref<125x128xbf16, #tpu.memory_space<vmem>>)
        %sub3A_217 = arith.constant 1 : i32
        %sub3A_218 = arith.subi %add3A_49, %sub3A_217 : i32
        %dma_start3A = arith.constant 1 : i32
        %dma_start3A_219 = arith.constant 0 : i32
        %dma_start3A_220 = tpu.memref_slice %arg15[%dma_start3A, %sub3A_218, %dma_start3A_219] : memref<2x80x125xi32, #tpu.memory_space<vmem>> -> memref<1x1x125xi32, #tpu.memory_space<vmem>>
        %dma_start3A_221 = tpu.memref_squeeze %dma_start3A_220 : memref<1x1x125xi32, #tpu.memory_space<vmem>> -> memref<125xi32, #tpu.memory_space<vmem>>
        %dma_start3A_222 = arith.constant 0 : i32
        %dma_start3A_223 = arith.constant 0 : i32
        %dma_start3A_224 = tpu.memref_slice %arg16[%dma_start3A_222, %dma_start3A_223] : memref<10240x128xbf16, #tpu.memory_space<vmem_shared>> -> memref<10240x128xbf16, #tpu.memory_space<vmem_shared>>
        tpu.enqueue_indirect_dma source(%arg7 : memref<125x128xbf16, #tpu.memory_space<vmem>>) target(%dma_start3A_224 : memref<10240x128xbf16, #tpu.memory_space<vmem_shared>>) offsets(%dma_start3A_221 : memref<125xi32, #tpu.memory_space<vmem>>) semaphore(%arg25 : memref<!tpu.dma_semaphore, #tpu.memory_space<semaphore_mem>>) {add = true}
      } else {
      }
      %add3A_71 = arith.constant 2 : i32
      %add3A_72 = arith.addi %mul3A_27, %add3A_71 : i32
      %ge3A_73 = arith.constant 8 : i32
      %ge3A_74 = arith.cmpi sge, %add3A_72, %ge3A_73 : i32
      %le3A_75 = arith.constant 87 : i32
      %le3A_76 = arith.cmpi sle, %add3A_72, %le3A_75 : i32
      %and3A_77 = arith.andi %ge3A_74, %le3A_76 : i1
      %convert_element_type3A_78 = arith.extui %and3A_77 : i1 to i32
      %cond3A_79 = arith.constant 0 : i32
      %cond3A_80 = arith.cmpi ne, %convert_element_type3A_78, %cond3A_79 : i32
      scf.if %cond3A_80 {
        %sub3A = arith.constant 8 : i32
        %sub3A_210 = arith.subi %add3A_72, %sub3A : i32
        %dma_wait3A = arith.constant 1 : i32
        %dma_wait3A_211 = arith.constant 0 : i32
        %dma_wait3A_212 = tpu.memref_slice %arg15[%dma_wait3A, %sub3A_210, %dma_wait3A_211] : memref<2x80x125xi32, #tpu.memory_space<vmem>> -> memref<1x1x125xi32, #tpu.memory_space<vmem>>
        %dma_wait3A_213 = tpu.memref_squeeze %dma_wait3A_212 : memref<1x1x125xi32, #tpu.memory_space<vmem>> -> memref<125xi32, #tpu.memory_space<vmem>>
        %dma_wait3A_214 = arith.constant 0 : i32
        %dma_wait3A_215 = arith.constant 0 : i32
        %dma_wait3A_216 = tpu.memref_slice %arg16[%dma_wait3A_214, %dma_wait3A_215] : memref<10240x128xbf16, #tpu.memory_space<vmem_shared>> -> memref<10240x128xbf16, #tpu.memory_space<vmem_shared>>
        tpu.wait_indirect_dma semaphore(%arg27 : memref<!tpu.dma_semaphore, #tpu.memory_space<semaphore_mem>>) src(%arg9 : memref<125x128xbf16, #tpu.memory_space<vmem>>) dst(%dma_wait3A_216 : memref<10240x128xbf16, #tpu.memory_space<vmem_shared>>)
      } else {
      }
      %le3A_81 = arith.constant 79 : i32
      %le3A_82 = arith.cmpi sle, %add3A_72, %le3A_81 : i32
      %convert_element_type3A_83 = arith.extui %le3A_82 : i1 to i32
      %cond3A_84 = arith.constant 0 : i32
      %cond3A_85 = arith.cmpi ne, %convert_element_type3A_83, %cond3A_84 : i32
      scf.if %cond3A_85 {
        %dma_start3A = arith.constant 0 : i32
        %dma_start3A_210 = arith.constant 0 : i32
        %dma_start3A_211 = tpu.memref_slice %arg15[%dma_start3A, %add3A_72, %dma_start3A_210] : memref<2x80x125xi32, #tpu.memory_space<vmem>> -> memref<1x1x125xi32, #tpu.memory_space<vmem>>
        %dma_start3A_212 = tpu.memref_squeeze %dma_start3A_211 : memref<1x1x125xi32, #tpu.memory_space<vmem>> -> memref<125xi32, #tpu.memory_space<vmem>>
        %dma_start3A_213 = arith.constant 0 : i32
        %dma_start3A_214 = arith.constant 0 : i32
        %dma_start3A_215 = tpu.memref_slice %arg2[%dma_start3A_213, %dma_start3A_214] : memref<10000x128xbf16, #tpu.memory_space<hbm>> -> memref<10000x128xbf16, #tpu.memory_space<hbm>>
        tpu.enqueue_indirect_dma source(%dma_start3A_215 : memref<10000x128xbf16, #tpu.memory_space<hbm>>) target(%arg9 : memref<125x128xbf16, #tpu.memory_space<vmem>>) offsets(%dma_start3A_212 : memref<125xi32, #tpu.memory_space<vmem>>) semaphore(%arg19 : memref<!tpu.dma_semaphore, #tpu.memory_space<semaphore_mem>>)
      } else {
      }
      %ge3A_86 = arith.constant 1 : i32
      %ge3A_87 = arith.cmpi sge, %add3A_72, %ge3A_86 : i32
      %le3A_88 = arith.constant 80 : i32
      %le3A_89 = arith.cmpi sle, %add3A_72, %le3A_88 : i32
      %and3A_90 = arith.andi %ge3A_87, %le3A_89 : i1
      %convert_element_type3A_91 = arith.extui %and3A_90 : i1 to i32
      %cond3A_92 = arith.constant 0 : i32
      %cond3A_93 = arith.cmpi ne, %convert_element_type3A_91, %cond3A_92 : i32
      scf.if %cond3A_93 {
        %sub3A = arith.constant 1 : i32
        %sub3A_210 = arith.subi %add3A_72, %sub3A : i32
        %dma_wait3A = arith.constant 0 : i32
        %dma_wait3A_211 = arith.constant 0 : i32
        %dma_wait3A_212 = tpu.memref_slice %arg15[%dma_wait3A, %sub3A_210, %dma_wait3A_211] : memref<2x80x125xi32, #tpu.memory_space<vmem>> -> memref<1x1x125xi32, #tpu.memory_space<vmem>>
        %dma_wait3A_213 = tpu.memref_squeeze %dma_wait3A_212 : memref<1x1x125xi32, #tpu.memory_space<vmem>> -> memref<125xi32, #tpu.memory_space<vmem>>
        %dma_wait3A_214 = arith.constant 0 : i32
        %dma_wait3A_215 = arith.constant 0 : i32
        %dma_wait3A_216 = tpu.memref_slice %arg2[%dma_wait3A_214, %dma_wait3A_215] : memref<10000x128xbf16, #tpu.memory_space<hbm>> -> memref<10000x128xbf16, #tpu.memory_space<hbm>>
        tpu.wait_indirect_dma semaphore(%arg18 : memref<!tpu.dma_semaphore, #tpu.memory_space<semaphore_mem>>) src(%dma_wait3A_216 : memref<10000x128xbf16, #tpu.memory_space<hbm>>) dst(%arg8 : memref<125x128xbf16, #tpu.memory_space<vmem>>)
        %sub3A_217 = arith.constant 1 : i32
        %sub3A_218 = arith.subi %add3A_72, %sub3A_217 : i32
        %dma_start3A = arith.constant 1 : i32
        %dma_start3A_219 = arith.constant 0 : i32
        %dma_start3A_220 = tpu.memref_slice %arg15[%dma_start3A, %sub3A_218, %dma_start3A_219] : memref<2x80x125xi32, #tpu.memory_space<vmem>> -> memref<1x1x125xi32, #tpu.memory_space<vmem>>
        %dma_start3A_221 = tpu.memref_squeeze %dma_start3A_220 : memref<1x1x125xi32, #tpu.memory_space<vmem>> -> memref<125xi32, #tpu.memory_space<vmem>>
        %dma_start3A_222 = arith.constant 0 : i32
        %dma_start3A_223 = arith.constant 0 : i32
        %dma_start3A_224 = tpu.memref_slice %arg16[%dma_start3A_222, %dma_start3A_223] : memref<10240x128xbf16, #tpu.memory_space<vmem_shared>> -> memref<10240x128xbf16, #tpu.memory_space<vmem_shared>>
        tpu.enqueue_indirect_dma source(%arg8 : memref<125x128xbf16, #tpu.memory_space<vmem>>) target(%dma_start3A_224 : memref<10240x128xbf16, #tpu.memory_space<vmem_shared>>) offsets(%dma_start3A_221 : memref<125xi32, #tpu.memory_space<vmem>>) semaphore(%arg26 : memref<!tpu.dma_semaphore, #tpu.memory_space<semaphore_mem>>) {add = true}
      } else {
      }
      %add3A_94 = arith.constant 3 : i32
      %add3A_95 = arith.addi %mul3A_27, %add3A_94 : i32
      %ge3A_96 = arith.constant 8 : i32
      %ge3A_97 = arith.cmpi sge, %add3A_95, %ge3A_96 : i32
      %le3A_98 = arith.constant 87 : i32
      %le3A_99 = arith.cmpi sle, %add3A_95, %le3A_98 : i32
      %and3A_100 = arith.andi %ge3A_97, %le3A_99 : i1
      %convert_element_type3A_101 = arith.extui %and3A_100 : i1 to i32
      %cond3A_102 = arith.constant 0 : i32
      %cond3A_103 = arith.cmpi ne, %convert_element_type3A_101, %cond3A_102 : i32
      scf.if %cond3A_103 {
        %sub3A = arith.constant 8 : i32
        %sub3A_210 = arith.subi %add3A_95, %sub3A : i32
        %dma_wait3A = arith.constant 1 : i32
        %dma_wait3A_211 = arith.constant 0 : i32
        %dma_wait3A_212 = tpu.memref_slice %arg15[%dma_wait3A, %sub3A_210, %dma_wait3A_211] : memref<2x80x125xi32, #tpu.memory_space<vmem>> -> memref<1x1x125xi32, #tpu.memory_space<vmem>>
        %dma_wait3A_213 = tpu.memref_squeeze %dma_wait3A_212 : memref<1x1x125xi32, #tpu.memory_space<vmem>> -> memref<125xi32, #tpu.memory_space<vmem>>
        %dma_wait3A_214 = arith.constant 0 : i32
        %dma_wait3A_215 = arith.constant 0 : i32
        %dma_wait3A_216 = tpu.memref_slice %arg16[%dma_wait3A_214, %dma_wait3A_215] : memref<10240x128xbf16, #tpu.memory_space<vmem_shared>> -> memref<10240x128xbf16, #tpu.memory_space<vmem_shared>>
        tpu.wait_indirect_dma semaphore(%arg28 : memref<!tpu.dma_semaphore, #tpu.memory_space<semaphore_mem>>) src(%arg10 : memref<125x128xbf16, #tpu.memory_space<vmem>>) dst(%dma_wait3A_216 : memref<10240x128xbf16, #tpu.memory_space<vmem_shared>>)
      } else {
      }
      %le3A_104 = arith.constant 79 : i32
      %le3A_105 = arith.cmpi sle, %add3A_95, %le3A_104 : i32
      %convert_element_type3A_106 = arith.extui %le3A_105 : i1 to i32
      %cond3A_107 = arith.constant 0 : i32
      %cond3A_108 = arith.cmpi ne, %convert_element_type3A_106, %cond3A_107 : i32
      scf.if %cond3A_108 {
        %dma_start3A = arith.constant 0 : i32
        %dma_start3A_210 = arith.constant 0 : i32
        %dma_start3A_211 = tpu.memref_slice %arg15[%dma_start3A, %add3A_95, %dma_start3A_210] : memref<2x80x125xi32, #tpu.memory_space<vmem>> -> memref<1x1x125xi32, #tpu.memory_space<vmem>>
        %dma_start3A_212 = tpu.memref_squeeze %dma_start3A_211 : memref<1x1x125xi32, #tpu.memory_space<vmem>> -> memref<125xi32, #tpu.memory_space<vmem>>
        %dma_start3A_213 = arith.constant 0 : i32
        %dma_start3A_214 = arith.constant 0 : i32
        %dma_start3A_215 = tpu.memref_slice %arg2[%dma_start3A_213, %dma_start3A_214] : memref<10000x128xbf16, #tpu.memory_space<hbm>> -> memref<10000x128xbf16, #tpu.memory_space<hbm>>
        tpu.enqueue_indirect_dma source(%dma_start3A_215 : memref<10000x128xbf16, #tpu.memory_space<hbm>>) target(%arg10 : memref<125x128xbf16, #tpu.memory_space<vmem>>) offsets(%dma_start3A_212 : memref<125xi32, #tpu.memory_space<vmem>>) semaphore(%arg20 : memref<!tpu.dma_semaphore, #tpu.memory_space<semaphore_mem>>)
      } else {
      }
      %ge3A_109 = arith.constant 1 : i32
      %ge3A_110 = arith.cmpi sge, %add3A_95, %ge3A_109 : i32
      %le3A_111 = arith.constant 80 : i32
      %le3A_112 = arith.cmpi sle, %add3A_95, %le3A_111 : i32
      %and3A_113 = arith.andi %ge3A_110, %le3A_112 : i1
      %convert_element_type3A_114 = arith.extui %and3A_113 : i1 to i32
      %cond3A_115 = arith.constant 0 : i32
      %cond3A_116 = arith.cmpi ne, %convert_element_type3A_114, %cond3A_115 : i32
      scf.if %cond3A_116 {
        %sub3A = arith.constant 1 : i32
        %sub3A_210 = arith.subi %add3A_95, %sub3A : i32
        %dma_wait3A = arith.constant 0 : i32
        %dma_wait3A_211 = arith.constant 0 : i32
        %dma_wait3A_212 = tpu.memref_slice %arg15[%dma_wait3A, %sub3A_210, %dma_wait3A_211] : memref<2x80x125xi32, #tpu.memory_space<vmem>> -> memref<1x1x125xi32, #tpu.memory_space<vmem>>
        %dma_wait3A_213 = tpu.memref_squeeze %dma_wait3A_212 : memref<1x1x125xi32, #tpu.memory_space<vmem>> -> memref<125xi32, #tpu.memory_space<vmem>>
        %dma_wait3A_214 = arith.constant 0 : i32
        %dma_wait3A_215 = arith.constant 0 : i32
        %dma_wait3A_216 = tpu.memref_slice %arg2[%dma_wait3A_214, %dma_wait3A_215] : memref<10000x128xbf16, #tpu.memory_space<hbm>> -> memref<10000x128xbf16, #tpu.memory_space<hbm>>
        tpu.wait_indirect_dma semaphore(%arg19 : memref<!tpu.dma_semaphore, #tpu.memory_space<semaphore_mem>>) src(%dma_wait3A_216 : memref<10000x128xbf16, #tpu.memory_space<hbm>>) dst(%arg9 : memref<125x128xbf16, #tpu.memory_space<vmem>>)
        %sub3A_217 = arith.constant 1 : i32
        %sub3A_218 = arith.subi %add3A_95, %sub3A_217 : i32
        %dma_start3A = arith.constant 1 : i32
        %dma_start3A_219 = arith.constant 0 : i32
        %dma_start3A_220 = tpu.memref_slice %arg15[%dma_start3A, %sub3A_218, %dma_start3A_219] : memref<2x80x125xi32, #tpu.memory_space<vmem>> -> memref<1x1x125xi32, #tpu.memory_space<vmem>>
        %dma_start3A_221 = tpu.memref_squeeze %dma_start3A_220 : memref<1x1x125xi32, #tpu.memory_space<vmem>> -> memref<125xi32, #tpu.memory_space<vmem>>
        %dma_start3A_222 = arith.constant 0 : i32
        %dma_start3A_223 = arith.constant 0 : i32
        %dma_start3A_224 = tpu.memref_slice %arg16[%dma_start3A_222, %dma_start3A_223] : memref<10240x128xbf16, #tpu.memory_space<vmem_shared>> -> memref<10240x128xbf16, #tpu.memory_space<vmem_shared>>
        tpu.enqueue_indirect_dma source(%arg9 : memref<125x128xbf16, #tpu.memory_space<vmem>>) target(%dma_start3A_224 : memref<10240x128xbf16, #tpu.memory_space<vmem_shared>>) offsets(%dma_start3A_221 : memref<125xi32, #tpu.memory_space<vmem>>) semaphore(%arg27 : memref<!tpu.dma_semaphore, #tpu.memory_space<semaphore_mem>>) {add = true}
      } else {
      }
      %add3A_117 = arith.constant 4 : i32
      %add3A_118 = arith.addi %mul3A_27, %add3A_117 : i32
      %ge3A_119 = arith.constant 8 : i32
      %ge3A_120 = arith.cmpi sge, %add3A_118, %ge3A_119 : i32
      %le3A_121 = arith.constant 87 : i32
      %le3A_122 = arith.cmpi sle, %add3A_118, %le3A_121 : i32
      %and3A_123 = arith.andi %ge3A_120, %le3A_122 : i1
      %convert_element_type3A_124 = arith.extui %and3A_123 : i1 to i32
      %cond3A_125 = arith.constant 0 : i32
      %cond3A_126 = arith.cmpi ne, %convert_element_type3A_124, %cond3A_125 : i32
      scf.if %cond3A_126 {
        %sub3A = arith.constant 8 : i32
        %sub3A_210 = arith.subi %add3A_118, %sub3A : i32
        %dma_wait3A = arith.constant 1 : i32
        %dma_wait3A_211 = arith.constant 0 : i32
        %dma_wait3A_212 = tpu.memref_slice %arg15[%dma_wait3A, %sub3A_210, %dma_wait3A_211] : memref<2x80x125xi32, #tpu.memory_space<vmem>> -> memref<1x1x125xi32, #tpu.memory_space<vmem>>
        %dma_wait3A_213 = tpu.memref_squeeze %dma_wait3A_212 : memref<1x1x125xi32, #tpu.memory_space<vmem>> -> memref<125xi32, #tpu.memory_space<vmem>>
        %dma_wait3A_214 = arith.constant 0 : i32
        %dma_wait3A_215 = arith.constant 0 : i32
        %dma_wait3A_216 = tpu.memref_slice %arg16[%dma_wait3A_214, %dma_wait3A_215] : memref<10240x128xbf16, #tpu.memory_space<vmem_shared>> -> memref<10240x128xbf16, #tpu.memory_space<vmem_shared>>
        tpu.wait_indirect_dma semaphore(%arg29 : memref<!tpu.dma_semaphore, #tpu.memory_space<semaphore_mem>>) src(%arg11 : memref<125x128xbf16, #tpu.memory_space<vmem>>) dst(%dma_wait3A_216 : memref<10240x128xbf16, #tpu.memory_space<vmem_shared>>)
      } else {
      }
      %le3A_127 = arith.constant 79 : i32
      %le3A_128 = arith.cmpi sle, %add3A_118, %le3A_127 : i32
      %convert_element_type3A_129 = arith.extui %le3A_128 : i1 to i32
      %cond3A_130 = arith.constant 0 : i32
      %cond3A_131 = arith.cmpi ne, %convert_element_type3A_129, %cond3A_130 : i32
      scf.if %cond3A_131 {
        %dma_start3A = arith.constant 0 : i32
        %dma_start3A_210 = arith.constant 0 : i32
        %dma_start3A_211 = tpu.memref_slice %arg15[%dma_start3A, %add3A_118, %dma_start3A_210] : memref<2x80x125xi32, #tpu.memory_space<vmem>> -> memref<1x1x125xi32, #tpu.memory_space<vmem>>
        %dma_start3A_212 = tpu.memref_squeeze %dma_start3A_211 : memref<1x1x125xi32, #tpu.memory_space<vmem>> -> memref<125xi32, #tpu.memory_space<vmem>>
        %dma_start3A_213 = arith.constant 0 : i32
        %dma_start3A_214 = arith.constant 0 : i32
        %dma_start3A_215 = tpu.memref_slice %arg2[%dma_start3A_213, %dma_start3A_214] : memref<10000x128xbf16, #tpu.memory_space<hbm>> -> memref<10000x128xbf16, #tpu.memory_space<hbm>>
        tpu.enqueue_indirect_dma source(%dma_start3A_215 : memref<10000x128xbf16, #tpu.memory_space<hbm>>) target(%arg11 : memref<125x128xbf16, #tpu.memory_space<vmem>>) offsets(%dma_start3A_212 : memref<125xi32, #tpu.memory_space<vmem>>) semaphore(%arg21 : memref<!tpu.dma_semaphore, #tpu.memory_space<semaphore_mem>>)
      } else {
      }
      %ge3A_132 = arith.constant 1 : i32
      %ge3A_133 = arith.cmpi sge, %add3A_118, %ge3A_132 : i32
      %le3A_134 = arith.constant 80 : i32
      %le3A_135 = arith.cmpi sle, %add3A_118, %le3A_134 : i32
      %and3A_136 = arith.andi %ge3A_133, %le3A_135 : i1
      %convert_element_type3A_137 = arith.extui %and3A_136 : i1 to i32
      %cond3A_138 = arith.constant 0 : i32
      %cond3A_139 = arith.cmpi ne, %convert_element_type3A_137, %cond3A_138 : i32
      scf.if %cond3A_139 {
        %sub3A = arith.constant 1 : i32
        %sub3A_210 = arith.subi %add3A_118, %sub3A : i32
        %dma_wait3A = arith.constant 0 : i32
        %dma_wait3A_211 = arith.constant 0 : i32
        %dma_wait3A_212 = tpu.memref_slice %arg15[%dma_wait3A, %sub3A_210, %dma_wait3A_211] : memref<2x80x125xi32, #tpu.memory_space<vmem>> -> memref<1x1x125xi32, #tpu.memory_space<vmem>>
        %dma_wait3A_213 = tpu.memref_squeeze %dma_wait3A_212 : memref<1x1x125xi32, #tpu.memory_space<vmem>> -> memref<125xi32, #tpu.memory_space<vmem>>
        %dma_wait3A_214 = arith.constant 0 : i32
        %dma_wait3A_215 = arith.constant 0 : i32
        %dma_wait3A_216 = tpu.memref_slice %arg2[%dma_wait3A_214, %dma_wait3A_215] : memref<10000x128xbf16, #tpu.memory_space<hbm>> -> memref<10000x128xbf16, #tpu.memory_space<hbm>>
        tpu.wait_indirect_dma semaphore(%arg20 : memref<!tpu.dma_semaphore, #tpu.memory_space<semaphore_mem>>) src(%dma_wait3A_216 : memref<10000x128xbf16, #tpu.memory_space<hbm>>) dst(%arg10 : memref<125x128xbf16, #tpu.memory_space<vmem>>)
        %sub3A_217 = arith.constant 1 : i32
        %sub3A_218 = arith.subi %add3A_118, %sub3A_217 : i32
        %dma_start3A = arith.constant 1 : i32
        %dma_start3A_219 = arith.constant 0 : i32
        %dma_start3A_220 = tpu.memref_slice %arg15[%dma_start3A, %sub3A_218, %dma_start3A_219] : memref<2x80x125xi32, #tpu.memory_space<vmem>> -> memref<1x1x125xi32, #tpu.memory_space<vmem>>
        %dma_start3A_221 = tpu.memref_squeeze %dma_start3A_220 : memref<1x1x125xi32, #tpu.memory_space<vmem>> -> memref<125xi32, #tpu.memory_space<vmem>>
        %dma_start3A_222 = arith.constant 0 : i32
        %dma_start3A_223 = arith.constant 0 : i32
        %dma_start3A_224 = tpu.memref_slice %arg16[%dma_start3A_222, %dma_start3A_223] : memref<10240x128xbf16, #tpu.memory_space<vmem_shared>> -> memref<10240x128xbf16, #tpu.memory_space<vmem_shared>>
        tpu.enqueue_indirect_dma source(%arg10 : memref<125x128xbf16, #tpu.memory_space<vmem>>) target(%dma_start3A_224 : memref<10240x128xbf16, #tpu.memory_space<vmem_shared>>) offsets(%dma_start3A_221 : memref<125xi32, #tpu.memory_space<vmem>>) semaphore(%arg28 : memref<!tpu.dma_semaphore, #tpu.memory_space<semaphore_mem>>) {add = true}
      } else {
      }
      %add3A_140 = arith.constant 5 : i32
      %add3A_141 = arith.addi %mul3A_27, %add3A_140 : i32
      %ge3A_142 = arith.constant 8 : i32
      %ge3A_143 = arith.cmpi sge, %add3A_141, %ge3A_142 : i32
      %le3A_144 = arith.constant 87 : i32
      %le3A_145 = arith.cmpi sle, %add3A_141, %le3A_144 : i32
      %and3A_146 = arith.andi %ge3A_143, %le3A_145 : i1
      %convert_element_type3A_147 = arith.extui %and3A_146 : i1 to i32
      %cond3A_148 = arith.constant 0 : i32
      %cond3A_149 = arith.cmpi ne, %convert_element_type3A_147, %cond3A_148 : i32
      scf.if %cond3A_149 {
        %sub3A = arith.constant 8 : i32
        %sub3A_210 = arith.subi %add3A_141, %sub3A : i32
        %dma_wait3A = arith.constant 1 : i32
        %dma_wait3A_211 = arith.constant 0 : i32
        %dma_wait3A_212 = tpu.memref_slice %arg15[%dma_wait3A, %sub3A_210, %dma_wait3A_211] : memref<2x80x125xi32, #tpu.memory_space<vmem>> -> memref<1x1x125xi32, #tpu.memory_space<vmem>>
        %dma_wait3A_213 = tpu.memref_squeeze %dma_wait3A_212 : memref<1x1x125xi32, #tpu.memory_space<vmem>> -> memref<125xi32, #tpu.memory_space<vmem>>
        %dma_wait3A_214 = arith.constant 0 : i32
        %dma_wait3A_215 = arith.constant 0 : i32
        %dma_wait3A_216 = tpu.memref_slice %arg16[%dma_wait3A_214, %dma_wait3A_215] : memref<10240x128xbf16, #tpu.memory_space<vmem_shared>> -> memref<10240x128xbf16, #tpu.memory_space<vmem_shared>>
        tpu.wait_indirect_dma semaphore(%arg30 : memref<!tpu.dma_semaphore, #tpu.memory_space<semaphore_mem>>) src(%arg12 : memref<125x128xbf16, #tpu.memory_space<vmem>>) dst(%dma_wait3A_216 : memref<10240x128xbf16, #tpu.memory_space<vmem_shared>>)
      } else {
      }
      %le3A_150 = arith.constant 79 : i32
      %le3A_151 = arith.cmpi sle, %add3A_141, %le3A_150 : i32
      %convert_element_type3A_152 = arith.extui %le3A_151 : i1 to i32
      %cond3A_153 = arith.constant 0 : i32
      %cond3A_154 = arith.cmpi ne, %convert_element_type3A_152, %cond3A_153 : i32
      scf.if %cond3A_154 {
        %dma_start3A = arith.constant 0 : i32
        %dma_start3A_210 = arith.constant 0 : i32
        %dma_start3A_211 = tpu.memref_slice %arg15[%dma_start3A, %add3A_141, %dma_start3A_210] : memref<2x80x125xi32, #tpu.memory_space<vmem>> -> memref<1x1x125xi32, #tpu.memory_space<vmem>>
        %dma_start3A_212 = tpu.memref_squeeze %dma_start3A_211 : memref<1x1x125xi32, #tpu.memory_space<vmem>> -> memref<125xi32, #tpu.memory_space<vmem>>
        %dma_start3A_213 = arith.constant 0 : i32
        %dma_start3A_214 = arith.constant 0 : i32
        %dma_start3A_215 = tpu.memref_slice %arg2[%dma_start3A_213, %dma_start3A_214] : memref<10000x128xbf16, #tpu.memory_space<hbm>> -> memref<10000x128xbf16, #tpu.memory_space<hbm>>
        tpu.enqueue_indirect_dma source(%dma_start3A_215 : memref<10000x128xbf16, #tpu.memory_space<hbm>>) target(%arg12 : memref<125x128xbf16, #tpu.memory_space<vmem>>) offsets(%dma_start3A_212 : memref<125xi32, #tpu.memory_space<vmem>>) semaphore(%arg22 : memref<!tpu.dma_semaphore, #tpu.memory_space<semaphore_mem>>)
      } else {
      }
      %ge3A_155 = arith.constant 1 : i32
      %ge3A_156 = arith.cmpi sge, %add3A_141, %ge3A_155 : i32
      %le3A_157 = arith.constant 80 : i32
      %le3A_158 = arith.cmpi sle, %add3A_141, %le3A_157 : i32
      %and3A_159 = arith.andi %ge3A_156, %le3A_158 : i1
      %convert_element_type3A_160 = arith.extui %and3A_159 : i1 to i32
      %cond3A_161 = arith.constant 0 : i32
      %cond3A_162 = arith.cmpi ne, %convert_element_type3A_160, %cond3A_161 : i32
      scf.if %cond3A_162 {
        %sub3A = arith.constant 1 : i32
        %sub3A_210 = arith.subi %add3A_141, %sub3A : i32
        %dma_wait3A = arith.constant 0 : i32
        %dma_wait3A_211 = arith.constant 0 : i32
        %dma_wait3A_212 = tpu.memref_slice %arg15[%dma_wait3A, %sub3A_210, %dma_wait3A_211] : memref<2x80x125xi32, #tpu.memory_space<vmem>> -> memref<1x1x125xi32, #tpu.memory_space<vmem>>
        %dma_wait3A_213 = tpu.memref_squeeze %dma_wait3A_212 : memref<1x1x125xi32, #tpu.memory_space<vmem>> -> memref<125xi32, #tpu.memory_space<vmem>>
        %dma_wait3A_214 = arith.constant 0 : i32
        %dma_wait3A_215 = arith.constant 0 : i32
        %dma_wait3A_216 = tpu.memref_slice %arg2[%dma_wait3A_214, %dma_wait3A_215] : memref<10000x128xbf16, #tpu.memory_space<hbm>> -> memref<10000x128xbf16, #tpu.memory_space<hbm>>
        tpu.wait_indirect_dma semaphore(%arg21 : memref<!tpu.dma_semaphore, #tpu.memory_space<semaphore_mem>>) src(%dma_wait3A_216 : memref<10000x128xbf16, #tpu.memory_space<hbm>>) dst(%arg11 : memref<125x128xbf16, #tpu.memory_space<vmem>>)
        %sub3A_217 = arith.constant 1 : i32
        %sub3A_218 = arith.subi %add3A_141, %sub3A_217 : i32
        %dma_start3A = arith.constant 1 : i32
        %dma_start3A_219 = arith.constant 0 : i32
        %dma_start3A_220 = tpu.memref_slice %arg15[%dma_start3A, %sub3A_218, %dma_start3A_219] : memref<2x80x125xi32, #tpu.memory_space<vmem>> -> memref<1x1x125xi32, #tpu.memory_space<vmem>>
        %dma_start3A_221 = tpu.memref_squeeze %dma_start3A_220 : memref<1x1x125xi32, #tpu.memory_space<vmem>> -> memref<125xi32, #tpu.memory_space<vmem>>
        %dma_start3A_222 = arith.constant 0 : i32
        %dma_start3A_223 = arith.constant 0 : i32
        %dma_start3A_224 = tpu.memref_slice %arg16[%dma_start3A_222, %dma_start3A_223] : memref<10240x128xbf16, #tpu.memory_space<vmem_shared>> -> memref<10240x128xbf16, #tpu.memory_space<vmem_shared>>
        tpu.enqueue_indirect_dma source(%arg11 : memref<125x128xbf16, #tpu.memory_space<vmem>>) target(%dma_start3A_224 : memref<10240x128xbf16, #tpu.memory_space<vmem_shared>>) offsets(%dma_start3A_221 : memref<125xi32, #tpu.memory_space<vmem>>) semaphore(%arg29 : memref<!tpu.dma_semaphore, #tpu.memory_space<semaphore_mem>>) {add = true}
      } else {
      }
      %add3A_163 = arith.constant 6 : i32
      %add3A_164 = arith.addi %mul3A_27, %add3A_163 : i32
      %ge3A_165 = arith.constant 8 : i32
      %ge3A_166 = arith.cmpi sge, %add3A_164, %ge3A_165 : i32
      %le3A_167 = arith.constant 87 : i32
      %le3A_168 = arith.cmpi sle, %add3A_164, %le3A_167 : i32
      %and3A_169 = arith.andi %ge3A_166, %le3A_168 : i1
      %convert_element_type3A_170 = arith.extui %and3A_169 : i1 to i32
      %cond3A_171 = arith.constant 0 : i32
      %cond3A_172 = arith.cmpi ne, %convert_element_type3A_170, %cond3A_171 : i32
      scf.if %cond3A_172 {
        %sub3A = arith.constant 8 : i32
        %sub3A_210 = arith.subi %add3A_164, %sub3A : i32
        %dma_wait3A = arith.constant 1 : i32
        %dma_wait3A_211 = arith.constant 0 : i32
        %dma_wait3A_212 = tpu.memref_slice %arg15[%dma_wait3A, %sub3A_210, %dma_wait3A_211] : memref<2x80x125xi32, #tpu.memory_space<vmem>> -> memref<1x1x125xi32, #tpu.memory_space<vmem>>
        %dma_wait3A_213 = tpu.memref_squeeze %dma_wait3A_212 : memref<1x1x125xi32, #tpu.memory_space<vmem>> -> memref<125xi32, #tpu.memory_space<vmem>>
        %dma_wait3A_214 = arith.constant 0 : i32
        %dma_wait3A_215 = arith.constant 0 : i32
        %dma_wait3A_216 = tpu.memref_slice %arg16[%dma_wait3A_214, %dma_wait3A_215] : memref<10240x128xbf16, #tpu.memory_space<vmem_shared>> -> memref<10240x128xbf16, #tpu.memory_space<vmem_shared>>
        tpu.wait_indirect_dma semaphore(%arg31 : memref<!tpu.dma_semaphore, #tpu.memory_space<semaphore_mem>>) src(%arg13 : memref<125x128xbf16, #tpu.memory_space<vmem>>) dst(%dma_wait3A_216 : memref<10240x128xbf16, #tpu.memory_space<vmem_shared>>)
      } else {
      }
      %le3A_173 = arith.constant 79 : i32
      %le3A_174 = arith.cmpi sle, %add3A_164, %le3A_173 : i32
      %convert_element_type3A_175 = arith.extui %le3A_174 : i1 to i32
      %cond3A_176 = arith.constant 0 : i32
      %cond3A_177 = arith.cmpi ne, %convert_element_type3A_175, %cond3A_176 : i32
      scf.if %cond3A_177 {
        %dma_start3A = arith.constant 0 : i32
        %dma_start3A_210 = arith.constant 0 : i32
        %dma_start3A_211 = tpu.memref_slice %arg15[%dma_start3A, %add3A_164, %dma_start3A_210] : memref<2x80x125xi32, #tpu.memory_space<vmem>> -> memref<1x1x125xi32, #tpu.memory_space<vmem>>
        %dma_start3A_212 = tpu.memref_squeeze %dma_start3A_211 : memref<1x1x125xi32, #tpu.memory_space<vmem>> -> memref<125xi32, #tpu.memory_space<vmem>>
        %dma_start3A_213 = arith.constant 0 : i32
        %dma_start3A_214 = arith.constant 0 : i32
        %dma_start3A_215 = tpu.memref_slice %arg2[%dma_start3A_213, %dma_start3A_214] : memref<10000x128xbf16, #tpu.memory_space<hbm>> -> memref<10000x128xbf16, #tpu.memory_space<hbm>>
        tpu.enqueue_indirect_dma source(%dma_start3A_215 : memref<10000x128xbf16, #tpu.memory_space<hbm>>) target(%arg13 : memref<125x128xbf16, #tpu.memory_space<vmem>>) offsets(%dma_start3A_212 : memref<125xi32, #tpu.memory_space<vmem>>) semaphore(%arg23 : memref<!tpu.dma_semaphore, #tpu.memory_space<semaphore_mem>>)
      } else {
      }
      %ge3A_178 = arith.constant 1 : i32
      %ge3A_179 = arith.cmpi sge, %add3A_164, %ge3A_178 : i32
      %le3A_180 = arith.constant 80 : i32
      %le3A_181 = arith.cmpi sle, %add3A_164, %le3A_180 : i32
      %and3A_182 = arith.andi %ge3A_179, %le3A_181 : i1
      %convert_element_type3A_183 = arith.extui %and3A_182 : i1 to i32
      %cond3A_184 = arith.constant 0 : i32
      %cond3A_185 = arith.cmpi ne, %convert_element_type3A_183, %cond3A_184 : i32
      scf.if %cond3A_185 {
        %sub3A = arith.constant 1 : i32
        %sub3A_210 = arith.subi %add3A_164, %sub3A : i32
        %dma_wait3A = arith.constant 0 : i32
        %dma_wait3A_211 = arith.constant 0 : i32
        %dma_wait3A_212 = tpu.memref_slice %arg15[%dma_wait3A, %sub3A_210, %dma_wait3A_211] : memref<2x80x125xi32, #tpu.memory_space<vmem>> -> memref<1x1x125xi32, #tpu.memory_space<vmem>>
        %dma_wait3A_213 = tpu.memref_squeeze %dma_wait3A_212 : memref<1x1x125xi32, #tpu.memory_space<vmem>> -> memref<125xi32, #tpu.memory_space<vmem>>
        %dma_wait3A_214 = arith.constant 0 : i32
        %dma_wait3A_215 = arith.constant 0 : i32
        %dma_wait3A_216 = tpu.memref_slice %arg2[%dma_wait3A_214, %dma_wait3A_215] : memref<10000x128xbf16, #tpu.memory_space<hbm>> -> memref<10000x128xbf16, #tpu.memory_space<hbm>>
        tpu.wait_indirect_dma semaphore(%arg22 : memref<!tpu.dma_semaphore, #tpu.memory_space<semaphore_mem>>) src(%dma_wait3A_216 : memref<10000x128xbf16, #tpu.memory_space<hbm>>) dst(%arg12 : memref<125x128xbf16, #tpu.memory_space<vmem>>)
        %sub3A_217 = arith.constant 1 : i32
        %sub3A_218 = arith.subi %add3A_164, %sub3A_217 : i32
        %dma_start3A = arith.constant 1 : i32
        %dma_start3A_219 = arith.constant 0 : i32
        %dma_start3A_220 = tpu.memref_slice %arg15[%dma_start3A, %sub3A_218, %dma_start3A_219] : memref<2x80x125xi32, #tpu.memory_space<vmem>> -> memref<1x1x125xi32, #tpu.memory_space<vmem>>
        %dma_start3A_221 = tpu.memref_squeeze %dma_start3A_220 : memref<1x1x125xi32, #tpu.memory_space<vmem>> -> memref<125xi32, #tpu.memory_space<vmem>>
        %dma_start3A_222 = arith.constant 0 : i32
        %dma_start3A_223 = arith.constant 0 : i32
        %dma_start3A_224 = tpu.memref_slice %arg16[%dma_start3A_222, %dma_start3A_223] : memref<10240x128xbf16, #tpu.memory_space<vmem_shared>> -> memref<10240x128xbf16, #tpu.memory_space<vmem_shared>>
        tpu.enqueue_indirect_dma source(%arg12 : memref<125x128xbf16, #tpu.memory_space<vmem>>) target(%dma_start3A_224 : memref<10240x128xbf16, #tpu.memory_space<vmem_shared>>) offsets(%dma_start3A_221 : memref<125xi32, #tpu.memory_space<vmem>>) semaphore(%arg30 : memref<!tpu.dma_semaphore, #tpu.memory_space<semaphore_mem>>) {add = true}
      } else {
      }
      %add3A_186 = arith.constant 7 : i32
      %add3A_187 = arith.addi %mul3A_27, %add3A_186 : i32
      %ge3A_188 = arith.constant 8 : i32
      %ge3A_189 = arith.cmpi sge, %add3A_187, %ge3A_188 : i32
      %le3A_190 = arith.constant 87 : i32
      %le3A_191 = arith.cmpi sle, %add3A_187, %le3A_190 : i32
      %and3A_192 = arith.andi %ge3A_189, %le3A_191 : i1
      %convert_element_type3A_193 = arith.extui %and3A_192 : i1 to i32
      %cond3A_194 = arith.constant 0 : i32
      %cond3A_195 = arith.cmpi ne, %convert_element_type3A_193, %cond3A_194 : i32
      scf.if %cond3A_195 {
        %sub3A = arith.constant 8 : i32
        %sub3A_210 = arith.subi %add3A_187, %sub3A : i32
        %dma_wait3A = arith.constant 1 : i32
        %dma_wait3A_211 = arith.constant 0 : i32
        %dma_wait3A_212 = tpu.memref_slice %arg15[%dma_wait3A, %sub3A_210, %dma_wait3A_211] : memref<2x80x125xi32, #tpu.memory_space<vmem>> -> memref<1x1x125xi32, #tpu.memory_space<vmem>>
        %dma_wait3A_213 = tpu.memref_squeeze %dma_wait3A_212 : memref<1x1x125xi32, #tpu.memory_space<vmem>> -> memref<125xi32, #tpu.memory_space<vmem>>
        %dma_wait3A_214 = arith.constant 0 : i32
        %dma_wait3A_215 = arith.constant 0 : i32
        %dma_wait3A_216 = tpu.memref_slice %arg16[%dma_wait3A_214, %dma_wait3A_215] : memref<10240x128xbf16, #tpu.memory_space<vmem_shared>> -> memref<10240x128xbf16, #tpu.memory_space<vmem_shared>>
        tpu.wait_indirect_dma semaphore(%arg32 : memref<!tpu.dma_semaphore, #tpu.memory_space<semaphore_mem>>) src(%arg14 : memref<125x128xbf16, #tpu.memory_space<vmem>>) dst(%dma_wait3A_216 : memref<10240x128xbf16, #tpu.memory_space<vmem_shared>>)
      } else {
      }
      %le3A_196 = arith.constant 79 : i32
      %le3A_197 = arith.cmpi sle, %add3A_187, %le3A_196 : i32
      %convert_element_type3A_198 = arith.extui %le3A_197 : i1 to i32
      %cond3A_199 = arith.constant 0 : i32
      %cond3A_200 = arith.cmpi ne, %convert_element_type3A_198, %cond3A_199 : i32
      scf.if %cond3A_200 {
        %dma_start3A = arith.constant 0 : i32
        %dma_start3A_210 = arith.constant 0 : i32
        %dma_start3A_211 = tpu.memref_slice %arg15[%dma_start3A, %add3A_187, %dma_start3A_210] : memref<2x80x125xi32, #tpu.memory_space<vmem>> -> memref<1x1x125xi32, #tpu.memory_space<vmem>>
        %dma_start3A_212 = tpu.memref_squeeze %dma_start3A_211 : memref<1x1x125xi32, #tpu.memory_space<vmem>> -> memref<125xi32, #tpu.memory_space<vmem>>
        %dma_start3A_213 = arith.constant 0 : i32
        %dma_start3A_214 = arith.constant 0 : i32
        %dma_start3A_215 = tpu.memref_slice %arg2[%dma_start3A_213, %dma_start3A_214] : memref<10000x128xbf16, #tpu.memory_space<hbm>> -> memref<10000x128xbf16, #tpu.memory_space<hbm>>
        tpu.enqueue_indirect_dma source(%dma_start3A_215 : memref<10000x128xbf16, #tpu.memory_space<hbm>>) target(%arg14 : memref<125x128xbf16, #tpu.memory_space<vmem>>) offsets(%dma_start3A_212 : memref<125xi32, #tpu.memory_space<vmem>>) semaphore(%arg24 : memref<!tpu.dma_semaphore, #tpu.memory_space<semaphore_mem>>)
      } else {
      }
      %ge3A_201 = arith.constant 1 : i32
      %ge3A_202 = arith.cmpi sge, %add3A_187, %ge3A_201 : i32
      %le3A_203 = arith.constant 80 : i32
      %le3A_204 = arith.cmpi sle, %add3A_187, %le3A_203 : i32
      %and3A_205 = arith.andi %ge3A_202, %le3A_204 : i1
      %convert_element_type3A_206 = arith.extui %and3A_205 : i1 to i32
      %cond3A_207 = arith.constant 0 : i32
      %cond3A_208 = arith.cmpi ne, %convert_element_type3A_206, %cond3A_207 : i32
      scf.if %cond3A_208 {
        %sub3A = arith.constant 1 : i32
        %sub3A_210 = arith.subi %add3A_187, %sub3A : i32
        %dma_wait3A = arith.constant 0 : i32
        %dma_wait3A_211 = arith.constant 0 : i32
        %dma_wait3A_212 = tpu.memref_slice %arg15[%dma_wait3A, %sub3A_210, %dma_wait3A_211] : memref<2x80x125xi32, #tpu.memory_space<vmem>> -> memref<1x1x125xi32, #tpu.memory_space<vmem>>
        %dma_wait3A_213 = tpu.memref_squeeze %dma_wait3A_212 : memref<1x1x125xi32, #tpu.memory_space<vmem>> -> memref<125xi32, #tpu.memory_space<vmem>>
        %dma_wait3A_214 = arith.constant 0 : i32
        %dma_wait3A_215 = arith.constant 0 : i32
        %dma_wait3A_216 = tpu.memref_slice %arg2[%dma_wait3A_214, %dma_wait3A_215] : memref<10000x128xbf16, #tpu.memory_space<hbm>> -> memref<10000x128xbf16, #tpu.memory_space<hbm>>
        tpu.wait_indirect_dma semaphore(%arg23 : memref<!tpu.dma_semaphore, #tpu.memory_space<semaphore_mem>>) src(%dma_wait3A_216 : memref<10000x128xbf16, #tpu.memory_space<hbm>>) dst(%arg13 : memref<125x128xbf16, #tpu.memory_space<vmem>>)
        %sub3A_217 = arith.constant 1 : i32
        %sub3A_218 = arith.subi %add3A_187, %sub3A_217 : i32
        %dma_start3A = arith.constant 1 : i32
        %dma_start3A_219 = arith.constant 0 : i32
        %dma_start3A_220 = tpu.memref_slice %arg15[%dma_start3A, %sub3A_218, %dma_start3A_219] : memref<2x80x125xi32, #tpu.memory_space<vmem>> -> memref<1x1x125xi32, #tpu.memory_space<vmem>>
        %dma_start3A_221 = tpu.memref_squeeze %dma_start3A_220 : memref<1x1x125xi32, #tpu.memory_space<vmem>> -> memref<125xi32, #tpu.memory_space<vmem>>
        %dma_start3A_222 = arith.constant 0 : i32
        %dma_start3A_223 = arith.constant 0 : i32
        %dma_start3A_224 = tpu.memref_slice %arg16[%dma_start3A_222, %dma_start3A_223] : memref<10240x128xbf16, #tpu.memory_space<vmem_shared>> -> memref<10240x128xbf16, #tpu.memory_space<vmem_shared>>
        tpu.enqueue_indirect_dma source(%arg13 : memref<125x128xbf16, #tpu.memory_space<vmem>>) target(%dma_start3A_224 : memref<10240x128xbf16, #tpu.memory_space<vmem_shared>>) offsets(%dma_start3A_221 : memref<125xi32, #tpu.memory_space<vmem>>) semaphore(%arg31 : memref<!tpu.dma_semaphore, #tpu.memory_space<semaphore_mem>>) {add = true}
      } else {
      }
      %scan3A_209 = arith.constant 0 : i32
      scf.yield %scan3A_209 : i32
    }
    %scan3A_15 = arith.constant 11 : i32
    %barrier3A_16 = arith.constant 0 : index
    tpu.barrier barrier_id(%barrier3A_16)
    %eq3A = arith.constant 0 : i32
    %eq3A_17 = arith.cmpi eq, %arg0, %eq3A : i32
    %convert_element_type3A = arith.extui %eq3A_17 : i1 to i32
    %cond3A = arith.constant 0 : i32
    %cond3A_18 = arith.cmpi ne, %convert_element_type3A, %cond3A : i32
    scf.if %cond3A_18 {
      %mul3A_24 = arith.constant 640 : i32
      %mul3A_25 = arith.muli %arg1, %mul3A_24 : i32
      %mul3A_26 = arith.constant 640 : i32
      %mul3A_27 = arith.muli %arg1, %mul3A_26 : i32
      "tpu.region"() ({
        %run_scoped3A_28 = tpu.sem_alloc : memref<!tpu.dma_semaphore, #tpu.memory_space<semaphore_mem>>
        %dma_start3A = arith.constant 0 : i32
        %dma_start3A_29 = tpu.memref_slice %arg5[%mul3A_27, %dma_start3A] : memref<10240x128xbf16, #tpu.memory_space<hbm>> -> memref<640x128xbf16, #tpu.memory_space<hbm>>
        %dma_start3A_30 = arith.constant 0 : i32
        %dma_start3A_31 = tpu.memref_slice %arg16[%mul3A_25, %dma_start3A_30] : memref<10240x128xbf16, #tpu.memory_space<vmem_shared>> -> memref<640x128xbf16, #tpu.memory_space<vmem_shared>>
        tpu.enqueue_dma source(%dma_start3A_31 : memref<640x128xbf16, #tpu.memory_space<vmem_shared>>) target(%dma_start3A_29 : memref<640x128xbf16, #tpu.memory_space<hbm>>) target_semaphore(%run_scoped3A_28 : memref<!tpu.dma_semaphore, #tpu.memory_space<semaphore_mem>>)
        %dma_wait3A = arith.constant 0 : i32
        %dma_wait3A_32 = tpu.memref_slice %arg5[%mul3A_27, %dma_wait3A] : memref<10240x128xbf16, #tpu.memory_space<hbm>> -> memref<640x128xbf16, #tpu.memory_space<hbm>>
        %dma_wait3A_33 = arith.constant 0 : i32
        %dma_wait3A_34 = tpu.memref_slice %arg16[%mul3A_25, %dma_wait3A_33] : memref<10240x128xbf16, #tpu.memory_space<vmem_shared>> -> memref<640x128xbf16, #tpu.memory_space<vmem_shared>>
        tpu.wait_dma2 semaphore(%run_scoped3A_28 : memref<!tpu.dma_semaphore, #tpu.memory_space<semaphore_mem>>) src(%dma_wait3A_34 : memref<640x128xbf16, #tpu.memory_space<vmem_shared>>) dst(%dma_wait3A_32 : memref<640x128xbf16, #tpu.memory_space<hbm>>)
        tpu.yield
      }) : () -> ()
    } else {
    }
    %eq3A_19 = arith.constant 1 : i32
    %eq3A_20 = arith.cmpi eq, %arg0, %eq3A_19 : i32
    %convert_element_type3A_21 = arith.extui %eq3A_20 : i1 to i32
    %cond3A_22 = arith.constant 0 : i32
    %cond3A_23 = arith.cmpi ne, %convert_element_type3A_21, %cond3A_22 : i32
    scf.if %cond3A_23 {
      %mul3A_24 = arith.constant 640 : i32
      %mul3A_25 = arith.muli %arg1, %mul3A_24 : i32
      %mul3A_26 = arith.constant 640 : i32
      %mul3A_27 = arith.muli %arg1, %mul3A_26 : i32
      "tpu.region"() ({
        %run_scoped3A_28 = tpu.sem_alloc : memref<!tpu.dma_semaphore, #tpu.memory_space<semaphore_mem>>
        %dma_start3A = arith.constant 0 : i32
        %dma_start3A_29 = tpu.memref_slice %arg6[%mul3A_27, %dma_start3A] : memref<10240x128xbf16, #tpu.memory_space<hbm>> -> memref<640x128xbf16, #tpu.memory_space<hbm>>
        %dma_start3A_30 = arith.constant 0 : i32
        %dma_start3A_31 = tpu.memref_slice %arg16[%mul3A_25, %dma_start3A_30] : memref<10240x128xbf16, #tpu.memory_space<vmem_shared>> -> memref<640x128xbf16, #tpu.memory_space<vmem_shared>>
        tpu.enqueue_dma source(%dma_start3A_31 : memref<640x128xbf16, #tpu.memory_space<vmem_shared>>) target(%dma_start3A_29 : memref<640x128xbf16, #tpu.memory_space<hbm>>) target_semaphore(%run_scoped3A_28 : memref<!tpu.dma_semaphore, #tpu.memory_space<semaphore_mem>>)
        %dma_wait3A = arith.constant 0 : i32
        %dma_wait3A_32 = tpu.memref_slice %arg6[%mul3A_27, %dma_wait3A] : memref<10240x128xbf16, #tpu.memory_space<hbm>> -> memref<640x128xbf16, #tpu.memory_space<hbm>>
        %dma_wait3A_33 = arith.constant 0 : i32
        %dma_wait3A_34 = tpu.memref_slice %arg16[%mul3A_25, %dma_wait3A_33] : memref<10240x128xbf16, #tpu.memory_space<vmem_shared>> -> memref<640x128xbf16, #tpu.memory_space<vmem_shared>>
        tpu.wait_dma2 semaphore(%run_scoped3A_28 : memref<!tpu.dma_semaphore, #tpu.memory_space<semaphore_mem>>) src(%dma_wait3A_34 : memref<640x128xbf16, #tpu.memory_space<vmem_shared>>) dst(%dma_wait3A_32 : memref<640x128xbf16, #tpu.memory_space<hbm>>)
        tpu.yield
      }) : () -> ()
    } else {
    }
    return
  }
}

#map = affine_map<(d0, d1) -> (0, 0)>
#map1 = affine_map<(d0, d1) -> (0)>
module attributes {stable_mosaic.version = 14 : i64} {
  func.func @body(%arg0: i32, %arg1: i32, %arg2: memref<2x320000xi32, #tpu.memory_space<hbm>>, %arg3: memref<640x16xf32, #tpu.memory_space<hbm>>, %arg4: memref<640xi32, #tpu.memory_space<hbm>>, %arg5: memref<1280x16xf32, #tpu.memory_space<hbm>>, %arg6: memref<10000xi32, #tpu.memory_space<vmem>>, %arg7: memref<640x16xf32, #tpu.memory_space<vmem>>, %arg8: memref<640xi32, #tpu.memory_space<vmem>>, %arg9: memref<640x16xf32, #tpu.memory_space<vmem_shared>>) attributes {dimension_semantics = [#tpu.dimension_semantics<core_parallel>, #tpu.dimension_semantics<subcore_parallel>], iteration_bounds = array<i64: 2, 16>, scalar_prefetch = 0 : i64, scratch_operands = 4 : i64, tpu.core_type = #tpu.core_type<sc_vector_subcore>, window_params = [{transform_indices = #map}, {transform_indices = #map}, {transform_indices = #map1}, {transform_indices = #map}]} {
    %mul3A = arith.constant 2 : i32
    %mul3A_0 = arith.muli %arg1, %mul3A : i32
    %add3A = arith.addi %mul3A_0, %arg0 : i32
    %mul3A_1 = arith.constant 10000 : i32
    %mul3A_2 = arith.muli %add3A, %mul3A_1 : i32
    %run_scoped3A = arith.constant 1 : i32
    "tpu.region"() ({
      %run_scoped3A_20 = tpu.sem_alloc : memref<!tpu.dma_semaphore, #tpu.memory_space<semaphore_mem>>
      %dma_start3A = arith.constant 0 : i32
      %dma_start3A_21 = tpu.memref_slice %arg2[%run_scoped3A, %dma_start3A] : memref<2x320000xi32, #tpu.memory_space<hbm>> -> memref<1x320000xi32, #tpu.memory_space<hbm>>
      %dma_start3A_22 = tpu.memref_squeeze %dma_start3A_21 : memref<1x320000xi32, #tpu.memory_space<hbm>> -> memref<320000xi32, #tpu.memory_space<hbm>>
      %dma_start3A_23 = tpu.memref_slice %dma_start3A_22[%mul3A_2] : memref<320000xi32, #tpu.memory_space<hbm>> -> memref<10000xi32, #tpu.memory_space<hbm>>
      %dma_start3A_24 = arith.constant 0 : i32
      %dma_start3A_25 = tpu.memref_slice %arg2[%run_scoped3A, %dma_start3A_24] : memref<2x320000xi32, #tpu.memory_space<hbm>> -> memref<1x320000xi32, #tpu.memory_space<hbm>>
      %dma_start3A_26 = tpu.memref_squeeze %dma_start3A_25 : memref<1x320000xi32, #tpu.memory_space<hbm>> -> memref<320000xi32, #tpu.memory_space<hbm>>
      %dma_start3A_27 = tpu.memref_slice %dma_start3A_26[%mul3A_2] : memref<320000xi32, #tpu.memory_space<hbm>> -> memref<10000xi32, #tpu.memory_space<hbm>>
      tpu.enqueue_dma source(%dma_start3A_27 : memref<10000xi32, #tpu.memory_space<hbm>>) target(%arg6 : memref<10000xi32, #tpu.memory_space<vmem>>) target_semaphore(%run_scoped3A_20 : memref<!tpu.dma_semaphore, #tpu.memory_space<semaphore_mem>>)
      %dma_wait3A = arith.constant 0 : i32
      %dma_wait3A_28 = tpu.memref_slice %arg2[%run_scoped3A, %dma_wait3A] : memref<2x320000xi32, #tpu.memory_space<hbm>> -> memref<1x320000xi32, #tpu.memory_space<hbm>>
      %dma_wait3A_29 = tpu.memref_squeeze %dma_wait3A_28 : memref<1x320000xi32, #tpu.memory_space<hbm>> -> memref<320000xi32, #tpu.memory_space<hbm>>
      %dma_wait3A_30 = tpu.memref_slice %dma_wait3A_29[%mul3A_2] : memref<320000xi32, #tpu.memory_space<hbm>> -> memref<10000xi32, #tpu.memory_space<hbm>>
      %dma_wait3A_31 = arith.constant 0 : i32
      %dma_wait3A_32 = tpu.memref_slice %arg2[%run_scoped3A, %dma_wait3A_31] : memref<2x320000xi32, #tpu.memory_space<hbm>> -> memref<1x320000xi32, #tpu.memory_space<hbm>>
      %dma_wait3A_33 = tpu.memref_squeeze %dma_wait3A_32 : memref<1x320000xi32, #tpu.memory_space<hbm>> -> memref<320000xi32, #tpu.memory_space<hbm>>
      %dma_wait3A_34 = tpu.memref_slice %dma_wait3A_33[%mul3A_2] : memref<320000xi32, #tpu.memory_space<hbm>> -> memref<10000xi32, #tpu.memory_space<hbm>>
      tpu.wait_dma2 semaphore(%run_scoped3A_20 : memref<!tpu.dma_semaphore, #tpu.memory_space<semaphore_mem>>) src(%dma_wait3A_34 : memref<10000xi32, #tpu.memory_space<hbm>>) dst(%arg6 : memref<10000xi32, #tpu.memory_space<vmem>>)
      tpu.yield
    }) : () -> ()
    "tpu.region"() ({
      %run_scoped3A_20 = tpu.sem_alloc : memref<!tpu.dma_semaphore, #tpu.memory_space<semaphore_mem>>
      tpu.enqueue_dma source(%arg3 : memref<640x16xf32, #tpu.memory_space<hbm>>) target(%arg7 : memref<640x16xf32, #tpu.memory_space<vmem>>) target_semaphore(%run_scoped3A_20 : memref<!tpu.dma_semaphore, #tpu.memory_space<semaphore_mem>>)
      tpu.wait_dma2 semaphore(%run_scoped3A_20 : memref<!tpu.dma_semaphore, #tpu.memory_space<semaphore_mem>>) src(%arg3 : memref<640x16xf32, #tpu.memory_space<hbm>>) dst(%arg7 : memref<640x16xf32, #tpu.memory_space<vmem>>)
      tpu.yield
    }) : () -> ()
    "tpu.region"() ({
      %run_scoped3A_20 = tpu.sem_alloc : memref<!tpu.dma_semaphore, #tpu.memory_space<semaphore_mem>>
      tpu.enqueue_dma source(%arg4 : memref<640xi32, #tpu.memory_space<hbm>>) target(%arg8 : memref<640xi32, #tpu.memory_space<vmem>>) target_semaphore(%run_scoped3A_20 : memref<!tpu.dma_semaphore, #tpu.memory_space<semaphore_mem>>)
      tpu.wait_dma2 semaphore(%run_scoped3A_20 : memref<!tpu.dma_semaphore, #tpu.memory_space<semaphore_mem>>) src(%arg4 : memref<640xi32, #tpu.memory_space<hbm>>) dst(%arg8 : memref<640xi32, #tpu.memory_space<vmem>>)
      tpu.yield
    }) : () -> ()
    %mul3A_3 = arith.constant 40 : i32
    %mul3A_4 = arith.muli %arg1, %mul3A_3 : i32
    "tpu.region"() ({
      %run_scoped3A_20 = tpu.sem_alloc : memref<!tpu.dma_semaphore, #tpu.memory_space<semaphore_mem>>
      %dma_start3A = arith.constant 0 : i32
      %dma_start3A_21 = tpu.memref_slice %arg9[%mul3A_4, %dma_start3A] : memref<640x16xf32, #tpu.memory_space<vmem_shared>> -> memref<40x16xf32, #tpu.memory_space<vmem_shared>>
      %dma_start3A_22 = arith.constant 0 : i32
      %dma_start3A_23 = arith.constant 0 : i32
      %dma_start3A_24 = tpu.memref_slice %arg3[%dma_start3A_22, %dma_start3A_23] : memref<640x16xf32, #tpu.memory_space<hbm>> -> memref<40x16xf32, #tpu.memory_space<hbm>>
      tpu.enqueue_dma source(%dma_start3A_24 : memref<40x16xf32, #tpu.memory_space<hbm>>) target(%dma_start3A_21 : memref<40x16xf32, #tpu.memory_space<vmem_shared>>) target_semaphore(%run_scoped3A_20 : memref<!tpu.dma_semaphore, #tpu.memory_space<semaphore_mem>>)
      %dma_wait3A = arith.constant 0 : i32
      %dma_wait3A_25 = tpu.memref_slice %arg9[%mul3A_4, %dma_wait3A] : memref<640x16xf32, #tpu.memory_space<vmem_shared>> -> memref<40x16xf32, #tpu.memory_space<vmem_shared>>
      %dma_wait3A_26 = arith.constant 0 : i32
      %dma_wait3A_27 = arith.constant 0 : i32
      %dma_wait3A_28 = tpu.memref_slice %arg3[%dma_wait3A_26, %dma_wait3A_27] : memref<640x16xf32, #tpu.memory_space<hbm>> -> memref<40x16xf32, #tpu.memory_space<hbm>>
      tpu.wait_dma2 semaphore(%run_scoped3A_20 : memref<!tpu.dma_semaphore, #tpu.memory_space<semaphore_mem>>) src(%dma_wait3A_28 : memref<40x16xf32, #tpu.memory_space<hbm>>) dst(%dma_wait3A_25 : memref<40x16xf32, #tpu.memory_space<vmem_shared>>)
      tpu.yield
    }) : () -> ()
    %barrier3A = arith.constant 0 : index
    tpu.barrier barrier_id(%barrier3A)
    %broadcast_in_dim3A = arith.constant 1.000000e+00 : f32
    %broadcast_in_dim3A_5 = vector.broadcast %broadcast_in_dim3A : f32 to vector<16xf32>
    %scan3A = arith.constant 0 : i32
    %scan3A_6 = arith.constant 0 : i32
    %scan3A_7 = arith.constant 625 : i32
    %scan3A_8 = arith.addi %scan3A_6, %scan3A_7 : i32
    %scan3A_9 = arith.constant 1 : i32
    %scan3A_10 = scf.for %scan3A_20 = %scan3A_6 to %scan3A_8 step %scan3A_9 iter_args(%scan3A_21 = %scan3A) -> (i32)  : i32 {
      %mul3A_22 = arith.constant 16 : i32
      %mul3A_23 = arith.muli %scan3A_20, %mul3A_22 : i32
      %get3A = arith.index_cast %mul3A_23 : i32 to index
      %get3A_24 = tpu.vector_load %arg6[%get3A] {strides = array<i32>} : memref<10000xi32, #tpu.memory_space<vmem>>, vector<16xi32>,
      %shift_right_arithmetic3A = arith.constant 4 : i32
      %shift_right_arithmetic3A_25 = vector.broadcast %shift_right_arithmetic3A : i32 to vector<16xi32>
      %shift_right_arithmetic3A_26 = arith.shrsi %get3A_24, %shift_right_arithmetic3A_25 : vector<16xi32>
      %and3A = arith.constant 15 : i32
      %and3A_27 = vector.broadcast %and3A : i32 to vector<16xi32>
      %and3A_28 = arith.andi %get3A_24, %and3A_27 : vector<16xi32>
      tpu.vector_store_idx %arg7[%shift_right_arithmetic3A_26, %and3A_28], %broadcast_in_dim3A_5 {add = true} : memref<640x16xf32, #tpu.memory_space<vmem>>[vector<16xi32>, vector<16xi32>], vector<16xf32>,
      %scan3A_29 = arith.constant 0 : i32
      scf.yield %scan3A_29 : i32
    }
    %scan3A_11 = arith.constant 625 : i32
    "tpu.region"() ({
      %run_scoped3A_20 = tpu.sem_alloc : memref<!tpu.dma_semaphore, #tpu.memory_space<semaphore_mem>>
      %dma_start3A = arith.constant 0 : i32
      %dma_start3A_21 = arith.constant 0 : i32
      %dma_start3A_22 = tpu.memref_slice %arg9[%dma_start3A, %dma_start3A_21] : memref<640x16xf32, #tpu.memory_space<vmem_shared>> -> memref<640x16xf32, #tpu.memory_space<vmem_shared>>
      tpu.enqueue_indirect_dma source(%arg7 : memref<640x16xf32, #tpu.memory_space<vmem>>) target(%dma_start3A_22 : memref<640x16xf32, #tpu.memory_space<vmem_shared>>) offsets(%arg8 : memref<640xi32, #tpu.memory_space<vmem>>) semaphore(%run_scoped3A_20 : memref<!tpu.dma_semaphore, #tpu.memory_space<semaphore_mem>>) {add = true}
      %dma_wait3A = arith.constant 0 : i32
      %dma_wait3A_23 = arith.constant 0 : i32
      %dma_wait3A_24 = tpu.memref_slice %arg9[%dma_wait3A, %dma_wait3A_23] : memref<640x16xf32, #tpu.memory_space<vmem_shared>> -> memref<640x16xf32, #tpu.memory_space<vmem_shared>>
      tpu.wait_indirect_dma semaphore(%run_scoped3A_20 : memref<!tpu.dma_semaphore, #tpu.memory_space<semaphore_mem>>) src(%arg7 : memref<640x16xf32, #tpu.memory_space<vmem>>) dst(%dma_wait3A_24 : memref<640x16xf32, #tpu.memory_space<vmem_shared>>)
      tpu.yield
    }) : () -> ()
    %barrier3A_12 = arith.constant 0 : index
    tpu.barrier barrier_id(%barrier3A_12)
    %mul3A_13 = arith.constant 40 : i32
    %mul3A_14 = arith.muli %arg1, %mul3A_13 : i32
    %mul3A_15 = arith.constant 640 : i32
    %mul3A_16 = arith.muli %arg0, %mul3A_15 : i32
    %mul3A_17 = arith.constant 40 : i32
    %mul3A_18 = arith.muli %arg1, %mul3A_17 : i32
    %add3A_19 = arith.addi %mul3A_16, %mul3A_18 : i32
    "tpu.region"() ({
      %run_scoped3A_20 = tpu.sem_alloc : memref<!tpu.dma_semaphore, #tpu.memory_space<semaphore_mem>>
      %dma_start3A = arith.constant 0 : i32
      %dma_start3A_21 = tpu.memref_slice %arg5[%add3A_19, %dma_start3A] : memref<1280x16xf32, #tpu.memory_space<hbm>> -> memref<40x16xf32, #tpu.memory_space<hbm>>
      %dma_start3A_22 = arith.constant 0 : i32
      %dma_start3A_23 = tpu.memref_slice %arg9[%mul3A_14, %dma_start3A_22] : memref<640x16xf32, #tpu.memory_space<vmem_shared>> -> memref<40x16xf32, #tpu.memory_space<vmem_shared>>
      tpu.enqueue_dma source(%dma_start3A_23 : memref<40x16xf32, #tpu.memory_space<vmem_shared>>) target(%dma_start3A_21 : memref<40x16xf32, #tpu.memory_space<hbm>>) target_semaphore(%run_scoped3A_20 : memref<!tpu.dma_semaphore, #tpu.memory_space<semaphore_mem>>)
      %dma_wait3A = arith.constant 0 : i32
      %dma_wait3A_24 = tpu.memref_slice %arg5[%add3A_19, %dma_wait3A] : memref<1280x16xf32, #tpu.memory_space<hbm>> -> memref<40x16xf32, #tpu.memory_space<hbm>>
      %dma_wait3A_25 = arith.constant 0 : i32
      %dma_wait3A_26 = tpu.memref_slice %arg9[%mul3A_14, %dma_wait3A_25] : memref<640x16xf32, #tpu.memory_space<vmem_shared>> -> memref<40x16xf32, #tpu.memory_space<vmem_shared>>
      tpu.wait_dma2 semaphore(%run_scoped3A_20 : memref<!tpu.dma_semaphore, #tpu.memory_space<semaphore_mem>>) src(%dma_wait3A_26 : memref<40x16xf32, #tpu.memory_space<vmem_shared>>) dst(%dma_wait3A_24 : memref<40x16xf32, #tpu.memory_space<hbm>>)
      tpu.yield
    }) : () -> ()
    return
  }
}

#map = affine_map<(d0, d1) -> (0, 0)>
#map1 = affine_map<(d0, d1) -> (0, 0, 0)>
module attributes {stable_mosaic.version = 14 : i64} {
  func.func @body(%arg0: i32, %arg1: i32, %arg2: memref<10000x128xbf16, #tpu.memory_space<hbm>>, %arg3: memref<2x2560x125xi32, #tpu.memory_space<hbm>>, %arg4: memref<640x128xbf16, #tpu.memory_space<hbm>>, %arg5: memref<10240x128xbf16, #tpu.memory_space<hbm>>, %arg6: memref<10240x128xbf16, #tpu.memory_space<hbm>>, %arg7: memref<125x128xbf16, #tpu.memory_space<vmem>>, %arg8: memref<125x128xbf16, #tpu.memory_space<vmem>>, %arg9: memref<125x128xbf16, #tpu.memory_space<vmem>>, %arg10: memref<125x128xbf16, #tpu.memory_space<vmem>>, %arg11: memref<125x128xbf16, #tpu.memory_space<vmem>>, %arg12: memref<125x128xbf16, #tpu.memory_space<vmem>>, %arg13: memref<125x128xbf16, #tpu.memory_space<vmem>>, %arg14: memref<125x128xbf16, #tpu.memory_space<vmem>>, %arg15: memref<2x80x125xi32, #tpu.memory_space<vmem>>, %arg16: memref<10240x128xbf16, #tpu.memory_space<vmem_shared>>, %arg17: memref<!tpu.dma_semaphore, #tpu.memory_space<semaphore_mem>>, %arg18: memref<!tpu.dma_semaphore, #tpu.memory_space<semaphore_mem>>, %arg19: memref<!tpu.dma_semaphore, #tpu.memory_space<semaphore_mem>>, %arg20: memref<!tpu.dma_semaphore, #tpu.memory_space<semaphore_mem>>, %arg21: memref<!tpu.dma_semaphore, #tpu.memory_space<semaphore_mem>>, %arg22: memref<!tpu.dma_semaphore, #tpu.memory_space<semaphore_mem>>, %arg23: memref<!tpu.dma_semaphore, #tpu.memory_space<semaphore_mem>>, %arg24: memref<!tpu.dma_semaphore, #tpu.memory_space<semaphore_mem>>, %arg25: memref<!tpu.dma_semaphore, #tpu.memory_space<semaphore_mem>>, %arg26: memref<!tpu.dma_semaphore, #tpu.memory_space<semaphore_mem>>, %arg27: memref<!tpu.dma_semaphore, #tpu.memory_space<semaphore_mem>>, %arg28: memref<!tpu.dma_semaphore, #tpu.memory_space<semaphore_mem>>, %arg29: memref<!tpu.dma_semaphore, #tpu.memory_space<semaphore_mem>>, %arg30: memref<!tpu.dma_semaphore, #tpu.memory_space<semaphore_mem>>, %arg31: memref<!tpu.dma_semaphore, #tpu.memory_space<semaphore_mem>>, %arg32: memref<!tpu.dma_semaphore, #tpu.memory_space<semaphore_mem>>) attributes {dimension_semantics = [#tpu.dimension_semantics<core_parallel>, #tpu.dimension_semantics<subcore_parallel>], iteration_bounds = array<i64: 2, 16>, scalar_prefetch = 0 : i64, scratch_operands = 26 : i64, tpu.core_type = #tpu.core_type<sc_vector_subcore>, window_params = [{transform_indices = #map}, {transform_indices = #map1}, {transform_indices = #map}, {transform_indices = #map}, {transform_indices = #map}]} {
    %mul3A = arith.constant 2 : i32
    %mul3A_0 = arith.muli %arg1, %mul3A : i32
    %add3A = arith.addi %mul3A_0, %arg0 : i32
    %mul3A_1 = arith.constant 80 : i32
    %mul3A_2 = arith.muli %add3A, %mul3A_1 : i32
    %run_scoped3A = arith.constant 0 : i32
    %run_scoped3A_3 = arith.constant 0 : i32
    "tpu.region"() ({
      %run_scoped3A_24 = tpu.sem_alloc : memref<!tpu.dma_semaphore, #tpu.memory_space<semaphore_mem>>
      %dma_start3A = arith.constant 0 : i32
      %dma_start3A_25 = arith.constant 0 : i32
      %dma_start3A_26 = tpu.memref_slice %arg15[%run_scoped3A_3, %dma_start3A, %dma_start3A_25] : memref<2x80x125xi32, #tpu.memory_space<vmem>> -> memref<1x80x125xi32, #tpu.memory_space<vmem>>
      %dma_start3A_27 = tpu.memref_squeeze %dma_start3A_26 : memref<1x80x125xi32, #tpu.memory_space<vmem>> -> memref<80x125xi32, #tpu.memory_space<vmem>>
      %dma_start3A_28 = arith.constant 0 : i32
      %dma_start3A_29 = tpu.memref_slice %arg3[%run_scoped3A, %mul3A_2, %dma_start3A_28] : memref<2x2560x125xi32, #tpu.memory_space<hbm>> -> memref<1x80x125xi32, #tpu.memory_space<hbm>>
      %dma_start3A_30 = tpu.memref_squeeze %dma_start3A_29 : memref<1x80x125xi32, #tpu.memory_space<hbm>> -> memref<80x125xi32, #tpu.memory_space<hbm>>
      %dma_start3A_31 = arith.constant 0 : i32
      %dma_start3A_32 = arith.constant 0 : i32
      %dma_start3A_33 = tpu.memref_slice %arg15[%run_scoped3A_3, %dma_start3A_31, %dma_start3A_32] : memref<2x80x125xi32, #tpu.memory_space<vmem>> -> memref<1x80x125xi32, #tpu.memory_space<vmem>>
      %dma_start3A_34 = tpu.memref_squeeze %dma_start3A_33 : memref<1x80x125xi32, #tpu.memory_space<vmem>> -> memref<80x125xi32, #tpu.memory_space<vmem>>
      %dma_start3A_35 = arith.constant 0 : i32
      %dma_start3A_36 = tpu.memref_slice %arg3[%run_scoped3A, %mul3A_2, %dma_start3A_35] : memref<2x2560x125xi32, #tpu.memory_space<hbm>> -> memref<1x80x125xi32, #tpu.memory_space<hbm>>
      %dma_start3A_37 = tpu.memref_squeeze %dma_start3A_36 : memref<1x80x125xi32, #tpu.memory_space<hbm>> -> memref<80x125xi32, #tpu.memory_space<hbm>>
      tpu.enqueue_dma source(%dma_start3A_37 : memref<80x125xi32, #tpu.memory_space<hbm>>) target(%dma_start3A_34 : memref<80x125xi32, #tpu.memory_space<vmem>>) target_semaphore(%run_scoped3A_24 : memref<!tpu.dma_semaphore, #tpu.memory_space<semaphore_mem>>)
      %dma_wait3A = arith.constant 0 : i32
      %dma_wait3A_38 = arith.constant 0 : i32
      %dma_wait3A_39 = tpu.memref_slice %arg15[%run_scoped3A_3, %dma_wait3A, %dma_wait3A_38] : memref<2x80x125xi32, #tpu.memory_space<vmem>> -> memref<1x80x125xi32, #tpu.memory_space<vmem>>
      %dma_wait3A_40 = tpu.memref_squeeze %dma_wait3A_39 : memref<1x80x125xi32, #tpu.memory_space<vmem>> -> memref<80x125xi32, #tpu.memory_space<vmem>>
      %dma_wait3A_41 = arith.constant 0 : i32
      %dma_wait3A_42 = tpu.memref_slice %arg3[%run_scoped3A, %mul3A_2, %dma_wait3A_41] : memref<2x2560x125xi32, #tpu.memory_space<hbm>> -> memref<1x80x125xi32, #tpu.memory_space<hbm>>
      %dma_wait3A_43 = tpu.memref_squeeze %dma_wait3A_42 : memref<1x80x125xi32, #tpu.memory_space<hbm>> -> memref<80x125xi32, #tpu.memory_space<hbm>>
      %dma_wait3A_44 = arith.constant 0 : i32
      %dma_wait3A_45 = arith.constant 0 : i32
      %dma_wait3A_46 = tpu.memref_slice %arg15[%run_scoped3A_3, %dma_wait3A_44, %dma_wait3A_45] : memref<2x80x125xi32, #tpu.memory_space<vmem>> -> memref<1x80x125xi32, #tpu.memory_space<vmem>>
      %dma_wait3A_47 = tpu.memref_squeeze %dma_wait3A_46 : memref<1x80x125xi32, #tpu.memory_space<vmem>> -> memref<80x125xi32, #tpu.memory_space<vmem>>
      %dma_wait3A_48 = arith.constant 0 : i32
      %dma_wait3A_49 = tpu.memref_slice %arg3[%run_scoped3A, %mul3A_2, %dma_wait3A_48] : memref<2x2560x125xi32, #tpu.memory_space<hbm>> -> memref<1x80x125xi32, #tpu.memory_space<hbm>>
      %dma_wait3A_50 = tpu.memref_squeeze %dma_wait3A_49 : memref<1x80x125xi32, #tpu.memory_space<hbm>> -> memref<80x125xi32, #tpu.memory_space<hbm>>
      tpu.wait_dma2 semaphore(%run_scoped3A_24 : memref<!tpu.dma_semaphore, #tpu.memory_space<semaphore_mem>>) src(%dma_wait3A_50 : memref<80x125xi32, #tpu.memory_space<hbm>>) dst(%dma_wait3A_47 : memref<80x125xi32, #tpu.memory_space<vmem>>)
      tpu.yield
    }) : () -> ()
    %mul3A_4 = arith.constant 80 : i32
    %mul3A_5 = arith.muli %add3A, %mul3A_4 : i32
    %run_scoped3A_6 = arith.constant 1 : i32
    %run_scoped3A_7 = arith.constant 1 : i32
    "tpu.region"() ({
      %run_scoped3A_24 = tpu.sem_alloc : memref<!tpu.dma_semaphore, #tpu.memory_space<semaphore_mem>>
      %dma_start3A = arith.constant 0 : i32
      %dma_start3A_25 = arith.constant 0 : i32
      %dma_start3A_26 = tpu.memref_slice %arg15[%run_scoped3A_7, %dma_start3A, %dma_start3A_25] : memref<2x80x125xi32, #tpu.memory_space<vmem>> -> memref<1x80x125xi32, #tpu.memory_space<vmem>>
      %dma_start3A_27 = tpu.memref_squeeze %dma_start3A_26 : memref<1x80x125xi32, #tpu.memory_space<vmem>> -> memref<80x125xi32, #tpu.memory_space<vmem>>
      %dma_start3A_28 = arith.constant 0 : i32
      %dma_start3A_29 = tpu.memref_slice %arg3[%run_scoped3A_6, %mul3A_5, %dma_start3A_28] : memref<2x2560x125xi32, #tpu.memory_space<hbm>> -> memref<1x80x125xi32, #tpu.memory_space<hbm>>
      %dma_start3A_30 = tpu.memref_squeeze %dma_start3A_29 : memref<1x80x125xi32, #tpu.memory_space<hbm>> -> memref<80x125xi32, #tpu.memory_space<hbm>>
      %dma_start3A_31 = arith.constant 0 : i32
      %dma_start3A_32 = arith.constant 0 : i32
      %dma_start3A_33 = tpu.memref_slice %arg15[%run_scoped3A_7, %dma_start3A_31, %dma_start3A_32] : memref<2x80x125xi32, #tpu.memory_space<vmem>> -> memref<1x80x125xi32, #tpu.memory_space<vmem>>
      %dma_start3A_34 = tpu.memref_squeeze %dma_start3A_33 : memref<1x80x125xi32, #tpu.memory_space<vmem>> -> memref<80x125xi32, #tpu.memory_space<vmem>>
      %dma_start3A_35 = arith.constant 0 : i32
      %dma_start3A_36 = tpu.memref_slice %arg3[%run_scoped3A_6, %mul3A_5, %dma_start3A_35] : memref<2x2560x125xi32, #tpu.memory_space<hbm>> -> memref<1x80x125xi32, #tpu.memory_space<hbm>>
      %dma_start3A_37 = tpu.memref_squeeze %dma_start3A_36 : memref<1x80x125xi32, #tpu.memory_space<hbm>> -> memref<80x125xi32, #tpu.memory_space<hbm>>
      tpu.enqueue_dma source(%dma_start3A_37 : memref<80x125xi32, #tpu.memory_space<hbm>>) target(%dma_start3A_34 : memref<80x125xi32, #tpu.memory_space<vmem>>) target_semaphore(%run_scoped3A_24 : memref<!tpu.dma_semaphore, #tpu.memory_space<semaphore_mem>>)
      %dma_wait3A = arith.constant 0 : i32
      %dma_wait3A_38 = arith.constant 0 : i32
      %dma_wait3A_39 = tpu.memref_slice %arg15[%run_scoped3A_7, %dma_wait3A, %dma_wait3A_38] : memref<2x80x125xi32, #tpu.memory_space<vmem>> -> memref<1x80x125xi32, #tpu.memory_space<vmem>>
      %dma_wait3A_40 = tpu.memref_squeeze %dma_wait3A_39 : memref<1x80x125xi32, #tpu.memory_space<vmem>> -> memref<80x125xi32, #tpu.memory_space<vmem>>
      %dma_wait3A_41 = arith.constant 0 : i32
      %dma_wait3A_42 = tpu.memref_slice %arg3[%run_scoped3A_6, %mul3A_5, %dma_wait3A_41] : memref<2x2560x125xi32, #tpu.memory_space<hbm>> -> memref<1x80x125xi32, #tpu.memory_space<hbm>>
      %dma_wait3A_43 = tpu.memref_squeeze %dma_wait3A_42 : memref<1x80x125xi32, #tpu.memory_space<hbm>> -> memref<80x125xi32, #tpu.memory_space<hbm>>
      %dma_wait3A_44 = arith.constant 0 : i32
      %dma_wait3A_45 = arith.constant 0 : i32
      %dma_wait3A_46 = tpu.memref_slice %arg15[%run_scoped3A_7, %dma_wait3A_44, %dma_wait3A_45] : memref<2x80x125xi32, #tpu.memory_space<vmem>> -> memref<1x80x125xi32, #tpu.memory_space<vmem>>
      %dma_wait3A_47 = tpu.memref_squeeze %dma_wait3A_46 : memref<1x80x125xi32, #tpu.memory_space<vmem>> -> memref<80x125xi32, #tpu.memory_space<vmem>>
      %dma_wait3A_48 = arith.constant 0 : i32
      %dma_wait3A_49 = tpu.memref_slice %arg3[%run_scoped3A_6, %mul3A_5, %dma_wait3A_48] : memref<2x2560x125xi32, #tpu.memory_space<hbm>> -> memref<1x80x125xi32, #tpu.memory_space<hbm>>
      %dma_wait3A_50 = tpu.memref_squeeze %dma_wait3A_49 : memref<1x80x125xi32, #tpu.memory_space<hbm>> -> memref<80x125xi32, #tpu.memory_space<hbm>>
      tpu.wait_dma2 semaphore(%run_scoped3A_24 : memref<!tpu.dma_semaphore, #tpu.memory_space<semaphore_mem>>) src(%dma_wait3A_50 : memref<80x125xi32, #tpu.memory_space<hbm>>) dst(%dma_wait3A_47 : memref<80x125xi32, #tpu.memory_space<vmem>>)
      tpu.yield
    }) : () -> ()
    %mul3A_8 = arith.constant 640 : i32
    %mul3A_9 = arith.muli %arg1, %mul3A_8 : i32
    "tpu.region"() ({
      %run_scoped3A_24 = tpu.sem_alloc : memref<!tpu.dma_semaphore, #tpu.memory_space<semaphore_mem>>
      %dma_start3A = arith.constant 0 : i32
      %dma_start3A_25 = tpu.memref_slice %arg16[%mul3A_9, %dma_start3A] : memref<10240x128xbf16, #tpu.memory_space<vmem_shared>> -> memref<640x128xbf16, #tpu.memory_space<vmem_shared>>
      tpu.enqueue_dma source(%arg4 : memref<640x128xbf16, #tpu.memory_space<hbm>>) target(%dma_start3A_25 : memref<640x128xbf16, #tpu.memory_space<vmem_shared>>) target_semaphore(%run_scoped3A_24 : memref<!tpu.dma_semaphore, #tpu.memory_space<semaphore_mem>>)
      %dma_wait3A = arith.constant 0 : i32
      %dma_wait3A_26 = tpu.memref_slice %arg16[%mul3A_9, %dma_wait3A] : memref<10240x128xbf16, #tpu.memory_space<vmem_shared>> -> memref<640x128xbf16, #tpu.memory_space<vmem_shared>>
      tpu.wait_dma2 semaphore(%run_scoped3A_24 : memref<!tpu.dma_semaphore, #tpu.memory_space<semaphore_mem>>) src(%arg4 : memref<640x128xbf16, #tpu.memory_space<hbm>>) dst(%dma_wait3A_26 : memref<640x128xbf16, #tpu.memory_space<vmem_shared>>)
      tpu.yield
    }) : () -> ()
    %barrier3A = arith.constant 0 : index
    tpu.barrier barrier_id(%barrier3A)
    %scan3A = arith.constant 0 : i32
    %scan3A_10 = arith.constant 0 : i32
    %scan3A_11 = arith.constant 11 : i32
    %scan3A_12 = arith.addi %scan3A_10, %scan3A_11 : i32
    %scan3A_13 = arith.constant 1 : i32
    %scan3A_14 = scf.for %scan3A_24 = %scan3A_10 to %scan3A_12 step %scan3A_13 iter_args(%scan3A_25 = %scan3A) -> (i32)  : i32 {
      %mul3A_26 = arith.constant 8 : i32
      %mul3A_27 = arith.muli %mul3A_26, %scan3A_24 : i32
      %add3A_28 = arith.constant 0 : i32
      %add3A_29 = arith.addi %mul3A_27, %add3A_28 : i32
      %ge3A = arith.constant 8 : i32
      %ge3A_30 = arith.cmpi sge, %add3A_29, %ge3A : i32
      %le3A = arith.constant 87 : i32
      %le3A_31 = arith.cmpi sle, %add3A_29, %le3A : i32
      %and3A = arith.andi %ge3A_30, %le3A_31 : i1
      %convert_element_type3A_32 = arith.extui %and3A : i1 to i32
      %cond3A_33 = arith.constant 0 : i32
      %cond3A_34 = arith.cmpi ne, %convert_element_type3A_32, %cond3A_33 : i32
      scf.if %cond3A_34 {
        %sub3A = arith.constant 8 : i32
        %sub3A_210 = arith.subi %add3A_29, %sub3A : i32
        %dma_wait3A = arith.constant 1 : i32
        %dma_wait3A_211 = arith.constant 0 : i32
        %dma_wait3A_212 = tpu.memref_slice %arg15[%dma_wait3A, %sub3A_210, %dma_wait3A_211] : memref<2x80x125xi32, #tpu.memory_space<vmem>> -> memref<1x1x125xi32, #tpu.memory_space<vmem>>
        %dma_wait3A_213 = tpu.memref_squeeze %dma_wait3A_212 : memref<1x1x125xi32, #tpu.memory_space<vmem>> -> memref<125xi32, #tpu.memory_space<vmem>>
        %dma_wait3A_214 = arith.constant 0 : i32
        %dma_wait3A_215 = arith.constant 0 : i32
        %dma_wait3A_216 = tpu.memref_slice %arg16[%dma_wait3A_214, %dma_wait3A_215] : memref<10240x128xbf16, #tpu.memory_space<vmem_shared>> -> memref<10240x128xbf16, #tpu.memory_space<vmem_shared>>
        tpu.wait_indirect_dma semaphore(%arg25 : memref<!tpu.dma_semaphore, #tpu.memory_space<semaphore_mem>>) src(%arg7 : memref<125x128xbf16, #tpu.memory_space<vmem>>) dst(%dma_wait3A_216 : memref<10240x128xbf16, #tpu.memory_space<vmem_shared>>)
      } else {
      }
      %le3A_35 = arith.constant 79 : i32
      %le3A_36 = arith.cmpi sle, %add3A_29, %le3A_35 : i32
      %convert_element_type3A_37 = arith.extui %le3A_36 : i1 to i32
      %cond3A_38 = arith.constant 0 : i32
      %cond3A_39 = arith.cmpi ne, %convert_element_type3A_37, %cond3A_38 : i32
      scf.if %cond3A_39 {
        %dma_start3A = arith.constant 0 : i32
        %dma_start3A_210 = arith.constant 0 : i32
        %dma_start3A_211 = tpu.memref_slice %arg15[%dma_start3A, %add3A_29, %dma_start3A_210] : memref<2x80x125xi32, #tpu.memory_space<vmem>> -> memref<1x1x125xi32, #tpu.memory_space<vmem>>
        %dma_start3A_212 = tpu.memref_squeeze %dma_start3A_211 : memref<1x1x125xi32, #tpu.memory_space<vmem>> -> memref<125xi32, #tpu.memory_space<vmem>>
        %dma_start3A_213 = arith.constant 0 : i32
        %dma_start3A_214 = arith.constant 0 : i32
        %dma_start3A_215 = tpu.memref_slice %arg2[%dma_start3A_213, %dma_start3A_214] : memref<10000x128xbf16, #tpu.memory_space<hbm>> -> memref<10000x128xbf16, #tpu.memory_space<hbm>>
        tpu.enqueue_indirect_dma source(%dma_start3A_215 : memref<10000x128xbf16, #tpu.memory_space<hbm>>) target(%arg7 : memref<125x128xbf16, #tpu.memory_space<vmem>>) offsets(%dma_start3A_212 : memref<125xi32, #tpu.memory_space<vmem>>) semaphore(%arg17 : memref<!tpu.dma_semaphore, #tpu.memory_space<semaphore_mem>>)
      } else {
      }
      %ge3A_40 = arith.constant 1 : i32
      %ge3A_41 = arith.cmpi sge, %add3A_29, %ge3A_40 : i32
      %le3A_42 = arith.constant 80 : i32
      %le3A_43 = arith.cmpi sle, %add3A_29, %le3A_42 : i32
      %and3A_44 = arith.andi %ge3A_41, %le3A_43 : i1
      %convert_element_type3A_45 = arith.extui %and3A_44 : i1 to i32
      %cond3A_46 = arith.constant 0 : i32
      %cond3A_47 = arith.cmpi ne, %convert_element_type3A_45, %cond3A_46 : i32
      scf.if %cond3A_47 {
        %sub3A = arith.constant 1 : i32
        %sub3A_210 = arith.subi %add3A_29, %sub3A : i32
        %dma_wait3A = arith.constant 0 : i32
        %dma_wait3A_211 = arith.constant 0 : i32
        %dma_wait3A_212 = tpu.memref_slice %arg15[%dma_wait3A, %sub3A_210, %dma_wait3A_211] : memref<2x80x125xi32, #tpu.memory_space<vmem>> -> memref<1x1x125xi32, #tpu.memory_space<vmem>>
        %dma_wait3A_213 = tpu.memref_squeeze %dma_wait3A_212 : memref<1x1x125xi32, #tpu.memory_space<vmem>> -> memref<125xi32, #tpu.memory_space<vmem>>
        %dma_wait3A_214 = arith.constant 0 : i32
        %dma_wait3A_215 = arith.constant 0 : i32
        %dma_wait3A_216 = tpu.memref_slice %arg2[%dma_wait3A_214, %dma_wait3A_215] : memref<10000x128xbf16, #tpu.memory_space<hbm>> -> memref<10000x128xbf16, #tpu.memory_space<hbm>>
        tpu.wait_indirect_dma semaphore(%arg24 : memref<!tpu.dma_semaphore, #tpu.memory_space<semaphore_mem>>) src(%dma_wait3A_216 : memref<10000x128xbf16, #tpu.memory_space<hbm>>) dst(%arg14 : memref<125x128xbf16, #tpu.memory_space<vmem>>)
        %sub3A_217 = arith.constant 1 : i32
        %sub3A_218 = arith.subi %add3A_29, %sub3A_217 : i32
        %dma_start3A = arith.constant 1 : i32
        %dma_start3A_219 = arith.constant 0 : i32
        %dma_start3A_220 = tpu.memref_slice %arg15[%dma_start3A, %sub3A_218, %dma_start3A_219] : memref<2x80x125xi32, #tpu.memory_space<vmem>> -> memref<1x1x125xi32, #tpu.memory_space<vmem>>
        %dma_start3A_221 = tpu.memref_squeeze %dma_start3A_220 : memref<1x1x125xi32, #tpu.memory_space<vmem>> -> memref<125xi32, #tpu.memory_space<vmem>>
        %dma_start3A_222 = arith.constant 0 : i32
        %dma_start3A_223 = arith.constant 0 : i32
        %dma_start3A_224 = tpu.memref_slice %arg16[%dma_start3A_222, %dma_start3A_223] : memref<10240x128xbf16, #tpu.memory_space<vmem_shared>> -> memref<10240x128xbf16, #tpu.memory_space<vmem_shared>>
        tpu.enqueue_indirect_dma source(%arg14 : memref<125x128xbf16, #tpu.memory_space<vmem>>) target(%dma_start3A_224 : memref<10240x128xbf16, #tpu.memory_space<vmem_shared>>) offsets(%dma_start3A_221 : memref<125xi32, #tpu.memory_space<vmem>>) semaphore(%arg32 : memref<!tpu.dma_semaphore, #tpu.memory_space<semaphore_mem>>) {add = true}
      } else {
      }
      %add3A_48 = arith.constant 1 : i32
      %add3A_49 = arith.addi %mul3A_27, %add3A_48 : i32
      %ge3A_50 = arith.constant 8 : i32
      %ge3A_51 = arith.cmpi sge, %add3A_49, %ge3A_50 : i32
      %le3A_52 = arith.constant 87 : i32
      %le3A_53 = arith.cmpi sle, %add3A_49, %le3A_52 : i32
      %and3A_54 = arith.andi %ge3A_51, %le3A_53 : i1
      %convert_element_type3A_55 = arith.extui %and3A_54 : i1 to i32
      %cond3A_56 = arith.constant 0 : i32
      %cond3A_57 = arith.cmpi ne, %convert_element_type3A_55, %cond3A_56 : i32
      scf.if %cond3A_57 {
        %sub3A = arith.constant 8 : i32
        %sub3A_210 = arith.subi %add3A_49, %sub3A : i32
        %dma_wait3A = arith.constant 1 : i32
        %dma_wait3A_211 = arith.constant 0 : i32
        %dma_wait3A_212 = tpu.memref_slice %arg15[%dma_wait3A, %sub3A_210, %dma_wait3A_211] : memref<2x80x125xi32, #tpu.memory_space<vmem>> -> memref<1x1x125xi32, #tpu.memory_space<vmem>>
        %dma_wait3A_213 = tpu.memref_squeeze %dma_wait3A_212 : memref<1x1x125xi32, #tpu.memory_space<vmem>> -> memref<125xi32, #tpu.memory_space<vmem>>
        %dma_wait3A_214 = arith.constant 0 : i32
        %dma_wait3A_215 = arith.constant 0 : i32
        %dma_wait3A_216 = tpu.memref_slice %arg16[%dma_wait3A_214, %dma_wait3A_215] : memref<10240x128xbf16, #tpu.memory_space<vmem_shared>> -> memref<10240x128xbf16, #tpu.memory_space<vmem_shared>>
        tpu.wait_indirect_dma semaphore(%arg26 : memref<!tpu.dma_semaphore, #tpu.memory_space<semaphore_mem>>) src(%arg8 : memref<125x128xbf16, #tpu.memory_space<vmem>>) dst(%dma_wait3A_216 : memref<10240x128xbf16, #tpu.memory_space<vmem_shared>>)
      } else {
      }
      %le3A_58 = arith.constant 79 : i32
      %le3A_59 = arith.cmpi sle, %add3A_49, %le3A_58 : i32
      %convert_element_type3A_60 = arith.extui %le3A_59 : i1 to i32
      %cond3A_61 = arith.constant 0 : i32
      %cond3A_62 = arith.cmpi ne, %convert_element_type3A_60, %cond3A_61 : i32
      scf.if %cond3A_62 {
        %dma_start3A = arith.constant 0 : i32
        %dma_start3A_210 = arith.constant 0 : i32
        %dma_start3A_211 = tpu.memref_slice %arg15[%dma_start3A, %add3A_49, %dma_start3A_210] : memref<2x80x125xi32, #tpu.memory_space<vmem>> -> memref<1x1x125xi32, #tpu.memory_space<vmem>>
        %dma_start3A_212 = tpu.memref_squeeze %dma_start3A_211 : memref<1x1x125xi32, #tpu.memory_space<vmem>> -> memref<125xi32, #tpu.memory_space<vmem>>
        %dma_start3A_213 = arith.constant 0 : i32
        %dma_start3A_214 = arith.constant 0 : i32
        %dma_start3A_215 = tpu.memref_slice %arg2[%dma_start3A_213, %dma_start3A_214] : memref<10000x128xbf16, #tpu.memory_space<hbm>> -> memref<10000x128xbf16, #tpu.memory_space<hbm>>
        tpu.enqueue_indirect_dma source(%dma_start3A_215 : memref<10000x128xbf16, #tpu.memory_space<hbm>>) target(%arg8 : memref<125x128xbf16, #tpu.memory_space<vmem>>) offsets(%dma_start3A_212 : memref<125xi32, #tpu.memory_space<vmem>>) semaphore(%arg18 : memref<!tpu.dma_semaphore, #tpu.memory_space<semaphore_mem>>)
      } else {
      }
      %ge3A_63 = arith.constant 1 : i32
      %ge3A_64 = arith.cmpi sge, %add3A_49, %ge3A_63 : i32
      %le3A_65 = arith.constant 80 : i32
      %le3A_66 = arith.cmpi sle, %add3A_49, %le3A_65 : i32
      %and3A_67 = arith.andi %ge3A_64, %le3A_66 : i1
      %convert_element_type3A_68 = arith.extui %and3A_67 : i1 to i32
      %cond3A_69 = arith.constant 0 : i32
      %cond3A_70 = arith.cmpi ne, %convert_element_type3A_68, %cond3A_69 : i32
      scf.if %cond3A_70 {
        %sub3A = arith.constant 1 : i32
        %sub3A_210 = arith.subi %add3A_49, %sub3A : i32
        %dma_wait3A = arith.constant 0 : i32
        %dma_wait3A_211 = arith.constant 0 : i32
        %dma_wait3A_212 = tpu.memref_slice %arg15[%dma_wait3A, %sub3A_210, %dma_wait3A_211] : memref<2x80x125xi32, #tpu.memory_space<vmem>> -> memref<1x1x125xi32, #tpu.memory_space<vmem>>
        %dma_wait3A_213 = tpu.memref_squeeze %dma_wait3A_212 : memref<1x1x125xi32, #tpu.memory_space<vmem>> -> memref<125xi32, #tpu.memory_space<vmem>>
        %dma_wait3A_214 = arith.constant 0 : i32
        %dma_wait3A_215 = arith.constant 0 : i32
        %dma_wait3A_216 = tpu.memref_slice %arg2[%dma_wait3A_214, %dma_wait3A_215] : memref<10000x128xbf16, #tpu.memory_space<hbm>> -> memref<10000x128xbf16, #tpu.memory_space<hbm>>
        tpu.wait_indirect_dma semaphore(%arg17 : memref<!tpu.dma_semaphore, #tpu.memory_space<semaphore_mem>>) src(%dma_wait3A_216 : memref<10000x128xbf16, #tpu.memory_space<hbm>>) dst(%arg7 : memref<125x128xbf16, #tpu.memory_space<vmem>>)
        %sub3A_217 = arith.constant 1 : i32
        %sub3A_218 = arith.subi %add3A_49, %sub3A_217 : i32
        %dma_start3A = arith.constant 1 : i32
        %dma_start3A_219 = arith.constant 0 : i32
        %dma_start3A_220 = tpu.memref_slice %arg15[%dma_start3A, %sub3A_218, %dma_start3A_219] : memref<2x80x125xi32, #tpu.memory_space<vmem>> -> memref<1x1x125xi32, #tpu.memory_space<vmem>>
        %dma_start3A_221 = tpu.memref_squeeze %dma_start3A_220 : memref<1x1x125xi32, #tpu.memory_space<vmem>> -> memref<125xi32, #tpu.memory_space<vmem>>
        %dma_start3A_222 = arith.constant 0 : i32
        %dma_start3A_223 = arith.constant 0 : i32
        %dma_start3A_224 = tpu.memref_slice %arg16[%dma_start3A_222, %dma_start3A_223] : memref<10240x128xbf16, #tpu.memory_space<vmem_shared>> -> memref<10240x128xbf16, #tpu.memory_space<vmem_shared>>
        tpu.enqueue_indirect_dma source(%arg7 : memref<125x128xbf16, #tpu.memory_space<vmem>>) target(%dma_start3A_224 : memref<10240x128xbf16, #tpu.memory_space<vmem_shared>>) offsets(%dma_start3A_221 : memref<125xi32, #tpu.memory_space<vmem>>) semaphore(%arg25 : memref<!tpu.dma_semaphore, #tpu.memory_space<semaphore_mem>>) {add = true}
      } else {
      }
      %add3A_71 = arith.constant 2 : i32
      %add3A_72 = arith.addi %mul3A_27, %add3A_71 : i32
      %ge3A_73 = arith.constant 8 : i32
      %ge3A_74 = arith.cmpi sge, %add3A_72, %ge3A_73 : i32
      %le3A_75 = arith.constant 87 : i32
      %le3A_76 = arith.cmpi sle, %add3A_72, %le3A_75 : i32
      %and3A_77 = arith.andi %ge3A_74, %le3A_76 : i1
      %convert_element_type3A_78 = arith.extui %and3A_77 : i1 to i32
      %cond3A_79 = arith.constant 0 : i32
      %cond3A_80 = arith.cmpi ne, %convert_element_type3A_78, %cond3A_79 : i32
      scf.if %cond3A_80 {
        %sub3A = arith.constant 8 : i32
        %sub3A_210 = arith.subi %add3A_72, %sub3A : i32
        %dma_wait3A = arith.constant 1 : i32
        %dma_wait3A_211 = arith.constant 0 : i32
        %dma_wait3A_212 = tpu.memref_slice %arg15[%dma_wait3A, %sub3A_210, %dma_wait3A_211] : memref<2x80x125xi32, #tpu.memory_space<vmem>> -> memref<1x1x125xi32, #tpu.memory_space<vmem>>
        %dma_wait3A_213 = tpu.memref_squeeze %dma_wait3A_212 : memref<1x1x125xi32, #tpu.memory_space<vmem>> -> memref<125xi32, #tpu.memory_space<vmem>>
        %dma_wait3A_214 = arith.constant 0 : i32
        %dma_wait3A_215 = arith.constant 0 : i32
        %dma_wait3A_216 = tpu.memref_slice %arg16[%dma_wait3A_214, %dma_wait3A_215] : memref<10240x128xbf16, #tpu.memory_space<vmem_shared>> -> memref<10240x128xbf16, #tpu.memory_space<vmem_shared>>
        tpu.wait_indirect_dma semaphore(%arg27 : memref<!tpu.dma_semaphore, #tpu.memory_space<semaphore_mem>>) src(%arg9 : memref<125x128xbf16, #tpu.memory_space<vmem>>) dst(%dma_wait3A_216 : memref<10240x128xbf16, #tpu.memory_space<vmem_shared>>)
      } else {
      }
      %le3A_81 = arith.constant 79 : i32
      %le3A_82 = arith.cmpi sle, %add3A_72, %le3A_81 : i32
      %convert_element_type3A_83 = arith.extui %le3A_82 : i1 to i32
      %cond3A_84 = arith.constant 0 : i32
      %cond3A_85 = arith.cmpi ne, %convert_element_type3A_83, %cond3A_84 : i32
      scf.if %cond3A_85 {
        %dma_start3A = arith.constant 0 : i32
        %dma_start3A_210 = arith.constant 0 : i32
        %dma_start3A_211 = tpu.memref_slice %arg15[%dma_start3A, %add3A_72, %dma_start3A_210] : memref<2x80x125xi32, #tpu.memory_space<vmem>> -> memref<1x1x125xi32, #tpu.memory_space<vmem>>
        %dma_start3A_212 = tpu.memref_squeeze %dma_start3A_211 : memref<1x1x125xi32, #tpu.memory_space<vmem>> -> memref<125xi32, #tpu.memory_space<vmem>>
        %dma_start3A_213 = arith.constant 0 : i32
        %dma_start3A_214 = arith.constant 0 : i32
        %dma_start3A_215 = tpu.memref_slice %arg2[%dma_start3A_213, %dma_start3A_214] : memref<10000x128xbf16, #tpu.memory_space<hbm>> -> memref<10000x128xbf16, #tpu.memory_space<hbm>>
        tpu.enqueue_indirect_dma source(%dma_start3A_215 : memref<10000x128xbf16, #tpu.memory_space<hbm>>) target(%arg9 : memref<125x128xbf16, #tpu.memory_space<vmem>>) offsets(%dma_start3A_212 : memref<125xi32, #tpu.memory_space<vmem>>) semaphore(%arg19 : memref<!tpu.dma_semaphore, #tpu.memory_space<semaphore_mem>>)
      } else {
      }
      %ge3A_86 = arith.constant 1 : i32
      %ge3A_87 = arith.cmpi sge, %add3A_72, %ge3A_86 : i32
      %le3A_88 = arith.constant 80 : i32
      %le3A_89 = arith.cmpi sle, %add3A_72, %le3A_88 : i32
      %and3A_90 = arith.andi %ge3A_87, %le3A_89 : i1
      %convert_element_type3A_91 = arith.extui %and3A_90 : i1 to i32
      %cond3A_92 = arith.constant 0 : i32
      %cond3A_93 = arith.cmpi ne, %convert_element_type3A_91, %cond3A_92 : i32
      scf.if %cond3A_93 {
        %sub3A = arith.constant 1 : i32
        %sub3A_210 = arith.subi %add3A_72, %sub3A : i32
        %dma_wait3A = arith.constant 0 : i32
        %dma_wait3A_211 = arith.constant 0 : i32
        %dma_wait3A_212 = tpu.memref_slice %arg15[%dma_wait3A, %sub3A_210, %dma_wait3A_211] : memref<2x80x125xi32, #tpu.memory_space<vmem>> -> memref<1x1x125xi32, #tpu.memory_space<vmem>>
        %dma_wait3A_213 = tpu.memref_squeeze %dma_wait3A_212 : memref<1x1x125xi32, #tpu.memory_space<vmem>> -> memref<125xi32, #tpu.memory_space<vmem>>
        %dma_wait3A_214 = arith.constant 0 : i32
        %dma_wait3A_215 = arith.constant 0 : i32
        %dma_wait3A_216 = tpu.memref_slice %arg2[%dma_wait3A_214, %dma_wait3A_215] : memref<10000x128xbf16, #tpu.memory_space<hbm>> -> memref<10000x128xbf16, #tpu.memory_space<hbm>>
        tpu.wait_indirect_dma semaphore(%arg18 : memref<!tpu.dma_semaphore, #tpu.memory_space<semaphore_mem>>) src(%dma_wait3A_216 : memref<10000x128xbf16, #tpu.memory_space<hbm>>) dst(%arg8 : memref<125x128xbf16, #tpu.memory_space<vmem>>)
        %sub3A_217 = arith.constant 1 : i32
        %sub3A_218 = arith.subi %add3A_72, %sub3A_217 : i32
        %dma_start3A = arith.constant 1 : i32
        %dma_start3A_219 = arith.constant 0 : i32
        %dma_start3A_220 = tpu.memref_slice %arg15[%dma_start3A, %sub3A_218, %dma_start3A_219] : memref<2x80x125xi32, #tpu.memory_space<vmem>> -> memref<1x1x125xi32, #tpu.memory_space<vmem>>
        %dma_start3A_221 = tpu.memref_squeeze %dma_start3A_220 : memref<1x1x125xi32, #tpu.memory_space<vmem>> -> memref<125xi32, #tpu.memory_space<vmem>>
        %dma_start3A_222 = arith.constant 0 : i32
        %dma_start3A_223 = arith.constant 0 : i32
        %dma_start3A_224 = tpu.memref_slice %arg16[%dma_start3A_222, %dma_start3A_223] : memref<10240x128xbf16, #tpu.memory_space<vmem_shared>> -> memref<10240x128xbf16, #tpu.memory_space<vmem_shared>>
        tpu.enqueue_indirect_dma source(%arg8 : memref<125x128xbf16, #tpu.memory_space<vmem>>) target(%dma_start3A_224 : memref<10240x128xbf16, #tpu.memory_space<vmem_shared>>) offsets(%dma_start3A_221 : memref<125xi32, #tpu.memory_space<vmem>>) semaphore(%arg26 : memref<!tpu.dma_semaphore, #tpu.memory_space<semaphore_mem>>) {add = true}
      } else {
      }
      %add3A_94 = arith.constant 3 : i32
      %add3A_95 = arith.addi %mul3A_27, %add3A_94 : i32
      %ge3A_96 = arith.constant 8 : i32
      %ge3A_97 = arith.cmpi sge, %add3A_95, %ge3A_96 : i32
      %le3A_98 = arith.constant 87 : i32
      %le3A_99 = arith.cmpi sle, %add3A_95, %le3A_98 : i32
      %and3A_100 = arith.andi %ge3A_97, %le3A_99 : i1
      %convert_element_type3A_101 = arith.extui %and3A_100 : i1 to i32
      %cond3A_102 = arith.constant 0 : i32
      %cond3A_103 = arith.cmpi ne, %convert_element_type3A_101, %cond3A_102 : i32
      scf.if %cond3A_103 {
        %sub3A = arith.constant 8 : i32
        %sub3A_210 = arith.subi %add3A_95, %sub3A : i32
        %dma_wait3A = arith.constant 1 : i32
        %dma_wait3A_211 = arith.constant 0 : i32
        %dma_wait3A_212 = tpu.memref_slice %arg15[%dma_wait3A, %sub3A_210, %dma_wait3A_211] : memref<2x80x125xi32, #tpu.memory_space<vmem>> -> memref<1x1x125xi32, #tpu.memory_space<vmem>>
        %dma_wait3A_213 = tpu.memref_squeeze %dma_wait3A_212 : memref<1x1x125xi32, #tpu.memory_space<vmem>> -> memref<125xi32, #tpu.memory_space<vmem>>
        %dma_wait3A_214 = arith.constant 0 : i32
        %dma_wait3A_215 = arith.constant 0 : i32
        %dma_wait3A_216 = tpu.memref_slice %arg16[%dma_wait3A_214, %dma_wait3A_215] : memref<10240x128xbf16, #tpu.memory_space<vmem_shared>> -> memref<10240x128xbf16, #tpu.memory_space<vmem_shared>>
        tpu.wait_indirect_dma semaphore(%arg28 : memref<!tpu.dma_semaphore, #tpu.memory_space<semaphore_mem>>) src(%arg10 : memref<125x128xbf16, #tpu.memory_space<vmem>>) dst(%dma_wait3A_216 : memref<10240x128xbf16, #tpu.memory_space<vmem_shared>>)
      } else {
      }
      %le3A_104 = arith.constant 79 : i32
      %le3A_105 = arith.cmpi sle, %add3A_95, %le3A_104 : i32
      %convert_element_type3A_106 = arith.extui %le3A_105 : i1 to i32
      %cond3A_107 = arith.constant 0 : i32
      %cond3A_108 = arith.cmpi ne, %convert_element_type3A_106, %cond3A_107 : i32
      scf.if %cond3A_108 {
        %dma_start3A = arith.constant 0 : i32
        %dma_start3A_210 = arith.constant 0 : i32
        %dma_start3A_211 = tpu.memref_slice %arg15[%dma_start3A, %add3A_95, %dma_start3A_210] : memref<2x80x125xi32, #tpu.memory_space<vmem>> -> memref<1x1x125xi32, #tpu.memory_space<vmem>>
        %dma_start3A_212 = tpu.memref_squeeze %dma_start3A_211 : memref<1x1x125xi32, #tpu.memory_space<vmem>> -> memref<125xi32, #tpu.memory_space<vmem>>
        %dma_start3A_213 = arith.constant 0 : i32
        %dma_start3A_214 = arith.constant 0 : i32
        %dma_start3A_215 = tpu.memref_slice %arg2[%dma_start3A_213, %dma_start3A_214] : memref<10000x128xbf16, #tpu.memory_space<hbm>> -> memref<10000x128xbf16, #tpu.memory_space<hbm>>
        tpu.enqueue_indirect_dma source(%dma_start3A_215 : memref<10000x128xbf16, #tpu.memory_space<hbm>>) target(%arg10 : memref<125x128xbf16, #tpu.memory_space<vmem>>) offsets(%dma_start3A_212 : memref<125xi32, #tpu.memory_space<vmem>>) semaphore(%arg20 : memref<!tpu.dma_semaphore, #tpu.memory_space<semaphore_mem>>)
      } else {
      }
      %ge3A_109 = arith.constant 1 : i32
      %ge3A_110 = arith.cmpi sge, %add3A_95, %ge3A_109 : i32
      %le3A_111 = arith.constant 80 : i32
      %le3A_112 = arith.cmpi sle, %add3A_95, %le3A_111 : i32
      %and3A_113 = arith.andi %ge3A_110, %le3A_112 : i1
      %convert_element_type3A_114 = arith.extui %and3A_113 : i1 to i32
      %cond3A_115 = arith.constant 0 : i32
      %cond3A_116 = arith.cmpi ne, %convert_element_type3A_114, %cond3A_115 : i32
      scf.if %cond3A_116 {
        %sub3A = arith.constant 1 : i32
        %sub3A_210 = arith.subi %add3A_95, %sub3A : i32
        %dma_wait3A = arith.constant 0 : i32
        %dma_wait3A_211 = arith.constant 0 : i32
        %dma_wait3A_212 = tpu.memref_slice %arg15[%dma_wait3A, %sub3A_210, %dma_wait3A_211] : memref<2x80x125xi32, #tpu.memory_space<vmem>> -> memref<1x1x125xi32, #tpu.memory_space<vmem>>
        %dma_wait3A_213 = tpu.memref_squeeze %dma_wait3A_212 : memref<1x1x125xi32, #tpu.memory_space<vmem>> -> memref<125xi32, #tpu.memory_space<vmem>>
        %dma_wait3A_214 = arith.constant 0 : i32
        %dma_wait3A_215 = arith.constant 0 : i32
        %dma_wait3A_216 = tpu.memref_slice %arg2[%dma_wait3A_214, %dma_wait3A_215] : memref<10000x128xbf16, #tpu.memory_space<hbm>> -> memref<10000x128xbf16, #tpu.memory_space<hbm>>
        tpu.wait_indirect_dma semaphore(%arg19 : memref<!tpu.dma_semaphore, #tpu.memory_space<semaphore_mem>>) src(%dma_wait3A_216 : memref<10000x128xbf16, #tpu.memory_space<hbm>>) dst(%arg9 : memref<125x128xbf16, #tpu.memory_space<vmem>>)
        %sub3A_217 = arith.constant 1 : i32
        %sub3A_218 = arith.subi %add3A_95, %sub3A_217 : i32
        %dma_start3A = arith.constant 1 : i32
        %dma_start3A_219 = arith.constant 0 : i32
        %dma_start3A_220 = tpu.memref_slice %arg15[%dma_start3A, %sub3A_218, %dma_start3A_219] : memref<2x80x125xi32, #tpu.memory_space<vmem>> -> memref<1x1x125xi32, #tpu.memory_space<vmem>>
        %dma_start3A_221 = tpu.memref_squeeze %dma_start3A_220 : memref<1x1x125xi32, #tpu.memory_space<vmem>> -> memref<125xi32, #tpu.memory_space<vmem>>
        %dma_start3A_222 = arith.constant 0 : i32
        %dma_start3A_223 = arith.constant 0 : i32
        %dma_start3A_224 = tpu.memref_slice %arg16[%dma_start3A_222, %dma_start3A_223] : memref<10240x128xbf16, #tpu.memory_space<vmem_shared>> -> memref<10240x128xbf16, #tpu.memory_space<vmem_shared>>
        tpu.enqueue_indirect_dma source(%arg9 : memref<125x128xbf16, #tpu.memory_space<vmem>>) target(%dma_start3A_224 : memref<10240x128xbf16, #tpu.memory_space<vmem_shared>>) offsets(%dma_start3A_221 : memref<125xi32, #tpu.memory_space<vmem>>) semaphore(%arg27 : memref<!tpu.dma_semaphore, #tpu.memory_space<semaphore_mem>>) {add = true}
      } else {
      }
      %add3A_117 = arith.constant 4 : i32
      %add3A_118 = arith.addi %mul3A_27, %add3A_117 : i32
      %ge3A_119 = arith.constant 8 : i32
      %ge3A_120 = arith.cmpi sge, %add3A_118, %ge3A_119 : i32
      %le3A_121 = arith.constant 87 : i32
      %le3A_122 = arith.cmpi sle, %add3A_118, %le3A_121 : i32
      %and3A_123 = arith.andi %ge3A_120, %le3A_122 : i1
      %convert_element_type3A_124 = arith.extui %and3A_123 : i1 to i32
      %cond3A_125 = arith.constant 0 : i32
      %cond3A_126 = arith.cmpi ne, %convert_element_type3A_124, %cond3A_125 : i32
      scf.if %cond3A_126 {
        %sub3A = arith.constant 8 : i32
        %sub3A_210 = arith.subi %add3A_118, %sub3A : i32
        %dma_wait3A = arith.constant 1 : i32
        %dma_wait3A_211 = arith.constant 0 : i32
        %dma_wait3A_212 = tpu.memref_slice %arg15[%dma_wait3A, %sub3A_210, %dma_wait3A_211] : memref<2x80x125xi32, #tpu.memory_space<vmem>> -> memref<1x1x125xi32, #tpu.memory_space<vmem>>
        %dma_wait3A_213 = tpu.memref_squeeze %dma_wait3A_212 : memref<1x1x125xi32, #tpu.memory_space<vmem>> -> memref<125xi32, #tpu.memory_space<vmem>>
        %dma_wait3A_214 = arith.constant 0 : i32
        %dma_wait3A_215 = arith.constant 0 : i32
        %dma_wait3A_216 = tpu.memref_slice %arg16[%dma_wait3A_214, %dma_wait3A_215] : memref<10240x128xbf16, #tpu.memory_space<vmem_shared>> -> memref<10240x128xbf16, #tpu.memory_space<vmem_shared>>
        tpu.wait_indirect_dma semaphore(%arg29 : memref<!tpu.dma_semaphore, #tpu.memory_space<semaphore_mem>>) src(%arg11 : memref<125x128xbf16, #tpu.memory_space<vmem>>) dst(%dma_wait3A_216 : memref<10240x128xbf16, #tpu.memory_space<vmem_shared>>)
      } else {
      }
      %le3A_127 = arith.constant 79 : i32
      %le3A_128 = arith.cmpi sle, %add3A_118, %le3A_127 : i32
      %convert_element_type3A_129 = arith.extui %le3A_128 : i1 to i32
      %cond3A_130 = arith.constant 0 : i32
      %cond3A_131 = arith.cmpi ne, %convert_element_type3A_129, %cond3A_130 : i32
      scf.if %cond3A_131 {
        %dma_start3A = arith.constant 0 : i32
        %dma_start3A_210 = arith.constant 0 : i32
        %dma_start3A_211 = tpu.memref_slice %arg15[%dma_start3A, %add3A_118, %dma_start3A_210] : memref<2x80x125xi32, #tpu.memory_space<vmem>> -> memref<1x1x125xi32, #tpu.memory_space<vmem>>
        %dma_start3A_212 = tpu.memref_squeeze %dma_start3A_211 : memref<1x1x125xi32, #tpu.memory_space<vmem>> -> memref<125xi32, #tpu.memory_space<vmem>>
        %dma_start3A_213 = arith.constant 0 : i32
        %dma_start3A_214 = arith.constant 0 : i32
        %dma_start3A_215 = tpu.memref_slice %arg2[%dma_start3A_213, %dma_start3A_214] : memref<10000x128xbf16, #tpu.memory_space<hbm>> -> memref<10000x128xbf16, #tpu.memory_space<hbm>>
        tpu.enqueue_indirect_dma source(%dma_start3A_215 : memref<10000x128xbf16, #tpu.memory_space<hbm>>) target(%arg11 : memref<125x128xbf16, #tpu.memory_space<vmem>>) offsets(%dma_start3A_212 : memref<125xi32, #tpu.memory_space<vmem>>) semaphore(%arg21 : memref<!tpu.dma_semaphore, #tpu.memory_space<semaphore_mem>>)
      } else {
      }
      %ge3A_132 = arith.constant 1 : i32
      %ge3A_133 = arith.cmpi sge, %add3A_118, %ge3A_132 : i32
      %le3A_134 = arith.constant 80 : i32
      %le3A_135 = arith.cmpi sle, %add3A_118, %le3A_134 : i32
      %and3A_136 = arith.andi %ge3A_133, %le3A_135 : i1
      %convert_element_type3A_137 = arith.extui %and3A_136 : i1 to i32
      %cond3A_138 = arith.constant 0 : i32
      %cond3A_139 = arith.cmpi ne, %convert_element_type3A_137, %cond3A_138 : i32
      scf.if %cond3A_139 {
        %sub3A = arith.constant 1 : i32
        %sub3A_210 = arith.subi %add3A_118, %sub3A : i32
        %dma_wait3A = arith.constant 0 : i32
        %dma_wait3A_211 = arith.constant 0 : i32
        %dma_wait3A_212 = tpu.memref_slice %arg15[%dma_wait3A, %sub3A_210, %dma_wait3A_211] : memref<2x80x125xi32, #tpu.memory_space<vmem>> -> memref<1x1x125xi32, #tpu.memory_space<vmem>>
        %dma_wait3A_213 = tpu.memref_squeeze %dma_wait3A_212 : memref<1x1x125xi32, #tpu.memory_space<vmem>> -> memref<125xi32, #tpu.memory_space<vmem>>
        %dma_wait3A_214 = arith.constant 0 : i32
        %dma_wait3A_215 = arith.constant 0 : i32
        %dma_wait3A_216 = tpu.memref_slice %arg2[%dma_wait3A_214, %dma_wait3A_215] : memref<10000x128xbf16, #tpu.memory_space<hbm>> -> memref<10000x128xbf16, #tpu.memory_space<hbm>>
        tpu.wait_indirect_dma semaphore(%arg20 : memref<!tpu.dma_semaphore, #tpu.memory_space<semaphore_mem>>) src(%dma_wait3A_216 : memref<10000x128xbf16, #tpu.memory_space<hbm>>) dst(%arg10 : memref<125x128xbf16, #tpu.memory_space<vmem>>)
        %sub3A_217 = arith.constant 1 : i32
        %sub3A_218 = arith.subi %add3A_118, %sub3A_217 : i32
        %dma_start3A = arith.constant 1 : i32
        %dma_start3A_219 = arith.constant 0 : i32
        %dma_start3A_220 = tpu.memref_slice %arg15[%dma_start3A, %sub3A_218, %dma_start3A_219] : memref<2x80x125xi32, #tpu.memory_space<vmem>> -> memref<1x1x125xi32, #tpu.memory_space<vmem>>
        %dma_start3A_221 = tpu.memref_squeeze %dma_start3A_220 : memref<1x1x125xi32, #tpu.memory_space<vmem>> -> memref<125xi32, #tpu.memory_space<vmem>>
        %dma_start3A_222 = arith.constant 0 : i32
        %dma_start3A_223 = arith.constant 0 : i32
        %dma_start3A_224 = tpu.memref_slice %arg16[%dma_start3A_222, %dma_start3A_223] : memref<10240x128xbf16, #tpu.memory_space<vmem_shared>> -> memref<10240x128xbf16, #tpu.memory_space<vmem_shared>>
        tpu.enqueue_indirect_dma source(%arg10 : memref<125x128xbf16, #tpu.memory_space<vmem>>) target(%dma_start3A_224 : memref<10240x128xbf16, #tpu.memory_space<vmem_shared>>) offsets(%dma_start3A_221 : memref<125xi32, #tpu.memory_space<vmem>>) semaphore(%arg28 : memref<!tpu.dma_semaphore, #tpu.memory_space<semaphore_mem>>) {add = true}
      } else {
      }
      %add3A_140 = arith.constant 5 : i32
      %add3A_141 = arith.addi %mul3A_27, %add3A_140 : i32
      %ge3A_142 = arith.constant 8 : i32
      %ge3A_143 = arith.cmpi sge, %add3A_141, %ge3A_142 : i32
      %le3A_144 = arith.constant 87 : i32
      %le3A_145 = arith.cmpi sle, %add3A_141, %le3A_144 : i32
      %and3A_146 = arith.andi %ge3A_143, %le3A_145 : i1
      %convert_element_type3A_147 = arith.extui %and3A_146 : i1 to i32
      %cond3A_148 = arith.constant 0 : i32
      %cond3A_149 = arith.cmpi ne, %convert_element_type3A_147, %cond3A_148 : i32
      scf.if %cond3A_149 {
        %sub3A = arith.constant 8 : i32
        %sub3A_210 = arith.subi %add3A_141, %sub3A : i32
        %dma_wait3A = arith.constant 1 : i32
        %dma_wait3A_211 = arith.constant 0 : i32
        %dma_wait3A_212 = tpu.memref_slice %arg15[%dma_wait3A, %sub3A_210, %dma_wait3A_211] : memref<2x80x125xi32, #tpu.memory_space<vmem>> -> memref<1x1x125xi32, #tpu.memory_space<vmem>>
        %dma_wait3A_213 = tpu.memref_squeeze %dma_wait3A_212 : memref<1x1x125xi32, #tpu.memory_space<vmem>> -> memref<125xi32, #tpu.memory_space<vmem>>
        %dma_wait3A_214 = arith.constant 0 : i32
        %dma_wait3A_215 = arith.constant 0 : i32
        %dma_wait3A_216 = tpu.memref_slice %arg16[%dma_wait3A_214, %dma_wait3A_215] : memref<10240x128xbf16, #tpu.memory_space<vmem_shared>> -> memref<10240x128xbf16, #tpu.memory_space<vmem_shared>>
        tpu.wait_indirect_dma semaphore(%arg30 : memref<!tpu.dma_semaphore, #tpu.memory_space<semaphore_mem>>) src(%arg12 : memref<125x128xbf16, #tpu.memory_space<vmem>>) dst(%dma_wait3A_216 : memref<10240x128xbf16, #tpu.memory_space<vmem_shared>>)
      } else {
      }
      %le3A_150 = arith.constant 79 : i32
      %le3A_151 = arith.cmpi sle, %add3A_141, %le3A_150 : i32
      %convert_element_type3A_152 = arith.extui %le3A_151 : i1 to i32
      %cond3A_153 = arith.constant 0 : i32
      %cond3A_154 = arith.cmpi ne, %convert_element_type3A_152, %cond3A_153 : i32
      scf.if %cond3A_154 {
        %dma_start3A = arith.constant 0 : i32
        %dma_start3A_210 = arith.constant 0 : i32
        %dma_start3A_211 = tpu.memref_slice %arg15[%dma_start3A, %add3A_141, %dma_start3A_210] : memref<2x80x125xi32, #tpu.memory_space<vmem>> -> memref<1x1x125xi32, #tpu.memory_space<vmem>>
        %dma_start3A_212 = tpu.memref_squeeze %dma_start3A_211 : memref<1x1x125xi32, #tpu.memory_space<vmem>> -> memref<125xi32, #tpu.memory_space<vmem>>
        %dma_start3A_213 = arith.constant 0 : i32
        %dma_start3A_214 = arith.constant 0 : i32
        %dma_start3A_215 = tpu.memref_slice %arg2[%dma_start3A_213, %dma_start3A_214] : memref<10000x128xbf16, #tpu.memory_space<hbm>> -> memref<10000x128xbf16, #tpu.memory_space<hbm>>
        tpu.enqueue_indirect_dma source(%dma_start3A_215 : memref<10000x128xbf16, #tpu.memory_space<hbm>>) target(%arg12 : memref<125x128xbf16, #tpu.memory_space<vmem>>) offsets(%dma_start3A_212 : memref<125xi32, #tpu.memory_space<vmem>>) semaphore(%arg22 : memref<!tpu.dma_semaphore, #tpu.memory_space<semaphore_mem>>)
      } else {
      }
      %ge3A_155 = arith.constant 1 : i32
      %ge3A_156 = arith.cmpi sge, %add3A_141, %ge3A_155 : i32
      %le3A_157 = arith.constant 80 : i32
      %le3A_158 = arith.cmpi sle, %add3A_141, %le3A_157 : i32
      %and3A_159 = arith.andi %ge3A_156, %le3A_158 : i1
      %convert_element_type3A_160 = arith.extui %and3A_159 : i1 to i32
      %cond3A_161 = arith.constant 0 : i32
      %cond3A_162 = arith.cmpi ne, %convert_element_type3A_160, %cond3A_161 : i32
      scf.if %cond3A_162 {
        %sub3A = arith.constant 1 : i32
        %sub3A_210 = arith.subi %add3A_141, %sub3A : i32
        %dma_wait3A = arith.constant 0 : i32
        %dma_wait3A_211 = arith.constant 0 : i32
        %dma_wait3A_212 = tpu.memref_slice %arg15[%dma_wait3A, %sub3A_210, %dma_wait3A_211] : memref<2x80x125xi32, #tpu.memory_space<vmem>> -> memref<1x1x125xi32, #tpu.memory_space<vmem>>
        %dma_wait3A_213 = tpu.memref_squeeze %dma_wait3A_212 : memref<1x1x125xi32, #tpu.memory_space<vmem>> -> memref<125xi32, #tpu.memory_space<vmem>>
        %dma_wait3A_214 = arith.constant 0 : i32
        %dma_wait3A_215 = arith.constant 0 : i32
        %dma_wait3A_216 = tpu.memref_slice %arg2[%dma_wait3A_214, %dma_wait3A_215] : memref<10000x128xbf16, #tpu.memory_space<hbm>> -> memref<10000x128xbf16, #tpu.memory_space<hbm>>
        tpu.wait_indirect_dma semaphore(%arg21 : memref<!tpu.dma_semaphore, #tpu.memory_space<semaphore_mem>>) src(%dma_wait3A_216 : memref<10000x128xbf16, #tpu.memory_space<hbm>>) dst(%arg11 : memref<125x128xbf16, #tpu.memory_space<vmem>>)
        %sub3A_217 = arith.constant 1 : i32
        %sub3A_218 = arith.subi %add3A_141, %sub3A_217 : i32
        %dma_start3A = arith.constant 1 : i32
        %dma_start3A_219 = arith.constant 0 : i32
        %dma_start3A_220 = tpu.memref_slice %arg15[%dma_start3A, %sub3A_218, %dma_start3A_219] : memref<2x80x125xi32, #tpu.memory_space<vmem>> -> memref<1x1x125xi32, #tpu.memory_space<vmem>>
        %dma_start3A_221 = tpu.memref_squeeze %dma_start3A_220 : memref<1x1x125xi32, #tpu.memory_space<vmem>> -> memref<125xi32, #tpu.memory_space<vmem>>
        %dma_start3A_222 = arith.constant 0 : i32
        %dma_start3A_223 = arith.constant 0 : i32
        %dma_start3A_224 = tpu.memref_slice %arg16[%dma_start3A_222, %dma_start3A_223] : memref<10240x128xbf16, #tpu.memory_space<vmem_shared>> -> memref<10240x128xbf16, #tpu.memory_space<vmem_shared>>
        tpu.enqueue_indirect_dma source(%arg11 : memref<125x128xbf16, #tpu.memory_space<vmem>>) target(%dma_start3A_224 : memref<10240x128xbf16, #tpu.memory_space<vmem_shared>>) offsets(%dma_start3A_221 : memref<125xi32, #tpu.memory_space<vmem>>) semaphore(%arg29 : memref<!tpu.dma_semaphore, #tpu.memory_space<semaphore_mem>>) {add = true}
      } else {
      }
      %add3A_163 = arith.constant 6 : i32
      %add3A_164 = arith.addi %mul3A_27, %add3A_163 : i32
      %ge3A_165 = arith.constant 8 : i32
      %ge3A_166 = arith.cmpi sge, %add3A_164, %ge3A_165 : i32
      %le3A_167 = arith.constant 87 : i32
      %le3A_168 = arith.cmpi sle, %add3A_164, %le3A_167 : i32
      %and3A_169 = arith.andi %ge3A_166, %le3A_168 : i1
      %convert_element_type3A_170 = arith.extui %and3A_169 : i1 to i32
      %cond3A_171 = arith.constant 0 : i32
      %cond3A_172 = arith.cmpi ne, %convert_element_type3A_170, %cond3A_171 : i32
      scf.if %cond3A_172 {
        %sub3A = arith.constant 8 : i32
        %sub3A_210 = arith.subi %add3A_164, %sub3A : i32
        %dma_wait3A = arith.constant 1 : i32
        %dma_wait3A_211 = arith.constant 0 : i32
        %dma_wait3A_212 = tpu.memref_slice %arg15[%dma_wait3A, %sub3A_210, %dma_wait3A_211] : memref<2x80x125xi32, #tpu.memory_space<vmem>> -> memref<1x1x125xi32, #tpu.memory_space<vmem>>
        %dma_wait3A_213 = tpu.memref_squeeze %dma_wait3A_212 : memref<1x1x125xi32, #tpu.memory_space<vmem>> -> memref<125xi32, #tpu.memory_space<vmem>>
        %dma_wait3A_214 = arith.constant 0 : i32
        %dma_wait3A_215 = arith.constant 0 : i32
        %dma_wait3A_216 = tpu.memref_slice %arg16[%dma_wait3A_214, %dma_wait3A_215] : memref<10240x128xbf16, #tpu.memory_space<vmem_shared>> -> memref<10240x128xbf16, #tpu.memory_space<vmem_shared>>
        tpu.wait_indirect_dma semaphore(%arg31 : memref<!tpu.dma_semaphore, #tpu.memory_space<semaphore_mem>>) src(%arg13 : memref<125x128xbf16, #tpu.memory_space<vmem>>) dst(%dma_wait3A_216 : memref<10240x128xbf16, #tpu.memory_space<vmem_shared>>)
      } else {
      }
      %le3A_173 = arith.constant 79 : i32
      %le3A_174 = arith.cmpi sle, %add3A_164, %le3A_173 : i32
      %convert_element_type3A_175 = arith.extui %le3A_174 : i1 to i32
      %cond3A_176 = arith.constant 0 : i32
      %cond3A_177 = arith.cmpi ne, %convert_element_type3A_175, %cond3A_176 : i32
      scf.if %cond3A_177 {
        %dma_start3A = arith.constant 0 : i32
        %dma_start3A_210 = arith.constant 0 : i32
        %dma_start3A_211 = tpu.memref_slice %arg15[%dma_start3A, %add3A_164, %dma_start3A_210] : memref<2x80x125xi32, #tpu.memory_space<vmem>> -> memref<1x1x125xi32, #tpu.memory_space<vmem>>
        %dma_start3A_212 = tpu.memref_squeeze %dma_start3A_211 : memref<1x1x125xi32, #tpu.memory_space<vmem>> -> memref<125xi32, #tpu.memory_space<vmem>>
        %dma_start3A_213 = arith.constant 0 : i32
        %dma_start3A_214 = arith.constant 0 : i32
        %dma_start3A_215 = tpu.memref_slice %arg2[%dma_start3A_213, %dma_start3A_214] : memref<10000x128xbf16, #tpu.memory_space<hbm>> -> memref<10000x128xbf16, #tpu.memory_space<hbm>>
        tpu.enqueue_indirect_dma source(%dma_start3A_215 : memref<10000x128xbf16, #tpu.memory_space<hbm>>) target(%arg13 : memref<125x128xbf16, #tpu.memory_space<vmem>>) offsets(%dma_start3A_212 : memref<125xi32, #tpu.memory_space<vmem>>) semaphore(%arg23 : memref<!tpu.dma_semaphore, #tpu.memory_space<semaphore_mem>>)
      } else {
      }
      %ge3A_178 = arith.constant 1 : i32
      %ge3A_179 = arith.cmpi sge, %add3A_164, %ge3A_178 : i32
      %le3A_180 = arith.constant 80 : i32
      %le3A_181 = arith.cmpi sle, %add3A_164, %le3A_180 : i32
      %and3A_182 = arith.andi %ge3A_179, %le3A_181 : i1
      %convert_element_type3A_183 = arith.extui %and3A_182 : i1 to i32
      %cond3A_184 = arith.constant 0 : i32
      %cond3A_185 = arith.cmpi ne, %convert_element_type3A_183, %cond3A_184 : i32
      scf.if %cond3A_185 {
        %sub3A = arith.constant 1 : i32
        %sub3A_210 = arith.subi %add3A_164, %sub3A : i32
        %dma_wait3A = arith.constant 0 : i32
        %dma_wait3A_211 = arith.constant 0 : i32
        %dma_wait3A_212 = tpu.memref_slice %arg15[%dma_wait3A, %sub3A_210, %dma_wait3A_211] : memref<2x80x125xi32, #tpu.memory_space<vmem>> -> memref<1x1x125xi32, #tpu.memory_space<vmem>>
        %dma_wait3A_213 = tpu.memref_squeeze %dma_wait3A_212 : memref<1x1x125xi32, #tpu.memory_space<vmem>> -> memref<125xi32, #tpu.memory_space<vmem>>
        %dma_wait3A_214 = arith.constant 0 : i32
        %dma_wait3A_215 = arith.constant 0 : i32
        %dma_wait3A_216 = tpu.memref_slice %arg2[%dma_wait3A_214, %dma_wait3A_215] : memref<10000x128xbf16, #tpu.memory_space<hbm>> -> memref<10000x128xbf16, #tpu.memory_space<hbm>>
        tpu.wait_indirect_dma semaphore(%arg22 : memref<!tpu.dma_semaphore, #tpu.memory_space<semaphore_mem>>) src(%dma_wait3A_216 : memref<10000x128xbf16, #tpu.memory_space<hbm>>) dst(%arg12 : memref<125x128xbf16, #tpu.memory_space<vmem>>)
        %sub3A_217 = arith.constant 1 : i32
        %sub3A_218 = arith.subi %add3A_164, %sub3A_217 : i32
        %dma_start3A = arith.constant 1 : i32
        %dma_start3A_219 = arith.constant 0 : i32
        %dma_start3A_220 = tpu.memref_slice %arg15[%dma_start3A, %sub3A_218, %dma_start3A_219] : memref<2x80x125xi32, #tpu.memory_space<vmem>> -> memref<1x1x125xi32, #tpu.memory_space<vmem>>
        %dma_start3A_221 = tpu.memref_squeeze %dma_start3A_220 : memref<1x1x125xi32, #tpu.memory_space<vmem>> -> memref<125xi32, #tpu.memory_space<vmem>>
        %dma_start3A_222 = arith.constant 0 : i32
        %dma_start3A_223 = arith.constant 0 : i32
        %dma_start3A_224 = tpu.memref_slice %arg16[%dma_start3A_222, %dma_start3A_223] : memref<10240x128xbf16, #tpu.memory_space<vmem_shared>> -> memref<10240x128xbf16, #tpu.memory_space<vmem_shared>>
        tpu.enqueue_indirect_dma source(%arg12 : memref<125x128xbf16, #tpu.memory_space<vmem>>) target(%dma_start3A_224 : memref<10240x128xbf16, #tpu.memory_space<vmem_shared>>) offsets(%dma_start3A_221 : memref<125xi32, #tpu.memory_space<vmem>>) semaphore(%arg30 : memref<!tpu.dma_semaphore, #tpu.memory_space<semaphore_mem>>) {add = true}
      } else {
      }
      %add3A_186 = arith.constant 7 : i32
      %add3A_187 = arith.addi %mul3A_27, %add3A_186 : i32
      %ge3A_188 = arith.constant 8 : i32
      %ge3A_189 = arith.cmpi sge, %add3A_187, %ge3A_188 : i32
      %le3A_190 = arith.constant 87 : i32
      %le3A_191 = arith.cmpi sle, %add3A_187, %le3A_190 : i32
      %and3A_192 = arith.andi %ge3A_189, %le3A_191 : i1
      %convert_element_type3A_193 = arith.extui %and3A_192 : i1 to i32
      %cond3A_194 = arith.constant 0 : i32
      %cond3A_195 = arith.cmpi ne, %convert_element_type3A_193, %cond3A_194 : i32
      scf.if %cond3A_195 {
        %sub3A = arith.constant 8 : i32
        %sub3A_210 = arith.subi %add3A_187, %sub3A : i32
        %dma_wait3A = arith.constant 1 : i32
        %dma_wait3A_211 = arith.constant 0 : i32
        %dma_wait3A_212 = tpu.memref_slice %arg15[%dma_wait3A, %sub3A_210, %dma_wait3A_211] : memref<2x80x125xi32, #tpu.memory_space<vmem>> -> memref<1x1x125xi32, #tpu.memory_space<vmem>>
        %dma_wait3A_213 = tpu.memref_squeeze %dma_wait3A_212 : memref<1x1x125xi32, #tpu.memory_space<vmem>> -> memref<125xi32, #tpu.memory_space<vmem>>
        %dma_wait3A_214 = arith.constant 0 : i32
        %dma_wait3A_215 = arith.constant 0 : i32
        %dma_wait3A_216 = tpu.memref_slice %arg16[%dma_wait3A_214, %dma_wait3A_215] : memref<10240x128xbf16, #tpu.memory_space<vmem_shared>> -> memref<10240x128xbf16, #tpu.memory_space<vmem_shared>>
        tpu.wait_indirect_dma semaphore(%arg32 : memref<!tpu.dma_semaphore, #tpu.memory_space<semaphore_mem>>) src(%arg14 : memref<125x128xbf16, #tpu.memory_space<vmem>>) dst(%dma_wait3A_216 : memref<10240x128xbf16, #tpu.memory_space<vmem_shared>>)
      } else {
      }
      %le3A_196 = arith.constant 79 : i32
      %le3A_197 = arith.cmpi sle, %add3A_187, %le3A_196 : i32
      %convert_element_type3A_198 = arith.extui %le3A_197 : i1 to i32
      %cond3A_199 = arith.constant 0 : i32
      %cond3A_200 = arith.cmpi ne, %convert_element_type3A_198, %cond3A_199 : i32
      scf.if %cond3A_200 {
        %dma_start3A = arith.constant 0 : i32
        %dma_start3A_210 = arith.constant 0 : i32
        %dma_start3A_211 = tpu.memref_slice %arg15[%dma_start3A, %add3A_187, %dma_start3A_210] : memref<2x80x125xi32, #tpu.memory_space<vmem>> -> memref<1x1x125xi32, #tpu.memory_space<vmem>>
        %dma_start3A_212 = tpu.memref_squeeze %dma_start3A_211 : memref<1x1x125xi32, #tpu.memory_space<vmem>> -> memref<125xi32, #tpu.memory_space<vmem>>
        %dma_start3A_213 = arith.constant 0 : i32
        %dma_start3A_214 = arith.constant 0 : i32
        %dma_start3A_215 = tpu.memref_slice %arg2[%dma_start3A_213, %dma_start3A_214] : memref<10000x128xbf16, #tpu.memory_space<hbm>> -> memref<10000x128xbf16, #tpu.memory_space<hbm>>
        tpu.enqueue_indirect_dma source(%dma_start3A_215 : memref<10000x128xbf16, #tpu.memory_space<hbm>>) target(%arg14 : memref<125x128xbf16, #tpu.memory_space<vmem>>) offsets(%dma_start3A_212 : memref<125xi32, #tpu.memory_space<vmem>>) semaphore(%arg24 : memref<!tpu.dma_semaphore, #tpu.memory_space<semaphore_mem>>)
      } else {
      }
      %ge3A_201 = arith.constant 1 : i32
      %ge3A_202 = arith.cmpi sge, %add3A_187, %ge3A_201 : i32
      %le3A_203 = arith.constant 80 : i32
      %le3A_204 = arith.cmpi sle, %add3A_187, %le3A_203 : i32
      %and3A_205 = arith.andi %ge3A_202, %le3A_204 : i1
      %convert_element_type3A_206 = arith.extui %and3A_205 : i1 to i32
      %cond3A_207 = arith.constant 0 : i32
      %cond3A_208 = arith.cmpi ne, %convert_element_type3A_206, %cond3A_207 : i32
      scf.if %cond3A_208 {
        %sub3A = arith.constant 1 : i32
        %sub3A_210 = arith.subi %add3A_187, %sub3A : i32
        %dma_wait3A = arith.constant 0 : i32
        %dma_wait3A_211 = arith.constant 0 : i32
        %dma_wait3A_212 = tpu.memref_slice %arg15[%dma_wait3A, %sub3A_210, %dma_wait3A_211] : memref<2x80x125xi32, #tpu.memory_space<vmem>> -> memref<1x1x125xi32, #tpu.memory_space<vmem>>
        %dma_wait3A_213 = tpu.memref_squeeze %dma_wait3A_212 : memref<1x1x125xi32, #tpu.memory_space<vmem>> -> memref<125xi32, #tpu.memory_space<vmem>>
        %dma_wait3A_214 = arith.constant 0 : i32
        %dma_wait3A_215 = arith.constant 0 : i32
        %dma_wait3A_216 = tpu.memref_slice %arg2[%dma_wait3A_214, %dma_wait3A_215] : memref<10000x128xbf16, #tpu.memory_space<hbm>> -> memref<10000x128xbf16, #tpu.memory_space<hbm>>
        tpu.wait_indirect_dma semaphore(%arg23 : memref<!tpu.dma_semaphore, #tpu.memory_space<semaphore_mem>>) src(%dma_wait3A_216 : memref<10000x128xbf16, #tpu.memory_space<hbm>>) dst(%arg13 : memref<125x128xbf16, #tpu.memory_space<vmem>>)
        %sub3A_217 = arith.constant 1 : i32
        %sub3A_218 = arith.subi %add3A_187, %sub3A_217 : i32
        %dma_start3A = arith.constant 1 : i32
        %dma_start3A_219 = arith.constant 0 : i32
        %dma_start3A_220 = tpu.memref_slice %arg15[%dma_start3A, %sub3A_218, %dma_start3A_219] : memref<2x80x125xi32, #tpu.memory_space<vmem>> -> memref<1x1x125xi32, #tpu.memory_space<vmem>>
        %dma_start3A_221 = tpu.memref_squeeze %dma_start3A_220 : memref<1x1x125xi32, #tpu.memory_space<vmem>> -> memref<125xi32, #tpu.memory_space<vmem>>
        %dma_start3A_222 = arith.constant 0 : i32
        %dma_start3A_223 = arith.constant 0 : i32
        %dma_start3A_224 = tpu.memref_slice %arg16[%dma_start3A_222, %dma_start3A_223] : memref<10240x128xbf16, #tpu.memory_space<vmem_shared>> -> memref<10240x128xbf16, #tpu.memory_space<vmem_shared>>
        tpu.enqueue_indirect_dma source(%arg13 : memref<125x128xbf16, #tpu.memory_space<vmem>>) target(%dma_start3A_224 : memref<10240x128xbf16, #tpu.memory_space<vmem_shared>>) offsets(%dma_start3A_221 : memref<125xi32, #tpu.memory_space<vmem>>) semaphore(%arg31 : memref<!tpu.dma_semaphore, #tpu.memory_space<semaphore_mem>>) {add = true}
      } else {
      }
      %scan3A_209 = arith.constant 0 : i32
      scf.yield %scan3A_209 : i32
    }
    %scan3A_15 = arith.constant 11 : i32
    %barrier3A_16 = arith.constant 0 : index
    tpu.barrier barrier_id(%barrier3A_16)
    %eq3A = arith.constant 0 : i32
    %eq3A_17 = arith.cmpi eq, %arg0, %eq3A : i32
    %convert_element_type3A = arith.extui %eq3A_17 : i1 to i32
    %cond3A = arith.constant 0 : i32
    %cond3A_18 = arith.cmpi ne, %convert_element_type3A, %cond3A : i32
    scf.if %cond3A_18 {
      %mul3A_24 = arith.constant 640 : i32
      %mul3A_25 = arith.muli %arg1, %mul3A_24 : i32
      %mul3A_26 = arith.constant 640 : i32
      %mul3A_27 = arith.muli %arg1, %mul3A_26 : i32
      "tpu.region"() ({
        %run_scoped3A_28 = tpu.sem_alloc : memref<!tpu.dma_semaphore, #tpu.memory_space<semaphore_mem>>
        %dma_start3A = arith.constant 0 : i32
        %dma_start3A_29 = tpu.memref_slice %arg5[%mul3A_27, %dma_start3A] : memref<10240x128xbf16, #tpu.memory_space<hbm>> -> memref<640x128xbf16, #tpu.memory_space<hbm>>
        %dma_start3A_30 = arith.constant 0 : i32
        %dma_start3A_31 = tpu.memref_slice %arg16[%mul3A_25, %dma_start3A_30] : memref<10240x128xbf16, #tpu.memory_space<vmem_shared>> -> memref<640x128xbf16, #tpu.memory_space<vmem_shared>>
        tpu.enqueue_dma source(%dma_start3A_31 : memref<640x128xbf16, #tpu.memory_space<vmem_shared>>) target(%dma_start3A_29 : memref<640x128xbf16, #tpu.memory_space<hbm>>) target_semaphore(%run_scoped3A_28 : memref<!tpu.dma_semaphore, #tpu.memory_space<semaphore_mem>>)
        %dma_wait3A = arith.constant 0 : i32
        %dma_wait3A_32 = tpu.memref_slice %arg5[%mul3A_27, %dma_wait3A] : memref<10240x128xbf16, #tpu.memory_space<hbm>> -> memref<640x128xbf16, #tpu.memory_space<hbm>>
        %dma_wait3A_33 = arith.constant 0 : i32
        %dma_wait3A_34 = tpu.memref_slice %arg16[%mul3A_25, %dma_wait3A_33] : memref<10240x128xbf16, #tpu.memory_space<vmem_shared>> -> memref<640x128xbf16, #tpu.memory_space<vmem_shared>>
        tpu.wait_dma2 semaphore(%run_scoped3A_28 : memref<!tpu.dma_semaphore, #tpu.memory_space<semaphore_mem>>) src(%dma_wait3A_34 : memref<640x128xbf16, #tpu.memory_space<vmem_shared>>) dst(%dma_wait3A_32 : memref<640x128xbf16, #tpu.memory_space<hbm>>)
        tpu.yield
      }) : () -> ()
    } else {
    }
    %eq3A_19 = arith.constant 1 : i32
    %eq3A_20 = arith.cmpi eq, %arg0, %eq3A_19 : i32
    %convert_element_type3A_21 = arith.extui %eq3A_20 : i1 to i32
    %cond3A_22 = arith.constant 0 : i32
    %cond3A_23 = arith.cmpi ne, %convert_element_type3A_21, %cond3A_22 : i32
    scf.if %cond3A_23 {
      %mul3A_24 = arith.constant 640 : i32
      %mul3A_25 = arith.muli %arg1, %mul3A_24 : i32
      %mul3A_26 = arith.constant 640 : i32
      %mul3A_27 = arith.muli %arg1, %mul3A_26 : i32
      "tpu.region"() ({
        %run_scoped3A_28 = tpu.sem_alloc : memref<!tpu.dma_semaphore, #tpu.memory_space<semaphore_mem>>
        %dma_start3A = arith.constant 0 : i32
        %dma_start3A_29 = tpu.memref_slice %arg6[%mul3A_27, %dma_start3A] : memref<10240x128xbf16, #tpu.memory_space<hbm>> -> memref<640x128xbf16, #tpu.memory_space<hbm>>
        %dma_start3A_30 = arith.constant 0 : i32
        %dma_start3A_31 = tpu.memref_slice %arg16[%mul3A_25, %dma_start3A_30] : memref<10240x128xbf16, #tpu.memory_space<vmem_shared>> -> memref<640x128xbf16, #tpu.memory_space<vmem_shared>>
        tpu.enqueue_dma source(%dma_start3A_31 : memref<640x128xbf16, #tpu.memory_space<vmem_shared>>) target(%dma_start3A_29 : memref<640x128xbf16, #tpu.memory_space<hbm>>) target_semaphore(%run_scoped3A_28 : memref<!tpu.dma_semaphore, #tpu.memory_space<semaphore_mem>>)
        %dma_wait3A = arith.constant 0 : i32
        %dma_wait3A_32 = tpu.memref_slice %arg6[%mul3A_27, %dma_wait3A] : memref<10240x128xbf16, #tpu.memory_space<hbm>> -> memref<640x128xbf16, #tpu.memory_space<hbm>>
        %dma_wait3A_33 = arith.constant 0 : i32
        %dma_wait3A_34 = tpu.memref_slice %arg16[%mul3A_25, %dma_wait3A_33] : memref<10240x128xbf16, #tpu.memory_space<vmem_shared>> -> memref<640x128xbf16, #tpu.memory_space<vmem_shared>>
        tpu.wait_dma2 semaphore(%run_scoped3A_28 : memref<!tpu.dma_semaphore, #tpu.memory_space<semaphore_mem>>) src(%dma_wait3A_34 : memref<640x128xbf16, #tpu.memory_space<vmem_shared>>) dst(%dma_wait3A_32 : memref<640x128xbf16, #tpu.memory_space<hbm>>)
        tpu.yield
      }) : () -> ()
    } else {
    }
    return
  }
}

#map = affine_map<(d0, d1) -> (0, 0)>
#map1 = affine_map<(d0, d1) -> (0, 0, 0)>
module attributes {stable_mosaic.version = 14 : i64} {
  func.func @body(%arg0: i32, %arg1: i32, %arg2: memref<10000x128xbf16, #tpu.memory_space<hbm>>, %arg3: memref<2x2560x125xi32, #tpu.memory_space<hbm>>, %arg4: memref<640x128xbf16, #tpu.memory_space<hbm>>, %arg5: memref<10240x128xbf16, #tpu.memory_space<hbm>>, %arg6: memref<10240x128xbf16, #tpu.memory_space<hbm>>, %arg7: memref<125x128xbf16, #tpu.memory_space<vmem>>, %arg8: memref<125x128xbf16, #tpu.memory_space<vmem>>, %arg9: memref<125x128xbf16, #tpu.memory_space<vmem>>, %arg10: memref<125x128xbf16, #tpu.memory_space<vmem>>, %arg11: memref<125x128xbf16, #tpu.memory_space<vmem>>, %arg12: memref<125x128xbf16, #tpu.memory_space<vmem>>, %arg13: memref<125x128xbf16, #tpu.memory_space<vmem>>, %arg14: memref<125x128xbf16, #tpu.memory_space<vmem>>, %arg15: memref<2x80x125xi32, #tpu.memory_space<vmem>>, %arg16: memref<10240x128xbf16, #tpu.memory_space<vmem_shared>>, %arg17: memref<!tpu.dma_semaphore, #tpu.memory_space<semaphore_mem>>, %arg18: memref<!tpu.dma_semaphore, #tpu.memory_space<semaphore_mem>>, %arg19: memref<!tpu.dma_semaphore, #tpu.memory_space<semaphore_mem>>, %arg20: memref<!tpu.dma_semaphore, #tpu.memory_space<semaphore_mem>>, %arg21: memref<!tpu.dma_semaphore, #tpu.memory_space<semaphore_mem>>, %arg22: memref<!tpu.dma_semaphore, #tpu.memory_space<semaphore_mem>>, %arg23: memref<!tpu.dma_semaphore, #tpu.memory_space<semaphore_mem>>, %arg24: memref<!tpu.dma_semaphore, #tpu.memory_space<semaphore_mem>>, %arg25: memref<!tpu.dma_semaphore, #tpu.memory_space<semaphore_mem>>, %arg26: memref<!tpu.dma_semaphore, #tpu.memory_space<semaphore_mem>>, %arg27: memref<!tpu.dma_semaphore, #tpu.memory_space<semaphore_mem>>, %arg28: memref<!tpu.dma_semaphore, #tpu.memory_space<semaphore_mem>>, %arg29: memref<!tpu.dma_semaphore, #tpu.memory_space<semaphore_mem>>, %arg30: memref<!tpu.dma_semaphore, #tpu.memory_space<semaphore_mem>>, %arg31: memref<!tpu.dma_semaphore, #tpu.memory_space<semaphore_mem>>, %arg32: memref<!tpu.dma_semaphore, #tpu.memory_space<semaphore_mem>>) attributes {dimension_semantics = [#tpu.dimension_semantics<core_parallel>, #tpu.dimension_semantics<subcore_parallel>], iteration_bounds = array<i64: 2, 16>, scalar_prefetch = 0 : i64, scratch_operands = 26 : i64, tpu.core_type = #tpu.core_type<sc_vector_subcore>, window_params = [{transform_indices = #map}, {transform_indices = #map1}, {transform_indices = #map}, {transform_indices = #map}, {transform_indices = #map}]} {
    %mul3A = arith.constant 2 : i32
    %mul3A_0 = arith.muli %arg1, %mul3A : i32
    %add3A = arith.addi %mul3A_0, %arg0 : i32
    %mul3A_1 = arith.constant 80 : i32
    %mul3A_2 = arith.muli %add3A, %mul3A_1 : i32
    %run_scoped3A = arith.constant 0 : i32
    %run_scoped3A_3 = arith.constant 0 : i32
    "tpu.region"() ({
      %run_scoped3A_24 = tpu.sem_alloc : memref<!tpu.dma_semaphore, #tpu.memory_space<semaphore_mem>>
      %dma_start3A = arith.constant 0 : i32
      %dma_start3A_25 = arith.constant 0 : i32
      %dma_start3A_26 = tpu.memref_slice %arg15[%run_scoped3A_3, %dma_start3A, %dma_start3A_25] : memref<2x80x125xi32, #tpu.memory_space<vmem>> -> memref<1x80x125xi32, #tpu.memory_space<vmem>>
      %dma_start3A_27 = tpu.memref_squeeze %dma_start3A_26 : memref<1x80x125xi32, #tpu.memory_space<vmem>> -> memref<80x125xi32, #tpu.memory_space<vmem>>
      %dma_start3A_28 = arith.constant 0 : i32
      %dma_start3A_29 = tpu.memref_slice %arg3[%run_scoped3A, %mul3A_2, %dma_start3A_28] : memref<2x2560x125xi32, #tpu.memory_space<hbm>> -> memref<1x80x125xi32, #tpu.memory_space<hbm>>
      %dma_start3A_30 = tpu.memref_squeeze %dma_start3A_29 : memref<1x80x125xi32, #tpu.memory_space<hbm>> -> memref<80x125xi32, #tpu.memory_space<hbm>>
      %dma_start3A_31 = arith.constant 0 : i32
      %dma_start3A_32 = arith.constant 0 : i32
      %dma_start3A_33 = tpu.memref_slice %arg15[%run_scoped3A_3, %dma_start3A_31, %dma_start3A_32] : memref<2x80x125xi32, #tpu.memory_space<vmem>> -> memref<1x80x125xi32, #tpu.memory_space<vmem>>
      %dma_start3A_34 = tpu.memref_squeeze %dma_start3A_33 : memref<1x80x125xi32, #tpu.memory_space<vmem>> -> memref<80x125xi32, #tpu.memory_space<vmem>>
      %dma_start3A_35 = arith.constant 0 : i32
      %dma_start3A_36 = tpu.memref_slice %arg3[%run_scoped3A, %mul3A_2, %dma_start3A_35] : memref<2x2560x125xi32, #tpu.memory_space<hbm>> -> memref<1x80x125xi32, #tpu.memory_space<hbm>>
      %dma_start3A_37 = tpu.memref_squeeze %dma_start3A_36 : memref<1x80x125xi32, #tpu.memory_space<hbm>> -> memref<80x125xi32, #tpu.memory_space<hbm>>
      tpu.enqueue_dma source(%dma_start3A_37 : memref<80x125xi32, #tpu.memory_space<hbm>>) target(%dma_start3A_34 : memref<80x125xi32, #tpu.memory_space<vmem>>) target_semaphore(%run_scoped3A_24 : memref<!tpu.dma_semaphore, #tpu.memory_space<semaphore_mem>>)
      %dma_wait3A = arith.constant 0 : i32
      %dma_wait3A_38 = arith.constant 0 : i32
      %dma_wait3A_39 = tpu.memref_slice %arg15[%run_scoped3A_3, %dma_wait3A, %dma_wait3A_38] : memref<2x80x125xi32, #tpu.memory_space<vmem>> -> memref<1x80x125xi32, #tpu.memory_space<vmem>>
      %dma_wait3A_40 = tpu.memref_squeeze %dma_wait3A_39 : memref<1x80x125xi32, #tpu.memory_space<vmem>> -> memref<80x125xi32, #tpu.memory_space<vmem>>
      %dma_wait3A_41 = arith.constant 0 : i32
      %dma_wait3A_42 = tpu.memref_slice %arg3[%run_scoped3A, %mul3A_2, %dma_wait3A_41] : memref<2x2560x125xi32, #tpu.memory_space<hbm>> -> memref<1x80x125xi32, #tpu.memory_space<hbm>>
      %dma_wait3A_43 = tpu.memref_squeeze %dma_wait3A_42 : memref<1x80x125xi32, #tpu.memory_space<hbm>> -> memref<80x125xi32, #tpu.memory_space<hbm>>
      %dma_wait3A_44 = arith.constant 0 : i32
      %dma_wait3A_45 = arith.constant 0 : i32
      %dma_wait3A_46 = tpu.memref_slice %arg15[%run_scoped3A_3, %dma_wait3A_44, %dma_wait3A_45] : memref<2x80x125xi32, #tpu.memory_space<vmem>> -> memref<1x80x125xi32, #tpu.memory_space<vmem>>
      %dma_wait3A_47 = tpu.memref_squeeze %dma_wait3A_46 : memref<1x80x125xi32, #tpu.memory_space<vmem>> -> memref<80x125xi32, #tpu.memory_space<vmem>>
      %dma_wait3A_48 = arith.constant 0 : i32
      %dma_wait3A_49 = tpu.memref_slice %arg3[%run_scoped3A, %mul3A_2, %dma_wait3A_48] : memref<2x2560x125xi32, #tpu.memory_space<hbm>> -> memref<1x80x125xi32, #tpu.memory_space<hbm>>
      %dma_wait3A_50 = tpu.memref_squeeze %dma_wait3A_49 : memref<1x80x125xi32, #tpu.memory_space<hbm>> -> memref<80x125xi32, #tpu.memory_space<hbm>>
      tpu.wait_dma2 semaphore(%run_scoped3A_24 : memref<!tpu.dma_semaphore, #tpu.memory_space<semaphore_mem>>) src(%dma_wait3A_50 : memref<80x125xi32, #tpu.memory_space<hbm>>) dst(%dma_wait3A_47 : memref<80x125xi32, #tpu.memory_space<vmem>>)
      tpu.yield
    }) : () -> ()
    %mul3A_4 = arith.constant 80 : i32
    %mul3A_5 = arith.muli %add3A, %mul3A_4 : i32
    %run_scoped3A_6 = arith.constant 1 : i32
    %run_scoped3A_7 = arith.constant 1 : i32
    "tpu.region"() ({
      %run_scoped3A_24 = tpu.sem_alloc : memref<!tpu.dma_semaphore, #tpu.memory_space<semaphore_mem>>
      %dma_start3A = arith.constant 0 : i32
      %dma_start3A_25 = arith.constant 0 : i32
      %dma_start3A_26 = tpu.memref_slice %arg15[%run_scoped3A_7, %dma_start3A, %dma_start3A_25] : memref<2x80x125xi32, #tpu.memory_space<vmem>> -> memref<1x80x125xi32, #tpu.memory_space<vmem>>
      %dma_start3A_27 = tpu.memref_squeeze %dma_start3A_26 : memref<1x80x125xi32, #tpu.memory_space<vmem>> -> memref<80x125xi32, #tpu.memory_space<vmem>>
      %dma_start3A_28 = arith.constant 0 : i32
      %dma_start3A_29 = tpu.memref_slice %arg3[%run_scoped3A_6, %mul3A_5, %dma_start3A_28] : memref<2x2560x125xi32, #tpu.memory_space<hbm>> -> memref<1x80x125xi32, #tpu.memory_space<hbm>>
      %dma_start3A_30 = tpu.memref_squeeze %dma_start3A_29 : memref<1x80x125xi32, #tpu.memory_space<hbm>> -> memref<80x125xi32, #tpu.memory_space<hbm>>
      %dma_start3A_31 = arith.constant 0 : i32
      %dma_start3A_32 = arith.constant 0 : i32
      %dma_start3A_33 = tpu.memref_slice %arg15[%run_scoped3A_7, %dma_start3A_31, %dma_start3A_32] : memref<2x80x125xi32, #tpu.memory_space<vmem>> -> memref<1x80x125xi32, #tpu.memory_space<vmem>>
      %dma_start3A_34 = tpu.memref_squeeze %dma_start3A_33 : memref<1x80x125xi32, #tpu.memory_space<vmem>> -> memref<80x125xi32, #tpu.memory_space<vmem>>
      %dma_start3A_35 = arith.constant 0 : i32
      %dma_start3A_36 = tpu.memref_slice %arg3[%run_scoped3A_6, %mul3A_5, %dma_start3A_35] : memref<2x2560x125xi32, #tpu.memory_space<hbm>> -> memref<1x80x125xi32, #tpu.memory_space<hbm>>
      %dma_start3A_37 = tpu.memref_squeeze %dma_start3A_36 : memref<1x80x125xi32, #tpu.memory_space<hbm>> -> memref<80x125xi32, #tpu.memory_space<hbm>>
      tpu.enqueue_dma source(%dma_start3A_37 : memref<80x125xi32, #tpu.memory_space<hbm>>) target(%dma_start3A_34 : memref<80x125xi32, #tpu.memory_space<vmem>>) target_semaphore(%run_scoped3A_24 : memref<!tpu.dma_semaphore, #tpu.memory_space<semaphore_mem>>)
      %dma_wait3A = arith.constant 0 : i32
      %dma_wait3A_38 = arith.constant 0 : i32
      %dma_wait3A_39 = tpu.memref_slice %arg15[%run_scoped3A_7, %dma_wait3A, %dma_wait3A_38] : memref<2x80x125xi32, #tpu.memory_space<vmem>> -> memref<1x80x125xi32, #tpu.memory_space<vmem>>
      %dma_wait3A_40 = tpu.memref_squeeze %dma_wait3A_39 : memref<1x80x125xi32, #tpu.memory_space<vmem>> -> memref<80x125xi32, #tpu.memory_space<vmem>>
      %dma_wait3A_41 = arith.constant 0 : i32
      %dma_wait3A_42 = tpu.memref_slice %arg3[%run_scoped3A_6, %mul3A_5, %dma_wait3A_41] : memref<2x2560x125xi32, #tpu.memory_space<hbm>> -> memref<1x80x125xi32, #tpu.memory_space<hbm>>
      %dma_wait3A_43 = tpu.memref_squeeze %dma_wait3A_42 : memref<1x80x125xi32, #tpu.memory_space<hbm>> -> memref<80x125xi32, #tpu.memory_space<hbm>>
      %dma_wait3A_44 = arith.constant 0 : i32
      %dma_wait3A_45 = arith.constant 0 : i32
      %dma_wait3A_46 = tpu.memref_slice %arg15[%run_scoped3A_7, %dma_wait3A_44, %dma_wait3A_45] : memref<2x80x125xi32, #tpu.memory_space<vmem>> -> memref<1x80x125xi32, #tpu.memory_space<vmem>>
      %dma_wait3A_47 = tpu.memref_squeeze %dma_wait3A_46 : memref<1x80x125xi32, #tpu.memory_space<vmem>> -> memref<80x125xi32, #tpu.memory_space<vmem>>
      %dma_wait3A_48 = arith.constant 0 : i32
      %dma_wait3A_49 = tpu.memref_slice %arg3[%run_scoped3A_6, %mul3A_5, %dma_wait3A_48] : memref<2x2560x125xi32, #tpu.memory_space<hbm>> -> memref<1x80x125xi32, #tpu.memory_space<hbm>>
      %dma_wait3A_50 = tpu.memref_squeeze %dma_wait3A_49 : memref<1x80x125xi32, #tpu.memory_space<hbm>> -> memref<80x125xi32, #tpu.memory_space<hbm>>
      tpu.wait_dma2 semaphore(%run_scoped3A_24 : memref<!tpu.dma_semaphore, #tpu.memory_space<semaphore_mem>>) src(%dma_wait3A_50 : memref<80x125xi32, #tpu.memory_space<hbm>>) dst(%dma_wait3A_47 : memref<80x125xi32, #tpu.memory_space<vmem>>)
      tpu.yield
    }) : () -> ()
    %mul3A_8 = arith.constant 640 : i32
    %mul3A_9 = arith.muli %arg1, %mul3A_8 : i32
    "tpu.region"() ({
      %run_scoped3A_24 = tpu.sem_alloc : memref<!tpu.dma_semaphore, #tpu.memory_space<semaphore_mem>>
      %dma_start3A = arith.constant 0 : i32
      %dma_start3A_25 = tpu.memref_slice %arg16[%mul3A_9, %dma_start3A] : memref<10240x128xbf16, #tpu.memory_space<vmem_shared>> -> memref<640x128xbf16, #tpu.memory_space<vmem_shared>>
      tpu.enqueue_dma source(%arg4 : memref<640x128xbf16, #tpu.memory_space<hbm>>) target(%dma_start3A_25 : memref<640x128xbf16, #tpu.memory_space<vmem_shared>>) target_semaphore(%run_scoped3A_24 : memref<!tpu.dma_semaphore, #tpu.memory_space<semaphore_mem>>)
      %dma_wait3A = arith.constant 0 : i32
      %dma_wait3A_26 = tpu.memref_slice %arg16[%mul3A_9, %dma_wait3A] : memref<10240x128xbf16, #tpu.memory_space<vmem_shared>> -> memref<640x128xbf16, #tpu.memory_space<vmem_shared>>
      tpu.wait_dma2 semaphore(%run_scoped3A_24 : memref<!tpu.dma_semaphore, #tpu.memory_space<semaphore_mem>>) src(%arg4 : memref<640x128xbf16, #tpu.memory_space<hbm>>) dst(%dma_wait3A_26 : memref<640x128xbf16, #tpu.memory_space<vmem_shared>>)
      tpu.yield
    }) : () -> ()
    %barrier3A = arith.constant 0 : index
    tpu.barrier barrier_id(%barrier3A)
    %scan3A = arith.constant 0 : i32
    %scan3A_10 = arith.constant 0 : i32
    %scan3A_11 = arith.constant 11 : i32
    %scan3A_12 = arith.addi %scan3A_10, %scan3A_11 : i32
    %scan3A_13 = arith.constant 1 : i32
    %scan3A_14 = scf.for %scan3A_24 = %scan3A_10 to %scan3A_12 step %scan3A_13 iter_args(%scan3A_25 = %scan3A) -> (i32)  : i32 {
      %mul3A_26 = arith.constant 8 : i32
      %mul3A_27 = arith.muli %mul3A_26, %scan3A_24 : i32
      %add3A_28 = arith.constant 0 : i32
      %add3A_29 = arith.addi %mul3A_27, %add3A_28 : i32
      %ge3A = arith.constant 8 : i32
      %ge3A_30 = arith.cmpi sge, %add3A_29, %ge3A : i32
      %le3A = arith.constant 87 : i32
      %le3A_31 = arith.cmpi sle, %add3A_29, %le3A : i32
      %and3A = arith.andi %ge3A_30, %le3A_31 : i1
      %convert_element_type3A_32 = arith.extui %and3A : i1 to i32
      %cond3A_33 = arith.constant 0 : i32
      %cond3A_34 = arith.cmpi ne, %convert_element_type3A_32, %cond3A_33 : i32
      scf.if %cond3A_34 {
        %sub3A = arith.constant 8 : i32
        %sub3A_210 = arith.subi %add3A_29, %sub3A : i32
        %dma_wait3A = arith.constant 1 : i32
        %dma_wait3A_211 = arith.constant 0 : i32
        %dma_wait3A_212 = tpu.memref_slice %arg15[%dma_wait3A, %sub3A_210, %dma_wait3A_211] : memref<2x80x125xi32, #tpu.memory_space<vmem>> -> memref<1x1x125xi32, #tpu.memory_space<vmem>>
        %dma_wait3A_213 = tpu.memref_squeeze %dma_wait3A_212 : memref<1x1x125xi32, #tpu.memory_space<vmem>> -> memref<125xi32, #tpu.memory_space<vmem>>
        %dma_wait3A_214 = arith.constant 0 : i32
        %dma_wait3A_215 = arith.constant 0 : i32
        %dma_wait3A_216 = tpu.memref_slice %arg16[%dma_wait3A_214, %dma_wait3A_215] : memref<10240x128xbf16, #tpu.memory_space<vmem_shared>> -> memref<10240x128xbf16, #tpu.memory_space<vmem_shared>>
        tpu.wait_indirect_dma semaphore(%arg25 : memref<!tpu.dma_semaphore, #tpu.memory_space<semaphore_mem>>) src(%arg7 : memref<125x128xbf16, #tpu.memory_space<vmem>>) dst(%dma_wait3A_216 : memref<10240x128xbf16, #tpu.memory_space<vmem_shared>>)
      } else {
      }
      %le3A_35 = arith.constant 79 : i32
      %le3A_36 = arith.cmpi sle, %add3A_29, %le3A_35 : i32
      %convert_element_type3A_37 = arith.extui %le3A_36 : i1 to i32
      %cond3A_38 = arith.constant 0 : i32
      %cond3A_39 = arith.cmpi ne, %convert_element_type3A_37, %cond3A_38 : i32
      scf.if %cond3A_39 {
        %dma_start3A = arith.constant 0 : i32
        %dma_start3A_210 = arith.constant 0 : i32
        %dma_start3A_211 = tpu.memref_slice %arg15[%dma_start3A, %add3A_29, %dma_start3A_210] : memref<2x80x125xi32, #tpu.memory_space<vmem>> -> memref<1x1x125xi32, #tpu.memory_space<vmem>>
        %dma_start3A_212 = tpu.memref_squeeze %dma_start3A_211 : memref<1x1x125xi32, #tpu.memory_space<vmem>> -> memref<125xi32, #tpu.memory_space<vmem>>
        %dma_start3A_213 = arith.constant 0 : i32
        %dma_start3A_214 = arith.constant 0 : i32
        %dma_start3A_215 = tpu.memref_slice %arg2[%dma_start3A_213, %dma_start3A_214] : memref<10000x128xbf16, #tpu.memory_space<hbm>> -> memref<10000x128xbf16, #tpu.memory_space<hbm>>
        tpu.enqueue_indirect_dma source(%dma_start3A_215 : memref<10000x128xbf16, #tpu.memory_space<hbm>>) target(%arg7 : memref<125x128xbf16, #tpu.memory_space<vmem>>) offsets(%dma_start3A_212 : memref<125xi32, #tpu.memory_space<vmem>>) semaphore(%arg17 : memref<!tpu.dma_semaphore, #tpu.memory_space<semaphore_mem>>)
      } else {
      }
      %ge3A_40 = arith.constant 1 : i32
      %ge3A_41 = arith.cmpi sge, %add3A_29, %ge3A_40 : i32
      %le3A_42 = arith.constant 80 : i32
      %le3A_43 = arith.cmpi sle, %add3A_29, %le3A_42 : i32
      %and3A_44 = arith.andi %ge3A_41, %le3A_43 : i1
      %convert_element_type3A_45 = arith.extui %and3A_44 : i1 to i32
      %cond3A_46 = arith.constant 0 : i32
      %cond3A_47 = arith.cmpi ne, %convert_element_type3A_45, %cond3A_46 : i32
      scf.if %cond3A_47 {
        %sub3A = arith.constant 1 : i32
        %sub3A_210 = arith.subi %add3A_29, %sub3A : i32
        %dma_wait3A = arith.constant 0 : i32
        %dma_wait3A_211 = arith.constant 0 : i32
        %dma_wait3A_212 = tpu.memref_slice %arg15[%dma_wait3A, %sub3A_210, %dma_wait3A_211] : memref<2x80x125xi32, #tpu.memory_space<vmem>> -> memref<1x1x125xi32, #tpu.memory_space<vmem>>
        %dma_wait3A_213 = tpu.memref_squeeze %dma_wait3A_212 : memref<1x1x125xi32, #tpu.memory_space<vmem>> -> memref<125xi32, #tpu.memory_space<vmem>>
        %dma_wait3A_214 = arith.constant 0 : i32
        %dma_wait3A_215 = arith.constant 0 : i32
        %dma_wait3A_216 = tpu.memref_slice %arg2[%dma_wait3A_214, %dma_wait3A_215] : memref<10000x128xbf16, #tpu.memory_space<hbm>> -> memref<10000x128xbf16, #tpu.memory_space<hbm>>
        tpu.wait_indirect_dma semaphore(%arg24 : memref<!tpu.dma_semaphore, #tpu.memory_space<semaphore_mem>>) src(%dma_wait3A_216 : memref<10000x128xbf16, #tpu.memory_space<hbm>>) dst(%arg14 : memref<125x128xbf16, #tpu.memory_space<vmem>>)
        %sub3A_217 = arith.constant 1 : i32
        %sub3A_218 = arith.subi %add3A_29, %sub3A_217 : i32
        %dma_start3A = arith.constant 1 : i32
        %dma_start3A_219 = arith.constant 0 : i32
        %dma_start3A_220 = tpu.memref_slice %arg15[%dma_start3A, %sub3A_218, %dma_start3A_219] : memref<2x80x125xi32, #tpu.memory_space<vmem>> -> memref<1x1x125xi32, #tpu.memory_space<vmem>>
        %dma_start3A_221 = tpu.memref_squeeze %dma_start3A_220 : memref<1x1x125xi32, #tpu.memory_space<vmem>> -> memref<125xi32, #tpu.memory_space<vmem>>
        %dma_start3A_222 = arith.constant 0 : i32
        %dma_start3A_223 = arith.constant 0 : i32
        %dma_start3A_224 = tpu.memref_slice %arg16[%dma_start3A_222, %dma_start3A_223] : memref<10240x128xbf16, #tpu.memory_space<vmem_shared>> -> memref<10240x128xbf16, #tpu.memory_space<vmem_shared>>
        tpu.enqueue_indirect_dma source(%arg14 : memref<125x128xbf16, #tpu.memory_space<vmem>>) target(%dma_start3A_224 : memref<10240x128xbf16, #tpu.memory_space<vmem_shared>>) offsets(%dma_start3A_221 : memref<125xi32, #tpu.memory_space<vmem>>) semaphore(%arg32 : memref<!tpu.dma_semaphore, #tpu.memory_space<semaphore_mem>>) {add = true}
      } else {
      }
      %add3A_48 = arith.constant 1 : i32
      %add3A_49 = arith.addi %mul3A_27, %add3A_48 : i32
      %ge3A_50 = arith.constant 8 : i32
      %ge3A_51 = arith.cmpi sge, %add3A_49, %ge3A_50 : i32
      %le3A_52 = arith.constant 87 : i32
      %le3A_53 = arith.cmpi sle, %add3A_49, %le3A_52 : i32
      %and3A_54 = arith.andi %ge3A_51, %le3A_53 : i1
      %convert_element_type3A_55 = arith.extui %and3A_54 : i1 to i32
      %cond3A_56 = arith.constant 0 : i32
      %cond3A_57 = arith.cmpi ne, %convert_element_type3A_55, %cond3A_56 : i32
      scf.if %cond3A_57 {
        %sub3A = arith.constant 8 : i32
        %sub3A_210 = arith.subi %add3A_49, %sub3A : i32
        %dma_wait3A = arith.constant 1 : i32
        %dma_wait3A_211 = arith.constant 0 : i32
        %dma_wait3A_212 = tpu.memref_slice %arg15[%dma_wait3A, %sub3A_210, %dma_wait3A_211] : memref<2x80x125xi32, #tpu.memory_space<vmem>> -> memref<1x1x125xi32, #tpu.memory_space<vmem>>
        %dma_wait3A_213 = tpu.memref_squeeze %dma_wait3A_212 : memref<1x1x125xi32, #tpu.memory_space<vmem>> -> memref<125xi32, #tpu.memory_space<vmem>>
        %dma_wait3A_214 = arith.constant 0 : i32
        %dma_wait3A_215 = arith.constant 0 : i32
        %dma_wait3A_216 = tpu.memref_slice %arg16[%dma_wait3A_214, %dma_wait3A_215] : memref<10240x128xbf16, #tpu.memory_space<vmem_shared>> -> memref<10240x128xbf16, #tpu.memory_space<vmem_shared>>
        tpu.wait_indirect_dma semaphore(%arg26 : memref<!tpu.dma_semaphore, #tpu.memory_space<semaphore_mem>>) src(%arg8 : memref<125x128xbf16, #tpu.memory_space<vmem>>) dst(%dma_wait3A_216 : memref<10240x128xbf16, #tpu.memory_space<vmem_shared>>)
      } else {
      }
      %le3A_58 = arith.constant 79 : i32
      %le3A_59 = arith.cmpi sle, %add3A_49, %le3A_58 : i32
      %convert_element_type3A_60 = arith.extui %le3A_59 : i1 to i32
      %cond3A_61 = arith.constant 0 : i32
      %cond3A_62 = arith.cmpi ne, %convert_element_type3A_60, %cond3A_61 : i32
      scf.if %cond3A_62 {
        %dma_start3A = arith.constant 0 : i32
        %dma_start3A_210 = arith.constant 0 : i32
        %dma_start3A_211 = tpu.memref_slice %arg15[%dma_start3A, %add3A_49, %dma_start3A_210] : memref<2x80x125xi32, #tpu.memory_space<vmem>> -> memref<1x1x125xi32, #tpu.memory_space<vmem>>
        %dma_start3A_212 = tpu.memref_squeeze %dma_start3A_211 : memref<1x1x125xi32, #tpu.memory_space<vmem>> -> memref<125xi32, #tpu.memory_space<vmem>>
        %dma_start3A_213 = arith.constant 0 : i32
        %dma_start3A_214 = arith.constant 0 : i32
        %dma_start3A_215 = tpu.memref_slice %arg2[%dma_start3A_213, %dma_start3A_214] : memref<10000x128xbf16, #tpu.memory_space<hbm>> -> memref<10000x128xbf16, #tpu.memory_space<hbm>>
        tpu.enqueue_indirect_dma source(%dma_start3A_215 : memref<10000x128xbf16, #tpu.memory_space<hbm>>) target(%arg8 : memref<125x128xbf16, #tpu.memory_space<vmem>>) offsets(%dma_start3A_212 : memref<125xi32, #tpu.memory_space<vmem>>) semaphore(%arg18 : memref<!tpu.dma_semaphore, #tpu.memory_space<semaphore_mem>>)
      } else {
      }
      %ge3A_63 = arith.constant 1 : i32
      %ge3A_64 = arith.cmpi sge, %add3A_49, %ge3A_63 : i32
      %le3A_65 = arith.constant 80 : i32
      %le3A_66 = arith.cmpi sle, %add3A_49, %le3A_65 : i32
      %and3A_67 = arith.andi %ge3A_64, %le3A_66 : i1
      %convert_element_type3A_68 = arith.extui %and3A_67 : i1 to i32
      %cond3A_69 = arith.constant 0 : i32
      %cond3A_70 = arith.cmpi ne, %convert_element_type3A_68, %cond3A_69 : i32
      scf.if %cond3A_70 {
        %sub3A = arith.constant 1 : i32
        %sub3A_210 = arith.subi %add3A_49, %sub3A : i32
        %dma_wait3A = arith.constant 0 : i32
        %dma_wait3A_211 = arith.constant 0 : i32
        %dma_wait3A_212 = tpu.memref_slice %arg15[%dma_wait3A, %sub3A_210, %dma_wait3A_211] : memref<2x80x125xi32, #tpu.memory_space<vmem>> -> memref<1x1x125xi32, #tpu.memory_space<vmem>>
        %dma_wait3A_213 = tpu.memref_squeeze %dma_wait3A_212 : memref<1x1x125xi32, #tpu.memory_space<vmem>> -> memref<125xi32, #tpu.memory_space<vmem>>
        %dma_wait3A_214 = arith.constant 0 : i32
        %dma_wait3A_215 = arith.constant 0 : i32
        %dma_wait3A_216 = tpu.memref_slice %arg2[%dma_wait3A_214, %dma_wait3A_215] : memref<10000x128xbf16, #tpu.memory_space<hbm>> -> memref<10000x128xbf16, #tpu.memory_space<hbm>>
        tpu.wait_indirect_dma semaphore(%arg17 : memref<!tpu.dma_semaphore, #tpu.memory_space<semaphore_mem>>) src(%dma_wait3A_216 : memref<10000x128xbf16, #tpu.memory_space<hbm>>) dst(%arg7 : memref<125x128xbf16, #tpu.memory_space<vmem>>)
        %sub3A_217 = arith.constant 1 : i32
        %sub3A_218 = arith.subi %add3A_49, %sub3A_217 : i32
        %dma_start3A = arith.constant 1 : i32
        %dma_start3A_219 = arith.constant 0 : i32
        %dma_start3A_220 = tpu.memref_slice %arg15[%dma_start3A, %sub3A_218, %dma_start3A_219] : memref<2x80x125xi32, #tpu.memory_space<vmem>> -> memref<1x1x125xi32, #tpu.memory_space<vmem>>
        %dma_start3A_221 = tpu.memref_squeeze %dma_start3A_220 : memref<1x1x125xi32, #tpu.memory_space<vmem>> -> memref<125xi32, #tpu.memory_space<vmem>>
        %dma_start3A_222 = arith.constant 0 : i32
        %dma_start3A_223 = arith.constant 0 : i32
        %dma_start3A_224 = tpu.memref_slice %arg16[%dma_start3A_222, %dma_start3A_223] : memref<10240x128xbf16, #tpu.memory_space<vmem_shared>> -> memref<10240x128xbf16, #tpu.memory_space<vmem_shared>>
        tpu.enqueue_indirect_dma source(%arg7 : memref<125x128xbf16, #tpu.memory_space<vmem>>) target(%dma_start3A_224 : memref<10240x128xbf16, #tpu.memory_space<vmem_shared>>) offsets(%dma_start3A_221 : memref<125xi32, #tpu.memory_space<vmem>>) semaphore(%arg25 : memref<!tpu.dma_semaphore, #tpu.memory_space<semaphore_mem>>) {add = true}
      } else {
      }
      %add3A_71 = arith.constant 2 : i32
      %add3A_72 = arith.addi %mul3A_27, %add3A_71 : i32
      %ge3A_73 = arith.constant 8 : i32
      %ge3A_74 = arith.cmpi sge, %add3A_72, %ge3A_73 : i32
      %le3A_75 = arith.constant 87 : i32
      %le3A_76 = arith.cmpi sle, %add3A_72, %le3A_75 : i32
      %and3A_77 = arith.andi %ge3A_74, %le3A_76 : i1
      %convert_element_type3A_78 = arith.extui %and3A_77 : i1 to i32
      %cond3A_79 = arith.constant 0 : i32
      %cond3A_80 = arith.cmpi ne, %convert_element_type3A_78, %cond3A_79 : i32
      scf.if %cond3A_80 {
        %sub3A = arith.constant 8 : i32
        %sub3A_210 = arith.subi %add3A_72, %sub3A : i32
        %dma_wait3A = arith.constant 1 : i32
        %dma_wait3A_211 = arith.constant 0 : i32
        %dma_wait3A_212 = tpu.memref_slice %arg15[%dma_wait3A, %sub3A_210, %dma_wait3A_211] : memref<2x80x125xi32, #tpu.memory_space<vmem>> -> memref<1x1x125xi32, #tpu.memory_space<vmem>>
        %dma_wait3A_213 = tpu.memref_squeeze %dma_wait3A_212 : memref<1x1x125xi32, #tpu.memory_space<vmem>> -> memref<125xi32, #tpu.memory_space<vmem>>
        %dma_wait3A_214 = arith.constant 0 : i32
        %dma_wait3A_215 = arith.constant 0 : i32
        %dma_wait3A_216 = tpu.memref_slice %arg16[%dma_wait3A_214, %dma_wait3A_215] : memref<10240x128xbf16, #tpu.memory_space<vmem_shared>> -> memref<10240x128xbf16, #tpu.memory_space<vmem_shared>>
        tpu.wait_indirect_dma semaphore(%arg27 : memref<!tpu.dma_semaphore, #tpu.memory_space<semaphore_mem>>) src(%arg9 : memref<125x128xbf16, #tpu.memory_space<vmem>>) dst(%dma_wait3A_216 : memref<10240x128xbf16, #tpu.memory_space<vmem_shared>>)
      } else {
      }
      %le3A_81 = arith.constant 79 : i32
      %le3A_82 = arith.cmpi sle, %add3A_72, %le3A_81 : i32
      %convert_element_type3A_83 = arith.extui %le3A_82 : i1 to i32
      %cond3A_84 = arith.constant 0 : i32
      %cond3A_85 = arith.cmpi ne, %convert_element_type3A_83, %cond3A_84 : i32
      scf.if %cond3A_85 {
        %dma_start3A = arith.constant 0 : i32
        %dma_start3A_210 = arith.constant 0 : i32
        %dma_start3A_211 = tpu.memref_slice %arg15[%dma_start3A, %add3A_72, %dma_start3A_210] : memref<2x80x125xi32, #tpu.memory_space<vmem>> -> memref<1x1x125xi32, #tpu.memory_space<vmem>>
        %dma_start3A_212 = tpu.memref_squeeze %dma_start3A_211 : memref<1x1x125xi32, #tpu.memory_space<vmem>> -> memref<125xi32, #tpu.memory_space<vmem>>
        %dma_start3A_213 = arith.constant 0 : i32
        %dma_start3A_214 = arith.constant 0 : i32
        %dma_start3A_215 = tpu.memref_slice %arg2[%dma_start3A_213, %dma_start3A_214] : memref<10000x128xbf16, #tpu.memory_space<hbm>> -> memref<10000x128xbf16, #tpu.memory_space<hbm>>
        tpu.enqueue_indirect_dma source(%dma_start3A_215 : memref<10000x128xbf16, #tpu.memory_space<hbm>>) target(%arg9 : memref<125x128xbf16, #tpu.memory_space<vmem>>) offsets(%dma_start3A_212 : memref<125xi32, #tpu.memory_space<vmem>>) semaphore(%arg19 : memref<!tpu.dma_semaphore, #tpu.memory_space<semaphore_mem>>)
      } else {
      }
      %ge3A_86 = arith.constant 1 : i32
      %ge3A_87 = arith.cmpi sge, %add3A_72, %ge3A_86 : i32
      %le3A_88 = arith.constant 80 : i32
      %le3A_89 = arith.cmpi sle, %add3A_72, %le3A_88 : i32
      %and3A_90 = arith.andi %ge3A_87, %le3A_89 : i1
      %convert_element_type3A_91 = arith.extui %and3A_90 : i1 to i32
      %cond3A_92 = arith.constant 0 : i32
      %cond3A_93 = arith.cmpi ne, %convert_element_type3A_91, %cond3A_92 : i32
      scf.if %cond3A_93 {
        %sub3A = arith.constant 1 : i32
        %sub3A_210 = arith.subi %add3A_72, %sub3A : i32
        %dma_wait3A = arith.constant 0 : i32
        %dma_wait3A_211 = arith.constant 0 : i32
        %dma_wait3A_212 = tpu.memref_slice %arg15[%dma_wait3A, %sub3A_210, %dma_wait3A_211] : memref<2x80x125xi32, #tpu.memory_space<vmem>> -> memref<1x1x125xi32, #tpu.memory_space<vmem>>
        %dma_wait3A_213 = tpu.memref_squeeze %dma_wait3A_212 : memref<1x1x125xi32, #tpu.memory_space<vmem>> -> memref<125xi32, #tpu.memory_space<vmem>>
        %dma_wait3A_214 = arith.constant 0 : i32
        %dma_wait3A_215 = arith.constant 0 : i32
        %dma_wait3A_216 = tpu.memref_slice %arg2[%dma_wait3A_214, %dma_wait3A_215] : memref<10000x128xbf16, #tpu.memory_space<hbm>> -> memref<10000x128xbf16, #tpu.memory_space<hbm>>
        tpu.wait_indirect_dma semaphore(%arg18 : memref<!tpu.dma_semaphore, #tpu.memory_space<semaphore_mem>>) src(%dma_wait3A_216 : memref<10000x128xbf16, #tpu.memory_space<hbm>>) dst(%arg8 : memref<125x128xbf16, #tpu.memory_space<vmem>>)
        %sub3A_217 = arith.constant 1 : i32
        %sub3A_218 = arith.subi %add3A_72, %sub3A_217 : i32
        %dma_start3A = arith.constant 1 : i32
        %dma_start3A_219 = arith.constant 0 : i32
        %dma_start3A_220 = tpu.memref_slice %arg15[%dma_start3A, %sub3A_218, %dma_start3A_219] : memref<2x80x125xi32, #tpu.memory_space<vmem>> -> memref<1x1x125xi32, #tpu.memory_space<vmem>>
        %dma_start3A_221 = tpu.memref_squeeze %dma_start3A_220 : memref<1x1x125xi32, #tpu.memory_space<vmem>> -> memref<125xi32, #tpu.memory_space<vmem>>
        %dma_start3A_222 = arith.constant 0 : i32
        %dma_start3A_223 = arith.constant 0 : i32
        %dma_start3A_224 = tpu.memref_slice %arg16[%dma_start3A_222, %dma_start3A_223] : memref<10240x128xbf16, #tpu.memory_space<vmem_shared>> -> memref<10240x128xbf16, #tpu.memory_space<vmem_shared>>
        tpu.enqueue_indirect_dma source(%arg8 : memref<125x128xbf16, #tpu.memory_space<vmem>>) target(%dma_start3A_224 : memref<10240x128xbf16, #tpu.memory_space<vmem_shared>>) offsets(%dma_start3A_221 : memref<125xi32, #tpu.memory_space<vmem>>) semaphore(%arg26 : memref<!tpu.dma_semaphore, #tpu.memory_space<semaphore_mem>>) {add = true}
      } else {
      }
      %add3A_94 = arith.constant 3 : i32
      %add3A_95 = arith.addi %mul3A_27, %add3A_94 : i32
      %ge3A_96 = arith.constant 8 : i32
      %ge3A_97 = arith.cmpi sge, %add3A_95, %ge3A_96 : i32
      %le3A_98 = arith.constant 87 : i32
      %le3A_99 = arith.cmpi sle, %add3A_95, %le3A_98 : i32
      %and3A_100 = arith.andi %ge3A_97, %le3A_99 : i1
      %convert_element_type3A_101 = arith.extui %and3A_100 : i1 to i32
      %cond3A_102 = arith.constant 0 : i32
      %cond3A_103 = arith.cmpi ne, %convert_element_type3A_101, %cond3A_102 : i32
      scf.if %cond3A_103 {
        %sub3A = arith.constant 8 : i32
        %sub3A_210 = arith.subi %add3A_95, %sub3A : i32
        %dma_wait3A = arith.constant 1 : i32
        %dma_wait3A_211 = arith.constant 0 : i32
        %dma_wait3A_212 = tpu.memref_slice %arg15[%dma_wait3A, %sub3A_210, %dma_wait3A_211] : memref<2x80x125xi32, #tpu.memory_space<vmem>> -> memref<1x1x125xi32, #tpu.memory_space<vmem>>
        %dma_wait3A_213 = tpu.memref_squeeze %dma_wait3A_212 : memref<1x1x125xi32, #tpu.memory_space<vmem>> -> memref<125xi32, #tpu.memory_space<vmem>>
        %dma_wait3A_214 = arith.constant 0 : i32
        %dma_wait3A_215 = arith.constant 0 : i32
        %dma_wait3A_216 = tpu.memref_slice %arg16[%dma_wait3A_214, %dma_wait3A_215] : memref<10240x128xbf16, #tpu.memory_space<vmem_shared>> -> memref<10240x128xbf16, #tpu.memory_space<vmem_shared>>
        tpu.wait_indirect_dma semaphore(%arg28 : memref<!tpu.dma_semaphore, #tpu.memory_space<semaphore_mem>>) src(%arg10 : memref<125x128xbf16, #tpu.memory_space<vmem>>) dst(%dma_wait3A_216 : memref<10240x128xbf16, #tpu.memory_space<vmem_shared>>)
      } else {
      }
      %le3A_104 = arith.constant 79 : i32
      %le3A_105 = arith.cmpi sle, %add3A_95, %le3A_104 : i32
      %convert_element_type3A_106 = arith.extui %le3A_105 : i1 to i32
      %cond3A_107 = arith.constant 0 : i32
      %cond3A_108 = arith.cmpi ne, %convert_element_type3A_106, %cond3A_107 : i32
      scf.if %cond3A_108 {
        %dma_start3A = arith.constant 0 : i32
        %dma_start3A_210 = arith.constant 0 : i32
        %dma_start3A_211 = tpu.memref_slice %arg15[%dma_start3A, %add3A_95, %dma_start3A_210] : memref<2x80x125xi32, #tpu.memory_space<vmem>> -> memref<1x1x125xi32, #tpu.memory_space<vmem>>
        %dma_start3A_212 = tpu.memref_squeeze %dma_start3A_211 : memref<1x1x125xi32, #tpu.memory_space<vmem>> -> memref<125xi32, #tpu.memory_space<vmem>>
        %dma_start3A_213 = arith.constant 0 : i32
        %dma_start3A_214 = arith.constant 0 : i32
        %dma_start3A_215 = tpu.memref_slice %arg2[%dma_start3A_213, %dma_start3A_214] : memref<10000x128xbf16, #tpu.memory_space<hbm>> -> memref<10000x128xbf16, #tpu.memory_space<hbm>>
        tpu.enqueue_indirect_dma source(%dma_start3A_215 : memref<10000x128xbf16, #tpu.memory_space<hbm>>) target(%arg10 : memref<125x128xbf16, #tpu.memory_space<vmem>>) offsets(%dma_start3A_212 : memref<125xi32, #tpu.memory_space<vmem>>) semaphore(%arg20 : memref<!tpu.dma_semaphore, #tpu.memory_space<semaphore_mem>>)
      } else {
      }
      %ge3A_109 = arith.constant 1 : i32
      %ge3A_110 = arith.cmpi sge, %add3A_95, %ge3A_109 : i32
      %le3A_111 = arith.constant 80 : i32
      %le3A_112 = arith.cmpi sle, %add3A_95, %le3A_111 : i32
      %and3A_113 = arith.andi %ge3A_110, %le3A_112 : i1
      %convert_element_type3A_114 = arith.extui %and3A_113 : i1 to i32
      %cond3A_115 = arith.constant 0 : i32
      %cond3A_116 = arith.cmpi ne, %convert_element_type3A_114, %cond3A_115 : i32
      scf.if %cond3A_116 {
        %sub3A = arith.constant 1 : i32
        %sub3A_210 = arith.subi %add3A_95, %sub3A : i32
        %dma_wait3A = arith.constant 0 : i32
        %dma_wait3A_211 = arith.constant 0 : i32
        %dma_wait3A_212 = tpu.memref_slice %arg15[%dma_wait3A, %sub3A_210, %dma_wait3A_211] : memref<2x80x125xi32, #tpu.memory_space<vmem>> -> memref<1x1x125xi32, #tpu.memory_space<vmem>>
        %dma_wait3A_213 = tpu.memref_squeeze %dma_wait3A_212 : memref<1x1x125xi32, #tpu.memory_space<vmem>> -> memref<125xi32, #tpu.memory_space<vmem>>
        %dma_wait3A_214 = arith.constant 0 : i32
        %dma_wait3A_215 = arith.constant 0 : i32
        %dma_wait3A_216 = tpu.memref_slice %arg2[%dma_wait3A_214, %dma_wait3A_215] : memref<10000x128xbf16, #tpu.memory_space<hbm>> -> memref<10000x128xbf16, #tpu.memory_space<hbm>>
        tpu.wait_indirect_dma semaphore(%arg19 : memref<!tpu.dma_semaphore, #tpu.memory_space<semaphore_mem>>) src(%dma_wait3A_216 : memref<10000x128xbf16, #tpu.memory_space<hbm>>) dst(%arg9 : memref<125x128xbf16, #tpu.memory_space<vmem>>)
        %sub3A_217 = arith.constant 1 : i32
        %sub3A_218 = arith.subi %add3A_95, %sub3A_217 : i32
        %dma_start3A = arith.constant 1 : i32
        %dma_start3A_219 = arith.constant 0 : i32
        %dma_start3A_220 = tpu.memref_slice %arg15[%dma_start3A, %sub3A_218, %dma_start3A_219] : memref<2x80x125xi32, #tpu.memory_space<vmem>> -> memref<1x1x125xi32, #tpu.memory_space<vmem>>
        %dma_start3A_221 = tpu.memref_squeeze %dma_start3A_220 : memref<1x1x125xi32, #tpu.memory_space<vmem>> -> memref<125xi32, #tpu.memory_space<vmem>>
        %dma_start3A_222 = arith.constant 0 : i32
        %dma_start3A_223 = arith.constant 0 : i32
        %dma_start3A_224 = tpu.memref_slice %arg16[%dma_start3A_222, %dma_start3A_223] : memref<10240x128xbf16, #tpu.memory_space<vmem_shared>> -> memref<10240x128xbf16, #tpu.memory_space<vmem_shared>>
        tpu.enqueue_indirect_dma source(%arg9 : memref<125x128xbf16, #tpu.memory_space<vmem>>) target(%dma_start3A_224 : memref<10240x128xbf16, #tpu.memory_space<vmem_shared>>) offsets(%dma_start3A_221 : memref<125xi32, #tpu.memory_space<vmem>>) semaphore(%arg27 : memref<!tpu.dma_semaphore, #tpu.memory_space<semaphore_mem>>) {add = true}
      } else {
      }
      %add3A_117 = arith.constant 4 : i32
      %add3A_118 = arith.addi %mul3A_27, %add3A_117 : i32
      %ge3A_119 = arith.constant 8 : i32
      %ge3A_120 = arith.cmpi sge, %add3A_118, %ge3A_119 : i32
      %le3A_121 = arith.constant 87 : i32
      %le3A_122 = arith.cmpi sle, %add3A_118, %le3A_121 : i32
      %and3A_123 = arith.andi %ge3A_120, %le3A_122 : i1
      %convert_element_type3A_124 = arith.extui %and3A_123 : i1 to i32
      %cond3A_125 = arith.constant 0 : i32
      %cond3A_126 = arith.cmpi ne, %convert_element_type3A_124, %cond3A_125 : i32
      scf.if %cond3A_126 {
        %sub3A = arith.constant 8 : i32
        %sub3A_210 = arith.subi %add3A_118, %sub3A : i32
        %dma_wait3A = arith.constant 1 : i32
        %dma_wait3A_211 = arith.constant 0 : i32
        %dma_wait3A_212 = tpu.memref_slice %arg15[%dma_wait3A, %sub3A_210, %dma_wait3A_211] : memref<2x80x125xi32, #tpu.memory_space<vmem>> -> memref<1x1x125xi32, #tpu.memory_space<vmem>>
        %dma_wait3A_213 = tpu.memref_squeeze %dma_wait3A_212 : memref<1x1x125xi32, #tpu.memory_space<vmem>> -> memref<125xi32, #tpu.memory_space<vmem>>
        %dma_wait3A_214 = arith.constant 0 : i32
        %dma_wait3A_215 = arith.constant 0 : i32
        %dma_wait3A_216 = tpu.memref_slice %arg16[%dma_wait3A_214, %dma_wait3A_215] : memref<10240x128xbf16, #tpu.memory_space<vmem_shared>> -> memref<10240x128xbf16, #tpu.memory_space<vmem_shared>>
        tpu.wait_indirect_dma semaphore(%arg29 : memref<!tpu.dma_semaphore, #tpu.memory_space<semaphore_mem>>) src(%arg11 : memref<125x128xbf16, #tpu.memory_space<vmem>>) dst(%dma_wait3A_216 : memref<10240x128xbf16, #tpu.memory_space<vmem_shared>>)
      } else {
      }
      %le3A_127 = arith.constant 79 : i32
      %le3A_128 = arith.cmpi sle, %add3A_118, %le3A_127 : i32
      %convert_element_type3A_129 = arith.extui %le3A_128 : i1 to i32
      %cond3A_130 = arith.constant 0 : i32
      %cond3A_131 = arith.cmpi ne, %convert_element_type3A_129, %cond3A_130 : i32
      scf.if %cond3A_131 {
        %dma_start3A = arith.constant 0 : i32
        %dma_start3A_210 = arith.constant 0 : i32
        %dma_start3A_211 = tpu.memref_slice %arg15[%dma_start3A, %add3A_118, %dma_start3A_210] : memref<2x80x125xi32, #tpu.memory_space<vmem>> -> memref<1x1x125xi32, #tpu.memory_space<vmem>>
        %dma_start3A_212 = tpu.memref_squeeze %dma_start3A_211 : memref<1x1x125xi32, #tpu.memory_space<vmem>> -> memref<125xi32, #tpu.memory_space<vmem>>
        %dma_start3A_213 = arith.constant 0 : i32
        %dma_start3A_214 = arith.constant 0 : i32
        %dma_start3A_215 = tpu.memref_slice %arg2[%dma_start3A_213, %dma_start3A_214] : memref<10000x128xbf16, #tpu.memory_space<hbm>> -> memref<10000x128xbf16, #tpu.memory_space<hbm>>
        tpu.enqueue_indirect_dma source(%dma_start3A_215 : memref<10000x128xbf16, #tpu.memory_space<hbm>>) target(%arg11 : memref<125x128xbf16, #tpu.memory_space<vmem>>) offsets(%dma_start3A_212 : memref<125xi32, #tpu.memory_space<vmem>>) semaphore(%arg21 : memref<!tpu.dma_semaphore, #tpu.memory_space<semaphore_mem>>)
      } else {
      }
      %ge3A_132 = arith.constant 1 : i32
      %ge3A_133 = arith.cmpi sge, %add3A_118, %ge3A_132 : i32
      %le3A_134 = arith.constant 80 : i32
      %le3A_135 = arith.cmpi sle, %add3A_118, %le3A_134 : i32
      %and3A_136 = arith.andi %ge3A_133, %le3A_135 : i1
      %convert_element_type3A_137 = arith.extui %and3A_136 : i1 to i32
      %cond3A_138 = arith.constant 0 : i32
      %cond3A_139 = arith.cmpi ne, %convert_element_type3A_137, %cond3A_138 : i32
      scf.if %cond3A_139 {
        %sub3A = arith.constant 1 : i32
        %sub3A_210 = arith.subi %add3A_118, %sub3A : i32
        %dma_wait3A = arith.constant 0 : i32
        %dma_wait3A_211 = arith.constant 0 : i32
        %dma_wait3A_212 = tpu.memref_slice %arg15[%dma_wait3A, %sub3A_210, %dma_wait3A_211] : memref<2x80x125xi32, #tpu.memory_space<vmem>> -> memref<1x1x125xi32, #tpu.memory_space<vmem>>
        %dma_wait3A_213 = tpu.memref_squeeze %dma_wait3A_212 : memref<1x1x125xi32, #tpu.memory_space<vmem>> -> memref<125xi32, #tpu.memory_space<vmem>>
        %dma_wait3A_214 = arith.constant 0 : i32
        %dma_wait3A_215 = arith.constant 0 : i32
        %dma_wait3A_216 = tpu.memref_slice %arg2[%dma_wait3A_214, %dma_wait3A_215] : memref<10000x128xbf16, #tpu.memory_space<hbm>> -> memref<10000x128xbf16, #tpu.memory_space<hbm>>
        tpu.wait_indirect_dma semaphore(%arg20 : memref<!tpu.dma_semaphore, #tpu.memory_space<semaphore_mem>>) src(%dma_wait3A_216 : memref<10000x128xbf16, #tpu.memory_space<hbm>>) dst(%arg10 : memref<125x128xbf16, #tpu.memory_space<vmem>>)
        %sub3A_217 = arith.constant 1 : i32
        %sub3A_218 = arith.subi %add3A_118, %sub3A_217 : i32
        %dma_start3A = arith.constant 1 : i32
        %dma_start3A_219 = arith.constant 0 : i32
        %dma_start3A_220 = tpu.memref_slice %arg15[%dma_start3A, %sub3A_218, %dma_start3A_219] : memref<2x80x125xi32, #tpu.memory_space<vmem>> -> memref<1x1x125xi32, #tpu.memory_space<vmem>>
        %dma_start3A_221 = tpu.memref_squeeze %dma_start3A_220 : memref<1x1x125xi32, #tpu.memory_space<vmem>> -> memref<125xi32, #tpu.memory_space<vmem>>
        %dma_start3A_222 = arith.constant 0 : i32
        %dma_start3A_223 = arith.constant 0 : i32
        %dma_start3A_224 = tpu.memref_slice %arg16[%dma_start3A_222, %dma_start3A_223] : memref<10240x128xbf16, #tpu.memory_space<vmem_shared>> -> memref<10240x128xbf16, #tpu.memory_space<vmem_shared>>
        tpu.enqueue_indirect_dma source(%arg10 : memref<125x128xbf16, #tpu.memory_space<vmem>>) target(%dma_start3A_224 : memref<10240x128xbf16, #tpu.memory_space<vmem_shared>>) offsets(%dma_start3A_221 : memref<125xi32, #tpu.memory_space<vmem>>) semaphore(%arg28 : memref<!tpu.dma_semaphore, #tpu.memory_space<semaphore_mem>>) {add = true}
      } else {
      }
      %add3A_140 = arith.constant 5 : i32
      %add3A_141 = arith.addi %mul3A_27, %add3A_140 : i32
      %ge3A_142 = arith.constant 8 : i32
      %ge3A_143 = arith.cmpi sge, %add3A_141, %ge3A_142 : i32
      %le3A_144 = arith.constant 87 : i32
      %le3A_145 = arith.cmpi sle, %add3A_141, %le3A_144 : i32
      %and3A_146 = arith.andi %ge3A_143, %le3A_145 : i1
      %convert_element_type3A_147 = arith.extui %and3A_146 : i1 to i32
      %cond3A_148 = arith.constant 0 : i32
      %cond3A_149 = arith.cmpi ne, %convert_element_type3A_147, %cond3A_148 : i32
      scf.if %cond3A_149 {
        %sub3A = arith.constant 8 : i32
        %sub3A_210 = arith.subi %add3A_141, %sub3A : i32
        %dma_wait3A = arith.constant 1 : i32
        %dma_wait3A_211 = arith.constant 0 : i32
        %dma_wait3A_212 = tpu.memref_slice %arg15[%dma_wait3A, %sub3A_210, %dma_wait3A_211] : memref<2x80x125xi32, #tpu.memory_space<vmem>> -> memref<1x1x125xi32, #tpu.memory_space<vmem>>
        %dma_wait3A_213 = tpu.memref_squeeze %dma_wait3A_212 : memref<1x1x125xi32, #tpu.memory_space<vmem>> -> memref<125xi32, #tpu.memory_space<vmem>>
        %dma_wait3A_214 = arith.constant 0 : i32
        %dma_wait3A_215 = arith.constant 0 : i32
        %dma_wait3A_216 = tpu.memref_slice %arg16[%dma_wait3A_214, %dma_wait3A_215] : memref<10240x128xbf16, #tpu.memory_space<vmem_shared>> -> memref<10240x128xbf16, #tpu.memory_space<vmem_shared>>
        tpu.wait_indirect_dma semaphore(%arg30 : memref<!tpu.dma_semaphore, #tpu.memory_space<semaphore_mem>>) src(%arg12 : memref<125x128xbf16, #tpu.memory_space<vmem>>) dst(%dma_wait3A_216 : memref<10240x128xbf16, #tpu.memory_space<vmem_shared>>)
      } else {
      }
      %le3A_150 = arith.constant 79 : i32
      %le3A_151 = arith.cmpi sle, %add3A_141, %le3A_150 : i32
      %convert_element_type3A_152 = arith.extui %le3A_151 : i1 to i32
      %cond3A_153 = arith.constant 0 : i32
      %cond3A_154 = arith.cmpi ne, %convert_element_type3A_152, %cond3A_153 : i32
      scf.if %cond3A_154 {
        %dma_start3A = arith.constant 0 : i32
        %dma_start3A_210 = arith.constant 0 : i32
        %dma_start3A_211 = tpu.memref_slice %arg15[%dma_start3A, %add3A_141, %dma_start3A_210] : memref<2x80x125xi32, #tpu.memory_space<vmem>> -> memref<1x1x125xi32, #tpu.memory_space<vmem>>
        %dma_start3A_212 = tpu.memref_squeeze %dma_start3A_211 : memref<1x1x125xi32, #tpu.memory_space<vmem>> -> memref<125xi32, #tpu.memory_space<vmem>>
        %dma_start3A_213 = arith.constant 0 : i32
        %dma_start3A_214 = arith.constant 0 : i32
        %dma_start3A_215 = tpu.memref_slice %arg2[%dma_start3A_213, %dma_start3A_214] : memref<10000x128xbf16, #tpu.memory_space<hbm>> -> memref<10000x128xbf16, #tpu.memory_space<hbm>>
        tpu.enqueue_indirect_dma source(%dma_start3A_215 : memref<10000x128xbf16, #tpu.memory_space<hbm>>) target(%arg12 : memref<125x128xbf16, #tpu.memory_space<vmem>>) offsets(%dma_start3A_212 : memref<125xi32, #tpu.memory_space<vmem>>) semaphore(%arg22 : memref<!tpu.dma_semaphore, #tpu.memory_space<semaphore_mem>>)
      } else {
      }
      %ge3A_155 = arith.constant 1 : i32
      %ge3A_156 = arith.cmpi sge, %add3A_141, %ge3A_155 : i32
      %le3A_157 = arith.constant 80 : i32
      %le3A_158 = arith.cmpi sle, %add3A_141, %le3A_157 : i32
      %and3A_159 = arith.andi %ge3A_156, %le3A_158 : i1
      %convert_element_type3A_160 = arith.extui %and3A_159 : i1 to i32
      %cond3A_161 = arith.constant 0 : i32
      %cond3A_162 = arith.cmpi ne, %convert_element_type3A_160, %cond3A_161 : i32
      scf.if %cond3A_162 {
        %sub3A = arith.constant 1 : i32
        %sub3A_210 = arith.subi %add3A_141, %sub3A : i32
        %dma_wait3A = arith.constant 0 : i32
        %dma_wait3A_211 = arith.constant 0 : i32
        %dma_wait3A_212 = tpu.memref_slice %arg15[%dma_wait3A, %sub3A_210, %dma_wait3A_211] : memref<2x80x125xi32, #tpu.memory_space<vmem>> -> memref<1x1x125xi32, #tpu.memory_space<vmem>>
        %dma_wait3A_213 = tpu.memref_squeeze %dma_wait3A_212 : memref<1x1x125xi32, #tpu.memory_space<vmem>> -> memref<125xi32, #tpu.memory_space<vmem>>
        %dma_wait3A_214 = arith.constant 0 : i32
        %dma_wait3A_215 = arith.constant 0 : i32
        %dma_wait3A_216 = tpu.memref_slice %arg2[%dma_wait3A_214, %dma_wait3A_215] : memref<10000x128xbf16, #tpu.memory_space<hbm>> -> memref<10000x128xbf16, #tpu.memory_space<hbm>>
        tpu.wait_indirect_dma semaphore(%arg21 : memref<!tpu.dma_semaphore, #tpu.memory_space<semaphore_mem>>) src(%dma_wait3A_216 : memref<10000x128xbf16, #tpu.memory_space<hbm>>) dst(%arg11 : memref<125x128xbf16, #tpu.memory_space<vmem>>)
        %sub3A_217 = arith.constant 1 : i32
        %sub3A_218 = arith.subi %add3A_141, %sub3A_217 : i32
        %dma_start3A = arith.constant 1 : i32
        %dma_start3A_219 = arith.constant 0 : i32
        %dma_start3A_220 = tpu.memref_slice %arg15[%dma_start3A, %sub3A_218, %dma_start3A_219] : memref<2x80x125xi32, #tpu.memory_space<vmem>> -> memref<1x1x125xi32, #tpu.memory_space<vmem>>
        %dma_start3A_221 = tpu.memref_squeeze %dma_start3A_220 : memref<1x1x125xi32, #tpu.memory_space<vmem>> -> memref<125xi32, #tpu.memory_space<vmem>>
        %dma_start3A_222 = arith.constant 0 : i32
        %dma_start3A_223 = arith.constant 0 : i32
        %dma_start3A_224 = tpu.memref_slice %arg16[%dma_start3A_222, %dma_start3A_223] : memref<10240x128xbf16, #tpu.memory_space<vmem_shared>> -> memref<10240x128xbf16, #tpu.memory_space<vmem_shared>>
        tpu.enqueue_indirect_dma source(%arg11 : memref<125x128xbf16, #tpu.memory_space<vmem>>) target(%dma_start3A_224 : memref<10240x128xbf16, #tpu.memory_space<vmem_shared>>) offsets(%dma_start3A_221 : memref<125xi32, #tpu.memory_space<vmem>>) semaphore(%arg29 : memref<!tpu.dma_semaphore, #tpu.memory_space<semaphore_mem>>) {add = true}
      } else {
      }
      %add3A_163 = arith.constant 6 : i32
      %add3A_164 = arith.addi %mul3A_27, %add3A_163 : i32
      %ge3A_165 = arith.constant 8 : i32
      %ge3A_166 = arith.cmpi sge, %add3A_164, %ge3A_165 : i32
      %le3A_167 = arith.constant 87 : i32
      %le3A_168 = arith.cmpi sle, %add3A_164, %le3A_167 : i32
      %and3A_169 = arith.andi %ge3A_166, %le3A_168 : i1
      %convert_element_type3A_170 = arith.extui %and3A_169 : i1 to i32
      %cond3A_171 = arith.constant 0 : i32
      %cond3A_172 = arith.cmpi ne, %convert_element_type3A_170, %cond3A_171 : i32
      scf.if %cond3A_172 {
        %sub3A = arith.constant 8 : i32
        %sub3A_210 = arith.subi %add3A_164, %sub3A : i32
        %dma_wait3A = arith.constant 1 : i32
        %dma_wait3A_211 = arith.constant 0 : i32
        %dma_wait3A_212 = tpu.memref_slice %arg15[%dma_wait3A, %sub3A_210, %dma_wait3A_211] : memref<2x80x125xi32, #tpu.memory_space<vmem>> -> memref<1x1x125xi32, #tpu.memory_space<vmem>>
        %dma_wait3A_213 = tpu.memref_squeeze %dma_wait3A_212 : memref<1x1x125xi32, #tpu.memory_space<vmem>> -> memref<125xi32, #tpu.memory_space<vmem>>
        %dma_wait3A_214 = arith.constant 0 : i32
        %dma_wait3A_215 = arith.constant 0 : i32
        %dma_wait3A_216 = tpu.memref_slice %arg16[%dma_wait3A_214, %dma_wait3A_215] : memref<10240x128xbf16, #tpu.memory_space<vmem_shared>> -> memref<10240x128xbf16, #tpu.memory_space<vmem_shared>>
        tpu.wait_indirect_dma semaphore(%arg31 : memref<!tpu.dma_semaphore, #tpu.memory_space<semaphore_mem>>) src(%arg13 : memref<125x128xbf16, #tpu.memory_space<vmem>>) dst(%dma_wait3A_216 : memref<10240x128xbf16, #tpu.memory_space<vmem_shared>>)
      } else {
      }
      %le3A_173 = arith.constant 79 : i32
      %le3A_174 = arith.cmpi sle, %add3A_164, %le3A_173 : i32
      %convert_element_type3A_175 = arith.extui %le3A_174 : i1 to i32
      %cond3A_176 = arith.constant 0 : i32
      %cond3A_177 = arith.cmpi ne, %convert_element_type3A_175, %cond3A_176 : i32
      scf.if %cond3A_177 {
        %dma_start3A = arith.constant 0 : i32
        %dma_start3A_210 = arith.constant 0 : i32
        %dma_start3A_211 = tpu.memref_slice %arg15[%dma_start3A, %add3A_164, %dma_start3A_210] : memref<2x80x125xi32, #tpu.memory_space<vmem>> -> memref<1x1x125xi32, #tpu.memory_space<vmem>>
        %dma_start3A_212 = tpu.memref_squeeze %dma_start3A_211 : memref<1x1x125xi32, #tpu.memory_space<vmem>> -> memref<125xi32, #tpu.memory_space<vmem>>
        %dma_start3A_213 = arith.constant 0 : i32
        %dma_start3A_214 = arith.constant 0 : i32
        %dma_start3A_215 = tpu.memref_slice %arg2[%dma_start3A_213, %dma_start3A_214] : memref<10000x128xbf16, #tpu.memory_space<hbm>> -> memref<10000x128xbf16, #tpu.memory_space<hbm>>
        tpu.enqueue_indirect_dma source(%dma_start3A_215 : memref<10000x128xbf16, #tpu.memory_space<hbm>>) target(%arg13 : memref<125x128xbf16, #tpu.memory_space<vmem>>) offsets(%dma_start3A_212 : memref<125xi32, #tpu.memory_space<vmem>>) semaphore(%arg23 : memref<!tpu.dma_semaphore, #tpu.memory_space<semaphore_mem>>)
      } else {
      }
      %ge3A_178 = arith.constant 1 : i32
      %ge3A_179 = arith.cmpi sge, %add3A_164, %ge3A_178 : i32
      %le3A_180 = arith.constant 80 : i32
      %le3A_181 = arith.cmpi sle, %add3A_164, %le3A_180 : i32
      %and3A_182 = arith.andi %ge3A_179, %le3A_181 : i1
      %convert_element_type3A_183 = arith.extui %and3A_182 : i1 to i32
      %cond3A_184 = arith.constant 0 : i32
      %cond3A_185 = arith.cmpi ne, %convert_element_type3A_183, %cond3A_184 : i32
      scf.if %cond3A_185 {
        %sub3A = arith.constant 1 : i32
        %sub3A_210 = arith.subi %add3A_164, %sub3A : i32
        %dma_wait3A = arith.constant 0 : i32
        %dma_wait3A_211 = arith.constant 0 : i32
        %dma_wait3A_212 = tpu.memref_slice %arg15[%dma_wait3A, %sub3A_210, %dma_wait3A_211] : memref<2x80x125xi32, #tpu.memory_space<vmem>> -> memref<1x1x125xi32, #tpu.memory_space<vmem>>
        %dma_wait3A_213 = tpu.memref_squeeze %dma_wait3A_212 : memref<1x1x125xi32, #tpu.memory_space<vmem>> -> memref<125xi32, #tpu.memory_space<vmem>>
        %dma_wait3A_214 = arith.constant 0 : i32
        %dma_wait3A_215 = arith.constant 0 : i32
        %dma_wait3A_216 = tpu.memref_slice %arg2[%dma_wait3A_214, %dma_wait3A_215] : memref<10000x128xbf16, #tpu.memory_space<hbm>> -> memref<10000x128xbf16, #tpu.memory_space<hbm>>
        tpu.wait_indirect_dma semaphore(%arg22 : memref<!tpu.dma_semaphore, #tpu.memory_space<semaphore_mem>>) src(%dma_wait3A_216 : memref<10000x128xbf16, #tpu.memory_space<hbm>>) dst(%arg12 : memref<125x128xbf16, #tpu.memory_space<vmem>>)
        %sub3A_217 = arith.constant 1 : i32
        %sub3A_218 = arith.subi %add3A_164, %sub3A_217 : i32
        %dma_start3A = arith.constant 1 : i32
        %dma_start3A_219 = arith.constant 0 : i32
        %dma_start3A_220 = tpu.memref_slice %arg15[%dma_start3A, %sub3A_218, %dma_start3A_219] : memref<2x80x125xi32, #tpu.memory_space<vmem>> -> memref<1x1x125xi32, #tpu.memory_space<vmem>>
        %dma_start3A_221 = tpu.memref_squeeze %dma_start3A_220 : memref<1x1x125xi32, #tpu.memory_space<vmem>> -> memref<125xi32, #tpu.memory_space<vmem>>
        %dma_start3A_222 = arith.constant 0 : i32
        %dma_start3A_223 = arith.constant 0 : i32
        %dma_start3A_224 = tpu.memref_slice %arg16[%dma_start3A_222, %dma_start3A_223] : memref<10240x128xbf16, #tpu.memory_space<vmem_shared>> -> memref<10240x128xbf16, #tpu.memory_space<vmem_shared>>
        tpu.enqueue_indirect_dma source(%arg12 : memref<125x128xbf16, #tpu.memory_space<vmem>>) target(%dma_start3A_224 : memref<10240x128xbf16, #tpu.memory_space<vmem_shared>>) offsets(%dma_start3A_221 : memref<125xi32, #tpu.memory_space<vmem>>) semaphore(%arg30 : memref<!tpu.dma_semaphore, #tpu.memory_space<semaphore_mem>>) {add = true}
      } else {
      }
      %add3A_186 = arith.constant 7 : i32
      %add3A_187 = arith.addi %mul3A_27, %add3A_186 : i32
      %ge3A_188 = arith.constant 8 : i32
      %ge3A_189 = arith.cmpi sge, %add3A_187, %ge3A_188 : i32
      %le3A_190 = arith.constant 87 : i32
      %le3A_191 = arith.cmpi sle, %add3A_187, %le3A_190 : i32
      %and3A_192 = arith.andi %ge3A_189, %le3A_191 : i1
      %convert_element_type3A_193 = arith.extui %and3A_192 : i1 to i32
      %cond3A_194 = arith.constant 0 : i32
      %cond3A_195 = arith.cmpi ne, %convert_element_type3A_193, %cond3A_194 : i32
      scf.if %cond3A_195 {
        %sub3A = arith.constant 8 : i32
        %sub3A_210 = arith.subi %add3A_187, %sub3A : i32
        %dma_wait3A = arith.constant 1 : i32
        %dma_wait3A_211 = arith.constant 0 : i32
        %dma_wait3A_212 = tpu.memref_slice %arg15[%dma_wait3A, %sub3A_210, %dma_wait3A_211] : memref<2x80x125xi32, #tpu.memory_space<vmem>> -> memref<1x1x125xi32, #tpu.memory_space<vmem>>
        %dma_wait3A_213 = tpu.memref_squeeze %dma_wait3A_212 : memref<1x1x125xi32, #tpu.memory_space<vmem>> -> memref<125xi32, #tpu.memory_space<vmem>>
        %dma_wait3A_214 = arith.constant 0 : i32
        %dma_wait3A_215 = arith.constant 0 : i32
        %dma_wait3A_216 = tpu.memref_slice %arg16[%dma_wait3A_214, %dma_wait3A_215] : memref<10240x128xbf16, #tpu.memory_space<vmem_shared>> -> memref<10240x128xbf16, #tpu.memory_space<vmem_shared>>
        tpu.wait_indirect_dma semaphore(%arg32 : memref<!tpu.dma_semaphore, #tpu.memory_space<semaphore_mem>>) src(%arg14 : memref<125x128xbf16, #tpu.memory_space<vmem>>) dst(%dma_wait3A_216 : memref<10240x128xbf16, #tpu.memory_space<vmem_shared>>)
      } else {
      }
      %le3A_196 = arith.constant 79 : i32
      %le3A_197 = arith.cmpi sle, %add3A_187, %le3A_196 : i32
      %convert_element_type3A_198 = arith.extui %le3A_197 : i1 to i32
      %cond3A_199 = arith.constant 0 : i32
      %cond3A_200 = arith.cmpi ne, %convert_element_type3A_198, %cond3A_199 : i32
      scf.if %cond3A_200 {
        %dma_start3A = arith.constant 0 : i32
        %dma_start3A_210 = arith.constant 0 : i32
        %dma_start3A_211 = tpu.memref_slice %arg15[%dma_start3A, %add3A_187, %dma_start3A_210] : memref<2x80x125xi32, #tpu.memory_space<vmem>> -> memref<1x1x125xi32, #tpu.memory_space<vmem>>
        %dma_start3A_212 = tpu.memref_squeeze %dma_start3A_211 : memref<1x1x125xi32, #tpu.memory_space<vmem>> -> memref<125xi32, #tpu.memory_space<vmem>>
        %dma_start3A_213 = arith.constant 0 : i32
        %dma_start3A_214 = arith.constant 0 : i32
        %dma_start3A_215 = tpu.memref_slice %arg2[%dma_start3A_213, %dma_start3A_214] : memref<10000x128xbf16, #tpu.memory_space<hbm>> -> memref<10000x128xbf16, #tpu.memory_space<hbm>>
        tpu.enqueue_indirect_dma source(%dma_start3A_215 : memref<10000x128xbf16, #tpu.memory_space<hbm>>) target(%arg14 : memref<125x128xbf16, #tpu.memory_space<vmem>>) offsets(%dma_start3A_212 : memref<125xi32, #tpu.memory_space<vmem>>) semaphore(%arg24 : memref<!tpu.dma_semaphore, #tpu.memory_space<semaphore_mem>>)
      } else {
      }
      %ge3A_201 = arith.constant 1 : i32
      %ge3A_202 = arith.cmpi sge, %add3A_187, %ge3A_201 : i32
      %le3A_203 = arith.constant 80 : i32
      %le3A_204 = arith.cmpi sle, %add3A_187, %le3A_203 : i32
      %and3A_205 = arith.andi %ge3A_202, %le3A_204 : i1
      %convert_element_type3A_206 = arith.extui %and3A_205 : i1 to i32
      %cond3A_207 = arith.constant 0 : i32
      %cond3A_208 = arith.cmpi ne, %convert_element_type3A_206, %cond3A_207 : i32
      scf.if %cond3A_208 {
        %sub3A = arith.constant 1 : i32
        %sub3A_210 = arith.subi %add3A_187, %sub3A : i32
        %dma_wait3A = arith.constant 0 : i32
        %dma_wait3A_211 = arith.constant 0 : i32
        %dma_wait3A_212 = tpu.memref_slice %arg15[%dma_wait3A, %sub3A_210, %dma_wait3A_211] : memref<2x80x125xi32, #tpu.memory_space<vmem>> -> memref<1x1x125xi32, #tpu.memory_space<vmem>>
        %dma_wait3A_213 = tpu.memref_squeeze %dma_wait3A_212 : memref<1x1x125xi32, #tpu.memory_space<vmem>> -> memref<125xi32, #tpu.memory_space<vmem>>
        %dma_wait3A_214 = arith.constant 0 : i32
        %dma_wait3A_215 = arith.constant 0 : i32
        %dma_wait3A_216 = tpu.memref_slice %arg2[%dma_wait3A_214, %dma_wait3A_215] : memref<10000x128xbf16, #tpu.memory_space<hbm>> -> memref<10000x128xbf16, #tpu.memory_space<hbm>>
        tpu.wait_indirect_dma semaphore(%arg23 : memref<!tpu.dma_semaphore, #tpu.memory_space<semaphore_mem>>) src(%dma_wait3A_216 : memref<10000x128xbf16, #tpu.memory_space<hbm>>) dst(%arg13 : memref<125x128xbf16, #tpu.memory_space<vmem>>)
        %sub3A_217 = arith.constant 1 : i32
        %sub3A_218 = arith.subi %add3A_187, %sub3A_217 : i32
        %dma_start3A = arith.constant 1 : i32
        %dma_start3A_219 = arith.constant 0 : i32
        %dma_start3A_220 = tpu.memref_slice %arg15[%dma_start3A, %sub3A_218, %dma_start3A_219] : memref<2x80x125xi32, #tpu.memory_space<vmem>> -> memref<1x1x125xi32, #tpu.memory_space<vmem>>
        %dma_start3A_221 = tpu.memref_squeeze %dma_start3A_220 : memref<1x1x125xi32, #tpu.memory_space<vmem>> -> memref<125xi32, #tpu.memory_space<vmem>>
        %dma_start3A_222 = arith.constant 0 : i32
        %dma_start3A_223 = arith.constant 0 : i32
        %dma_start3A_224 = tpu.memref_slice %arg16[%dma_start3A_222, %dma_start3A_223] : memref<10240x128xbf16, #tpu.memory_space<vmem_shared>> -> memref<10240x128xbf16, #tpu.memory_space<vmem_shared>>
        tpu.enqueue_indirect_dma source(%arg13 : memref<125x128xbf16, #tpu.memory_space<vmem>>) target(%dma_start3A_224 : memref<10240x128xbf16, #tpu.memory_space<vmem_shared>>) offsets(%dma_start3A_221 : memref<125xi32, #tpu.memory_space<vmem>>) semaphore(%arg31 : memref<!tpu.dma_semaphore, #tpu.memory_space<semaphore_mem>>) {add = true}
      } else {
      }
      %scan3A_209 = arith.constant 0 : i32
      scf.yield %scan3A_209 : i32
    }
    %scan3A_15 = arith.constant 11 : i32
    %barrier3A_16 = arith.constant 0 : index
    tpu.barrier barrier_id(%barrier3A_16)
    %eq3A = arith.constant 0 : i32
    %eq3A_17 = arith.cmpi eq, %arg0, %eq3A : i32
    %convert_element_type3A = arith.extui %eq3A_17 : i1 to i32
    %cond3A = arith.constant 0 : i32
    %cond3A_18 = arith.cmpi ne, %convert_element_type3A, %cond3A : i32
    scf.if %cond3A_18 {
      %mul3A_24 = arith.constant 640 : i32
      %mul3A_25 = arith.muli %arg1, %mul3A_24 : i32
      %mul3A_26 = arith.constant 640 : i32
      %mul3A_27 = arith.muli %arg1, %mul3A_26 : i32
      "tpu.region"() ({
        %run_scoped3A_28 = tpu.sem_alloc : memref<!tpu.dma_semaphore, #tpu.memory_space<semaphore_mem>>
        %dma_start3A = arith.constant 0 : i32
        %dma_start3A_29 = tpu.memref_slice %arg5[%mul3A_27, %dma_start3A] : memref<10240x128xbf16, #tpu.memory_space<hbm>> -> memref<640x128xbf16, #tpu.memory_space<hbm>>
        %dma_start3A_30 = arith.constant 0 : i32
        %dma_start3A_31 = tpu.memref_slice %arg16[%mul3A_25, %dma_start3A_30] : memref<10240x128xbf16, #tpu.memory_space<vmem_shared>> -> memref<640x128xbf16, #tpu.memory_space<vmem_shared>>
        tpu.enqueue_dma source(%dma_start3A_31 : memref<640x128xbf16, #tpu.memory_space<vmem_shared>>) target(%dma_start3A_29 : memref<640x128xbf16, #tpu.memory_space<hbm>>) target_semaphore(%run_scoped3A_28 : memref<!tpu.dma_semaphore, #tpu.memory_space<semaphore_mem>>)
        %dma_wait3A = arith.constant 0 : i32
        %dma_wait3A_32 = tpu.memref_slice %arg5[%mul3A_27, %dma_wait3A] : memref<10240x128xbf16, #tpu.memory_space<hbm>> -> memref<640x128xbf16, #tpu.memory_space<hbm>>
        %dma_wait3A_33 = arith.constant 0 : i32
        %dma_wait3A_34 = tpu.memref_slice %arg16[%mul3A_25, %dma_wait3A_33] : memref<10240x128xbf16, #tpu.memory_space<vmem_shared>> -> memref<640x128xbf16, #tpu.memory_space<vmem_shared>>
        tpu.wait_dma2 semaphore(%run_scoped3A_28 : memref<!tpu.dma_semaphore, #tpu.memory_space<semaphore_mem>>) src(%dma_wait3A_34 : memref<640x128xbf16, #tpu.memory_space<vmem_shared>>) dst(%dma_wait3A_32 : memref<640x128xbf16, #tpu.memory_space<hbm>>)
        tpu.yield
      }) : () -> ()
    } else {
    }
    %eq3A_19 = arith.constant 1 : i32
    %eq3A_20 = arith.cmpi eq, %arg0, %eq3A_19 : i32
    %convert_element_type3A_21 = arith.extui %eq3A_20 : i1 to i32
    %cond3A_22 = arith.constant 0 : i32
    %cond3A_23 = arith.cmpi ne, %convert_element_type3A_21, %cond3A_22 : i32
    scf.if %cond3A_23 {
      %mul3A_24 = arith.constant 640 : i32
      %mul3A_25 = arith.muli %arg1, %mul3A_24 : i32
      %mul3A_26 = arith.constant 640 : i32
      %mul3A_27 = arith.muli %arg1, %mul3A_26 : i32
      "tpu.region"() ({
        %run_scoped3A_28 = tpu.sem_alloc : memref<!tpu.dma_semaphore, #tpu.memory_space<semaphore_mem>>
        %dma_start3A = arith.constant 0 : i32
        %dma_start3A_29 = tpu.memref_slice %arg6[%mul3A_27, %dma_start3A] : memref<10240x128xbf16, #tpu.memory_space<hbm>> -> memref<640x128xbf16, #tpu.memory_space<hbm>>
        %dma_start3A_30 = arith.constant 0 : i32
        %dma_start3A_31 = tpu.memref_slice %arg16[%mul3A_25, %dma_start3A_30] : memref<10240x128xbf16, #tpu.memory_space<vmem_shared>> -> memref<640x128xbf16, #tpu.memory_space<vmem_shared>>
        tpu.enqueue_dma source(%dma_start3A_31 : memref<640x128xbf16, #tpu.memory_space<vmem_shared>>) target(%dma_start3A_29 : memref<640x128xbf16, #tpu.memory_space<hbm>>) target_semaphore(%run_scoped3A_28 : memref<!tpu.dma_semaphore, #tpu.memory_space<semaphore_mem>>)
        %dma_wait3A = arith.constant 0 : i32
        %dma_wait3A_32 = tpu.memref_slice %arg6[%mul3A_27, %dma_wait3A] : memref<10240x128xbf16, #tpu.memory_space<hbm>> -> memref<640x128xbf16, #tpu.memory_space<hbm>>
        %dma_wait3A_33 = arith.constant 0 : i32
        %dma_wait3A_34 = tpu.memref_slice %arg16[%mul3A_25, %dma_wait3A_33] : memref<10240x128xbf16, #tpu.memory_space<vmem_shared>> -> memref<640x128xbf16, #tpu.memory_space<vmem_shared>>
        tpu.wait_dma2 semaphore(%run_scoped3A_28 : memref<!tpu.dma_semaphore, #tpu.memory_space<semaphore_mem>>) src(%dma_wait3A_34 : memref<640x128xbf16, #tpu.memory_space<vmem_shared>>) dst(%dma_wait3A_32 : memref<640x128xbf16, #tpu.memory_space<hbm>>)
        tpu.yield
      }) : () -> ()
    } else {
    }
    return
  }
}

module attributes {stable_mosaic.version = 14 : i64} {
  func.func @_tc_pre_body(%arg0: i32, %arg1: memref<2000x128xf32, #tpu.memory_space<vmem>>, %arg2: memref<128x128xf32, #tpu.memory_space<vmem>>, %arg3: memref<128x128xf32, #tpu.memory_space<vmem>>, %arg4: memref<1x128xf32, #tpu.memory_space<vmem>>, %arg5: memref<256000xbf16, #tpu.memory_space<vmem>>, %arg6: memref<2000x128xf32, #tpu.memory_space<vmem>>) attributes {dimension_semantics = [#tpu.dimension_semantics<arbitrary>], iteration_bounds = array<i64: 5>, scalar_prefetch = 0 : i64, scratch_operands = 0 : i64, tpu.core_type = #tpu.core_type<tc>, window_params = [{transform_indices = @transform_0, window_bounds = array<i64: 2000, 128>}, {pipeline_mode = #tpu.pipeline_mode<synchronous>, transform_indices = @transform_1, window_bounds = array<i64: 128, 128>}, {pipeline_mode = #tpu.pipeline_mode<synchronous>, transform_indices = @transform_2, window_bounds = array<i64: 128, 128>}, {pipeline_mode = #tpu.pipeline_mode<synchronous>, transform_indices = @transform_3, window_bounds = array<i64: 1, 128>}, {transform_indices = @transform_4, window_bounds = array<i64: 256000>}, {transform_indices = @transform_5, window_bounds = array<i64: 2000, 128>}]} {
    %get3A = arith.constant 0 : index
    %get3A_0 = arith.constant 0 : index
    %get3A_1 = vector.load %arg1[%get3A, %get3A_0] : memref<2000x128xf32, #tpu.memory_space<vmem>>, vector<2000x128xf32>
    %get3A_2 = arith.constant 0 : index
    %get3A_3 = arith.constant 0 : index
    %get3A_4 = vector.load %arg2[%get3A_2, %get3A_3] : memref<128x128xf32, #tpu.memory_space<vmem>>, vector<128x128xf32>
    %dot_general3A = arith.constant dense<0.000000e+00> : vector<2000x128xf32>
    %dot_general3A_5 = tpu.matmul %get3A_1, %get3A_4, %dot_general3A {dimension_numbers = #tpu.dot_dimension_numbers<[1], [0], [0], [1], [0, 0, 1, 1], [], []>, transpose_lhs_hint = false} : vector<2000x128xf32>, vector<128x128xf32>, vector<2000x128xf32> -> vector<2000x128xf32>
    %convert_element_type3A = arith.truncf %dot_general3A_5 : vector<2000x128xf32> to vector<2000x128xbf16>
    %reshape3A = vector.shape_cast %convert_element_type3A : vector<2000x128xbf16> to vector<256000xbf16>
    %swap3A = arith.constant 0 : index
    %swap3A_6 = vector.load %arg5[%swap3A] : memref<256000xbf16, #tpu.memory_space<vmem>>, vector<256000xbf16>
    tpu.vector_store %arg5[%swap3A], %reshape3A {strides = array<i32>} : memref<256000xbf16, #tpu.memory_space<vmem>>, vector<256000xbf16>,
    %get3A_7 = arith.constant 0 : index
    %get3A_8 = arith.constant 0 : index
    %get3A_9 = vector.load %arg3[%get3A_7, %get3A_8] : memref<128x128xf32, #tpu.memory_space<vmem>>, vector<128x128xf32>
    %dot_general3A_10 = arith.constant dense<0.000000e+00> : vector<2000x128xf32>
    %dot_general3A_11 = tpu.matmul %get3A_1, %get3A_9, %dot_general3A_10 {dimension_numbers = #tpu.dot_dimension_numbers<[1], [0], [0], [1], [0, 0, 1, 1], [], []>, transpose_lhs_hint = false} : vector<2000x128xf32>, vector<128x128xf32>, vector<2000x128xf32> -> vector<2000x128xf32>
    %get3A_12 = arith.constant 0 : index
    %get3A_13 = arith.constant 0 : index
    %get3A_14 = vector.load %arg4[%get3A_12, %get3A_13] : memref<1x128xf32, #tpu.memory_space<vmem>>, vector<1x128xf32>
    %add3A = vector.broadcast %get3A_14 : vector<1x128xf32> to vector<2000x128xf32>
    %add3A_15 = arith.addf %dot_general3A_11, %add3A : vector<2000x128xf32>
    %swap3A_16 = arith.constant 0 : index
    %swap3A_17 = arith.constant 0 : index
    %swap3A_18 = vector.load %arg6[%swap3A_16, %swap3A_17] : memref<2000x128xf32, #tpu.memory_space<vmem>>, vector<2000x128xf32>
    tpu.vector_store %arg6[%swap3A_16, %swap3A_17], %add3A_15 {strides = array<i32>} : memref<2000x128xf32, #tpu.memory_space<vmem>>, vector<2000x128xf32>,
    return
  }
  func.func @transform_0(%arg0: i32) -> (i32, i32) {
    %c0_i32 = arith.constant 0 : i32
    %c0_i32_0 = arith.constant 0 : i32
    return %arg0, %c0_i32 : i32, i32
  }
  func.func @transform_1(%arg0: i32) -> (i32, i32) {
    %c0_i32 = arith.constant 0 : i32
    %c0_i32_0 = arith.constant 0 : i32
    %c0_i32_1 = arith.constant 0 : i32
    return %c0_i32, %c0_i32_0 : i32, i32
  }
  func.func @transform_2(%arg0: i32) -> (i32, i32) {
    %c0_i32 = arith.constant 0 : i32
    %c0_i32_0 = arith.constant 0 : i32
    %c0_i32_1 = arith.constant 0 : i32
    return %c0_i32, %c0_i32_0 : i32, i32
  }
  func.func @transform_3(%arg0: i32) -> (i32, i32) {
    %c0_i32 = arith.constant 0 : i32
    %c0_i32_0 = arith.constant 0 : i32
    %c0_i32_1 = arith.constant 0 : i32
    return %c0_i32, %c0_i32_0 : i32, i32
  }
  func.func @transform_4(%arg0: i32) -> i32 {
    %c0_i32 = arith.constant 0 : i32
    return %arg0 : i32
  }
  func.func @transform_5(%arg0: i32) -> (i32, i32) {
    %c0_i32 = arith.constant 0 : i32
    %c0_i32_0 = arith.constant 0 : i32
    return %arg0, %c0_i32 : i32, i32
  }
}

module attributes {stable_mosaic.version = 14 : i64} {
  func.func @_tc_mid_body(%arg0: i32, %arg1: memref<256000xbf16, #tpu.memory_space<vmem>>, %arg2: memref<256000xbf16, #tpu.memory_space<vmem>>, %arg3: memref<2000x1xf32, #tpu.memory_space<vmem>>, %arg4: memref<2000x1xf32, #tpu.memory_space<vmem>>, %arg5: memref<2000x128xf32, #tpu.memory_space<vmem>>, %arg6: memref<128x128xf32, #tpu.memory_space<vmem>>, %arg7: memref<128x128xf32, #tpu.memory_space<vmem>>, %arg8: memref<1x128xf32, #tpu.memory_space<vmem>>, %arg9: memref<256000xbf16, #tpu.memory_space<vmem>>, %arg10: memref<2000x128xf32, #tpu.memory_space<vmem>>) attributes {dimension_semantics = [#tpu.dimension_semantics<arbitrary>], iteration_bounds = array<i64: 5>, scalar_prefetch = 0 : i64, scratch_operands = 0 : i64, tpu.core_type = #tpu.core_type<tc>, window_params = [{transform_indices = @transform_0, window_bounds = array<i64: 256000>}, {transform_indices = @transform_1, window_bounds = array<i64: 256000>}, {transform_indices = @transform_2, window_bounds = array<i64: 2000, 1>}, {transform_indices = @transform_3, window_bounds = array<i64: 2000, 1>}, {transform_indices = @transform_4, window_bounds = array<i64: 2000, 128>}, {pipeline_mode = #tpu.pipeline_mode<synchronous>, transform_indices = @transform_5, window_bounds = array<i64: 128, 128>}, {pipeline_mode = #tpu.pipeline_mode<synchronous>, transform_indices = @transform_6, window_bounds = array<i64: 128, 128>}, {pipeline_mode = #tpu.pipeline_mode<synchronous>, transform_indices = @transform_7, window_bounds = array<i64: 1, 128>}, {transform_indices = @transform_8, window_bounds = array<i64: 256000>}, {transform_indices = @transform_9, window_bounds = array<i64: 2000, 128>}]} {
    %get3A = arith.constant 0 : index
    %get3A_0 = arith.constant 0 : index
    %get3A_1 = vector.load %arg3[%get3A, %get3A_0] : memref<2000x1xf32, #tpu.memory_space<vmem>>, vector<2000x1xf32>
    %get3A_2 = arith.constant 0 : index
    %get3A_3 = arith.constant 0 : index
    %get3A_4 = vector.load %arg4[%get3A_2, %get3A_3] : memref<2000x1xf32, #tpu.memory_space<vmem>>, vector<2000x1xf32>
    %add3A = arith.addf %get3A_1, %get3A_4 : vector<2000x1xf32>
    %max3A = arith.constant 1.000000e+00 : f32
    %max3A_5 = vector.broadcast %max3A : f32 to vector<2000x1xf32>
    %max3A_6 = arith.maximumf %add3A, %max3A_5 : vector<2000x1xf32>
    %div3A = arith.constant 1.000000e+00 : f32
    %div3A_7 = vector.broadcast %div3A : f32 to vector<2000x1xf32>
    %div3A_8 = arith.divf %div3A_7, %max3A_6 : vector<2000x1xf32>
    %get3A_9 = arith.constant 0 : index
    %get3A_10 = vector.load %arg1[%get3A_9] : memref<256000xbf16, #tpu.memory_space<vmem>>, vector<256000xbf16>
    %reshape3A = vector.shape_cast %get3A_10 : vector<256000xbf16> to vector<2000x128xbf16>
    %convert_element_type3A = arith.extf %reshape3A : vector<2000x128xbf16> to vector<2000x128xf32>
    %get3A_11 = arith.constant 0 : index
    %get3A_12 = vector.load %arg2[%get3A_11] : memref<256000xbf16, #tpu.memory_space<vmem>>, vector<256000xbf16>
    %reshape3A_13 = vector.shape_cast %get3A_12 : vector<256000xbf16> to vector<2000x128xbf16>
    %convert_element_type3A_14 = arith.extf %reshape3A_13 : vector<2000x128xbf16> to vector<2000x128xf32>
    %add3A_15 = arith.addf %convert_element_type3A, %convert_element_type3A_14 : vector<2000x128xf32>
    %mul3A = vector.broadcast %div3A_8 : vector<2000x1xf32> to vector<2000x128xf32>
    %mul3A_16 = arith.mulf %add3A_15, %mul3A : vector<2000x128xf32>
    %get3A_17 = arith.constant 0 : index
    %get3A_18 = arith.constant 0 : index
    %get3A_19 = vector.load %arg5[%get3A_17, %get3A_18] : memref<2000x128xf32, #tpu.memory_space<vmem>>, vector<2000x128xf32>
    %add3A_20 = arith.addf %mul3A_16, %get3A_19 : vector<2000x128xf32>
    %max3A_21 = arith.constant 0.000000e+00 : f32
    %max3A_22 = vector.broadcast %max3A_21 : f32 to vector<2000x128xf32>
    %max3A_23 = arith.maximumf %add3A_20, %max3A_22 : vector<2000x128xf32>
    %get3A_24 = arith.constant 0 : index
    %get3A_25 = arith.constant 0 : index
    %get3A_26 = vector.load %arg6[%get3A_24, %get3A_25] : memref<128x128xf32, #tpu.memory_space<vmem>>, vector<128x128xf32>
    %dot_general3A = arith.constant dense<0.000000e+00> : vector<2000x128xf32>
    %dot_general3A_27 = tpu.matmul %max3A_23, %get3A_26, %dot_general3A {dimension_numbers = #tpu.dot_dimension_numbers<[1], [0], [0], [1], [0, 0, 1, 1], [], []>, transpose_lhs_hint = false} : vector<2000x128xf32>, vector<128x128xf32>, vector<2000x128xf32> -> vector<2000x128xf32>
    %convert_element_type3A_28 = arith.truncf %dot_general3A_27 : vector<2000x128xf32> to vector<2000x128xbf16>
    %reshape3A_29 = vector.shape_cast %convert_element_type3A_28 : vector<2000x128xbf16> to vector<256000xbf16>
    %swap3A = arith.constant 0 : index
    %swap3A_30 = vector.load %arg9[%swap3A] : memref<256000xbf16, #tpu.memory_space<vmem>>, vector<256000xbf16>
    tpu.vector_store %arg9[%swap3A], %reshape3A_29 {strides = array<i32>} : memref<256000xbf16, #tpu.memory_space<vmem>>, vector<256000xbf16>,
    %get3A_31 = arith.constant 0 : index
    %get3A_32 = arith.constant 0 : index
    %get3A_33 = vector.load %arg7[%get3A_31, %get3A_32] : memref<128x128xf32, #tpu.memory_space<vmem>>, vector<128x128xf32>
    %dot_general3A_34 = arith.constant dense<0.000000e+00> : vector<2000x128xf32>
    %dot_general3A_35 = tpu.matmul %max3A_23, %get3A_33, %dot_general3A_34 {dimension_numbers = #tpu.dot_dimension_numbers<[1], [0], [0], [1], [0, 0, 1, 1], [], []>, transpose_lhs_hint = false} : vector<2000x128xf32>, vector<128x128xf32>, vector<2000x128xf32> -> vector<2000x128xf32>
    %get3A_36 = arith.constant 0 : index
    %get3A_37 = arith.constant 0 : index
    %get3A_38 = vector.load %arg8[%get3A_36, %get3A_37] : memref<1x128xf32, #tpu.memory_space<vmem>>, vector<1x128xf32>
    %add3A_39 = vector.broadcast %get3A_38 : vector<1x128xf32> to vector<2000x128xf32>
    %add3A_40 = arith.addf %dot_general3A_35, %add3A_39 : vector<2000x128xf32>
    %swap3A_41 = arith.constant 0 : index
    %swap3A_42 = arith.constant 0 : index
    %swap3A_43 = vector.load %arg10[%swap3A_41, %swap3A_42] : memref<2000x128xf32, #tpu.memory_space<vmem>>, vector<2000x128xf32>
    tpu.vector_store %arg10[%swap3A_41, %swap3A_42], %add3A_40 {strides = array<i32>} : memref<2000x128xf32, #tpu.memory_space<vmem>>, vector<2000x128xf32>,
    return
  }
  func.func @transform_0(%arg0: i32) -> i32 {
    %c0_i32 = arith.constant 0 : i32
    return %arg0 : i32
  }
  func.func @transform_1(%arg0: i32) -> i32 {
    %c0_i32 = arith.constant 0 : i32
    return %arg0 : i32
  }
  func.func @transform_2(%arg0: i32) -> (i32, i32) {
    %c0_i32 = arith.constant 0 : i32
    %c0_i32_0 = arith.constant 0 : i32
    return %arg0, %c0_i32 : i32, i32
  }
  func.func @transform_3(%arg0: i32) -> (i32, i32) {
    %c0_i32 = arith.constant 0 : i32
    %c0_i32_0 = arith.constant 0 : i32
    return %arg0, %c0_i32 : i32, i32
  }
  func.func @transform_4(%arg0: i32) -> (i32, i32) {
    %c0_i32 = arith.constant 0 : i32
    %c0_i32_0 = arith.constant 0 : i32
    return %arg0, %c0_i32 : i32, i32
  }
  func.func @transform_5(%arg0: i32) -> (i32, i32) {
    %c0_i32 = arith.constant 0 : i32
    %c0_i32_0 = arith.constant 0 : i32
    %c0_i32_1 = arith.constant 0 : i32
    return %c0_i32, %c0_i32_0 : i32, i32
  }
  func.func @transform_6(%arg0: i32) -> (i32, i32) {
    %c0_i32 = arith.constant 0 : i32
    %c0_i32_0 = arith.constant 0 : i32
    %c0_i32_1 = arith.constant 0 : i32
    return %c0_i32, %c0_i32_0 : i32, i32
  }
  func.func @transform_7(%arg0: i32) -> (i32, i32) {
    %c0_i32 = arith.constant 0 : i32
    %c0_i32_0 = arith.constant 0 : i32
    %c0_i32_1 = arith.constant 0 : i32
    return %c0_i32, %c0_i32_0 : i32, i32
  }
  func.func @transform_8(%arg0: i32) -> i32 {
    %c0_i32 = arith.constant 0 : i32
    return %arg0 : i32
  }
  func.func @transform_9(%arg0: i32) -> (i32, i32) {
    %c0_i32 = arith.constant 0 : i32
    %c0_i32_0 = arith.constant 0 : i32
    return %arg0, %c0_i32 : i32, i32
  }
}

module attributes {stable_mosaic.version = 14 : i64} {
  func.func @_tc_fin_body(%arg0: i32, %arg1: memref<256000xbf16, #tpu.memory_space<vmem>>, %arg2: memref<256000xbf16, #tpu.memory_space<vmem>>, %arg3: memref<2000x1xf32, #tpu.memory_space<vmem>>, %arg4: memref<2000x1xf32, #tpu.memory_space<vmem>>, %arg5: memref<2000x128xf32, #tpu.memory_space<vmem>>, %arg6: memref<2000x128xf32, #tpu.memory_space<vmem>>) attributes {dimension_semantics = [#tpu.dimension_semantics<arbitrary>], iteration_bounds = array<i64: 5>, scalar_prefetch = 0 : i64, scratch_operands = 0 : i64, tpu.core_type = #tpu.core_type<tc>, window_params = [{transform_indices = @transform_0, window_bounds = array<i64: 256000>}, {transform_indices = @transform_1, window_bounds = array<i64: 256000>}, {transform_indices = @transform_2, window_bounds = array<i64: 2000, 1>}, {transform_indices = @transform_3, window_bounds = array<i64: 2000, 1>}, {transform_indices = @transform_4, window_bounds = array<i64: 2000, 128>}, {transform_indices = @transform_5, window_bounds = array<i64: 2000, 128>}]} {
    %get3A = arith.constant 0 : index
    %get3A_0 = arith.constant 0 : index
    %get3A_1 = vector.load %arg3[%get3A, %get3A_0] : memref<2000x1xf32, #tpu.memory_space<vmem>>, vector<2000x1xf32>
    %get3A_2 = arith.constant 0 : index
    %get3A_3 = arith.constant 0 : index
    %get3A_4 = vector.load %arg4[%get3A_2, %get3A_3] : memref<2000x1xf32, #tpu.memory_space<vmem>>, vector<2000x1xf32>
    %add3A = arith.addf %get3A_1, %get3A_4 : vector<2000x1xf32>
    %max3A = arith.constant 1.000000e+00 : f32
    %max3A_5 = vector.broadcast %max3A : f32 to vector<2000x1xf32>
    %max3A_6 = arith.maximumf %add3A, %max3A_5 : vector<2000x1xf32>
    %div3A = arith.constant 1.000000e+00 : f32
    %div3A_7 = vector.broadcast %div3A : f32 to vector<2000x1xf32>
    %div3A_8 = arith.divf %div3A_7, %max3A_6 : vector<2000x1xf32>
    %get3A_9 = arith.constant 0 : index
    %get3A_10 = vector.load %arg1[%get3A_9] : memref<256000xbf16, #tpu.memory_space<vmem>>, vector<256000xbf16>
    %reshape3A = vector.shape_cast %get3A_10 : vector<256000xbf16> to vector<2000x128xbf16>
    %convert_element_type3A = arith.extf %reshape3A : vector<2000x128xbf16> to vector<2000x128xf32>
    %get3A_11 = arith.constant 0 : index
    %get3A_12 = vector.load %arg2[%get3A_11] : memref<256000xbf16, #tpu.memory_space<vmem>>, vector<256000xbf16>
    %reshape3A_13 = vector.shape_cast %get3A_12 : vector<256000xbf16> to vector<2000x128xbf16>
    %convert_element_type3A_14 = arith.extf %reshape3A_13 : vector<2000x128xbf16> to vector<2000x128xf32>
    %add3A_15 = arith.addf %convert_element_type3A, %convert_element_type3A_14 : vector<2000x128xf32>
    %mul3A = vector.broadcast %div3A_8 : vector<2000x1xf32> to vector<2000x128xf32>
    %mul3A_16 = arith.mulf %add3A_15, %mul3A : vector<2000x128xf32>
    %get3A_17 = arith.constant 0 : index
    %get3A_18 = arith.constant 0 : index
    %get3A_19 = vector.load %arg5[%get3A_17, %get3A_18] : memref<2000x128xf32, #tpu.memory_space<vmem>>, vector<2000x128xf32>
    %add3A_20 = arith.addf %mul3A_16, %get3A_19 : vector<2000x128xf32>
    %swap3A = arith.constant 0 : index
    %swap3A_21 = arith.constant 0 : index
    %swap3A_22 = vector.load %arg6[%swap3A, %swap3A_21] : memref<2000x128xf32, #tpu.memory_space<vmem>>, vector<2000x128xf32>
    tpu.vector_store %arg6[%swap3A, %swap3A_21], %add3A_20 {strides = array<i32>} : memref<2000x128xf32, #tpu.memory_space<vmem>>, vector<2000x128xf32>,
    return
  }
  func.func @transform_0(%arg0: i32) -> i32 {
    %c0_i32 = arith.constant 0 : i32
    return %arg0 : i32
  }
  func.func @transform_1(%arg0: i32) -> i32 {
    %c0_i32 = arith.constant 0 : i32
    return %arg0 : i32
  }
  func.func @transform_2(%arg0: i32) -> (i32, i32) {
    %c0_i32 = arith.constant 0 : i32
    %c0_i32_0 = arith.constant 0 : i32
    return %arg0, %c0_i32 : i32, i32
  }
  func.func @transform_3(%arg0: i32) -> (i32, i32) {
    %c0_i32 = arith.constant 0 : i32
    %c0_i32_0 = arith.constant 0 : i32
    return %arg0, %c0_i32 : i32, i32
  }
  func.func @transform_4(%arg0: i32) -> (i32, i32) {
    %c0_i32 = arith.constant 0 : i32
    %c0_i32_0 = arith.constant 0 : i32
    return %arg0, %c0_i32 : i32, i32
  }
  func.func @transform_5(%arg0: i32) -> (i32, i32) {
    %c0_i32 = arith.constant 0 : i32
    %c0_i32_0 = arith.constant 0 : i32
    return %arg0, %c0_i32 : i32, i32
  }
}

</mosaic_0001>

<sc_bundles>
// kernel: kernel.10.cloned.1.call-start
scs
__scs_entry_jumppad:
0x0: {  	(pc) =	sbr.rel $0x88, $3  }
0x1: {  	(tag) =	ssettag $0x0;
	lr =	simm.s32 $0x1  }
0x2: {  	[smem:$0x3F96] =	sst lr;
	_ =	strace $0xD0000000  }
0x3: {  	_ = 	snop  }
0x4: {  	_ = 	snop  }
0x5: {  	_ = 	snop  }
0x6: {  	_ = 	snop  }
0x7: {  	_ = 	snop  }
__scs_overlays_trampoline_lowered:
0x8: {  	[smem:$0x3FA5] =	sst s0  }
0x9: {  	[smem:$0x3FA6] =	sst s1  }
0xa: {  	[smem:$0x3FA7] =	sst s2  }
0xb: {  	[smem:$0x3FA8] =	sst s3  }
0xc: {  	[smem:$0x3FA9] =	sst s4  }
0xd: {  	[smem:$0x3FAA] =	sst s5  }
0xe: {  	[smem:$0x3FAB] =	sst s6  }
0xf: {  	[smem:$0x3FAC] =	sst s7  }
0x10: {  	[smem:$0x3FAD] =	sst s8  }
0x11: {  	[smem:$0x3FAE] =	sst s9;
	s0 =	simm.s32 @!p0 $0x0  }
0x12: {  	s1 =	sld [smem:$0x3F94];
	s0 =	simm.s32 @p0 $0x1  }
0x13: {  	[smem:$0x3FAF] =	sst s0;
	s0 =	simm.s32 @!p1 $0x0  }
0x14: {  	s2 =	sld [smem:$0x3F93];
	s0 =	simm.s32 @p1 $0x1  }
0x15: {  	[smem:$0x3FB0] =	sst s0;
	s0 =	simm.s32 @!p2 $0x0  }
0x16: {  	s3 =	sld [smem:$0x3FDB];
	s0 =	simm.s32 @p2 $0x1  }
0x17: {  	s4 =	simm.s32 $0x1BF5;
	[smem:$0x3FB2] =	sst s0  }
0x18: {  	s0 =	sld [smem:$0x3F95];
	_ =	swait.ge [sflag:s4], $0x0  }
0x19: {  	s7 =	sld [smem:$0x3F96]  }
0x1a: {  	s8 =	sadd.s32 $0xFFFFE003, lr  }
0x1b: {  	s9 =	sadd.s32 $0xFFFFFEF7, lr;
	s5 =	simm.s32 $0xFFFFFFFF;
	p2 =	slt.u32 s8, $0xFFFFF086  }
0x1c: {  	p1 =	slt.u32 s9, $0xF7A;
	s5 =	simm.s32 @!p2 $0x0  }
0x1d: {  	s5 =	simm.s32 @p1 $0x1;
	p0 =	seq.s32 s7, s2  }
0x1e: {  	s7 =	smul.u32 @!p0 $0xF7A, s2;
	p2 =	seq.s32 @!p0 s5, $0x0  }
0x1f: {  	s9 =	smul.u32 $0xF7A, s1;
	s8 =	simm.s32 @!p0 $0x1BF5;
	p2 =	por !p2, p0  }
0x20: {  	[sflag:s8] =	ssyncset.s32 @!p0 $0xFFFFF086;
	s6 =	sadd.s32 @!p0 s3, s7;
	s7 =	simm.s32 @!p0 $0x108  }
0x21: {  	s3 =	sadd.s32 s3, s9;
	s6 =	sadd.s32 @!p0 $0x88, s6;
	s7 =	simm.s32 @p2 $0x1082  }
0x22: {  	[simem:s7], [sflag:s8] =	dma.local @!p0 [hbm:s6], $0xF7A  }
0x23: {  	s9 =	sor.u32 $0xD0000000, s2;
	s6 =	simm.s32 $0x108;
	_ =	swait.ge @!p0 [sflag:s8], $0x0  }
0x24: {  	s3 =	sadd.s32 $0x88, s3;
	s6 =	simm.s32 @!p1 $0x1082;
	[sflag:s4] =	ssyncset.s32 $0xFFFFF086  }
0x25: {  	[simem:s6], [sflag:s4] =	dma.local [hbm:s3], $0xF7A  }
0x26: {  	[smem:$0x3F96] =	sst s1;
	(tag) =	ssettag s2;
	_ =	strace s9  }
0x27: {  	s1 =	sld [smem:$0x3FA6]  }
0x28: {  	s2 =	sld [smem:$0x3FA7]  }
0x29: {  	s4 =	sld [smem:$0x3FA9]  }
0x2a: {  	p0 =	seq.s32 s5, $0x0;
	s5 =	sld [smem:$0x3FAA]  }
0x2b: {  	s6 =	sld [smem:$0x3FAB]  }
0x2c: {  	s7 =	sld [smem:$0x3FAC]  }
0x2d: {  	s3 =	simm.s32 $0x108;
	s8 =	sld [smem:$0x3FAD]  }
0x2e: {  	s3 =	simm.s32 @!p0 $0x1082;
	s9 =	sld [smem:$0x3FAE]  }
0x2f: {  	lr =	sadd.s32 s0, s3;
	s0 =	sld [smem:$0x3FA5]  }
0x30: {  	s3 =	sld [smem:$0x3FA8]  }
0x31: {  	[smem:$0x3FB1] =	sst s10  }
0x32: {  	s10 =	sld [smem:$0x3FAF];
	_ =	sdelay $0x3  }
0x33: {  	p0 =	seq.s32 s10, $0x1;
	s10 =	sld [smem:$0x3FB1];
	_ =	sdelay $0x3  }
0x34: {  	[smem:$0x3FB1] =	sst s10  }
0x35: {  	s10 =	sld [smem:$0x3FB0];
	_ =	sdelay $0x3  }
0x36: {  	p1 =	seq.s32 s10, $0x1;
	s10 =	sld [smem:$0x3FB1];
	_ =	sdelay $0x3  }
0x37: {  	[smem:$0x3FB1] =	sst s10  }
0x38: {  	s10 =	sld [smem:$0x3FB2]  }
0x39: {  	_ = 	snop;
	(pc) =	sbr.ind lr, $3  }
0x3a: {  	_ = 	snop  }
0x3b: {  	_ = 	snop  }
0x3c: {  	p2 =	seq.s32 s10, $0x1;
	s10 =	sld [smem:$0x3FB1]  }
0x3d: {  	_ =	shalt  }
0x3e: {  	_ =	shalt  }
0x3f: {  	_ =	shalt  }
0x40: {  	_ =	shalt  }
0x41: {  	_ =	shalt  }
0x42: {  	_ =	shalt  }
0x43: {  	_ =	shalt  }
0x44: {  	_ =	shalt  }
0x45: {  	_ =	shalt  }
0x46: {  	_ =	shalt  }
0x47: {  	_ =	shalt  }
0x48: {  	_ =	shalt  }
0x49: {  	_ =	shalt  }
0x4a: {  	_ =	shalt  }
0x4b: {  	_ =	shalt  }
0x4c: {  	_ =	shalt  }
0x4d: {  	_ =	shalt  }
0x4e: {  	_ =	shalt  }
0x4f: {  	_ =	shalt  }
0x50: {  	_ =	shalt  }
0x51: {  	_ =	shalt  }
0x52: {  	_ =	shalt  }
0x53: {  	_ =	shalt  }
0x54: {  	_ =	shalt  }
0x55: {  	_ =	shalt  }
0x56: {  	_ =	shalt  }
0x57: {  	_ =	shalt  }
0x58: {  	_ =	shalt  }
0x59: {  	_ =	shalt  }
0x5a: {  	_ =	shalt  }
0x5b: {  	_ =	shalt  }
0x5c: {  	_ =	shalt  }
0x5d: {  	_ =	shalt  }
0x5e: {  	_ =	shalt  }
0x5f: {  	_ =	shalt  }
0x60: {  	_ =	shalt  }
0x61: {  	_ =	shalt  }
0x62: {  	_ =	shalt  }
0x63: {  	_ =	shalt  }
0x64: {  	_ =	shalt  }
0x65: {  	_ =	shalt  }
0x66: {  	_ =	shalt  }
0x67: {  	_ =	shalt  }
0x68: {  	_ =	shalt  }
0x69: {  	_ =	shalt  }
0x6a: {  	_ =	shalt  }
0x6b: {  	_ =	shalt  }
0x6c: {  	_ =	shalt  }
0x6d: {  	_ =	shalt  }
0x6e: {  	_ =	shalt  }
0x6f: {  	_ =	shalt  }
0x70: {  	_ =	shalt  }
0x71: {  	_ =	shalt  }
0x72: {  	_ =	shalt  }
0x73: {  	_ =	shalt  }
0x74: {  	_ =	shalt  }
0x75: {  	_ =	shalt  }
0x76: {  	_ =	shalt  }
0x77: {  	_ =	shalt  }
0x78: {  	_ =	shalt  }
0x79: {  	_ =	shalt  }
0x7a: {  	_ =	shalt  }
0x7b: {  	_ =	shalt  }
0x7c: {  	_ =	shalt  }
0x7d: {  	_ =	shalt  }
0x7e: {  	_ =	shalt  }
0x7f: {  	_ =	shalt  }
0x80: {  	_ =	shalt  }
0x81: {  	_ =	shalt  }
0x82: {  	_ =	shalt  }
0x83: {  	_ =	shalt  }
0x84: {  	_ =	shalt  }
0x85: {  	_ =	shalt  }
0x86: {  	_ =	shalt  }
0x87: {  	_ =	shalt  }
.Lfunc_end0:
.L_simem_size_0:
called_computation_lowered:
.L_overlay_start_0:
0x88: {  	s2 =	sld [smem:$0x3FD9]  }
0x89: {  	s3 =	sld [smem:$0x3FFE];
	_ =	sdelay $0x1  }
0x8a: {  	s1 =	srdreg.scid  }
0x8b: {  	s0 =	sand.u32 $0x1, s1  }
0x8c: {  	s16 =	sshll.u32 s0, $0xA;
	s2 =	sadd.s32 s3, s2  }
0x8d: {  	s2 =	sadd.s32 s2, s16  }
0x8e: {  	[smem:$0x3FBD] =	sst s2  }
0x8f: {  	_ = 	snop  }
0x90: {  	(tm) =	ssettm $0x1  }
0x91: {  	s17 =	sld [smem:$0x3FFB];
	_ =	sdelay $0x3  }
0x92: {  	_ =	strace s17  }
0x93: {  	s2 =	sld [smem:$0x3FFC];
	_ =	sdelay $0x3  }
0x94: {  	_ =	strace s2  }
0x95: {  	s2 =	sld [smem:$0x3FFD];
	_ =	sdelay $0x3  }
0x96: {  	_ =	strace s2  }
0x97: {  	_ =	strace $0x8FFFFFFF  }
0x98: {  	s18 =	sld [smem:$0x3FDB];
	_ =	sdelay $0x1  }
0x99: {  	s19 =	simm.s32 $_scs_section_size  }
0x9a: {  	s4 =	simm.s32 $_size__tile_overlayer_lowered;
	s5 =	simm.s32 $_tile_overlayer_lowered  }
0x9b: {  	s22 =	simm.s32 $0x1BFF;
	s21 =	sshll.u32 s5, $0x1;
	s2 =	sadd.s32 s19, s18  }
0x9c: {  	s6 =	simm.s32 $0x0;
	s20 =	sshll.u32 s4, $0x1;
	s4 =	sadd.s32 s21, s2  }
0x9d: {  	[timem:s6], [sflag:s22] =	dma.local [hbm:s4], s20  }
0x9e: {  	_ =	swait.ge [sflag:s22], s20  }
0x9f: {  	s3 =	ssub.s32 $0x0, s20;
	[sflag:s22] =	ssyncset.done $0x0  }
0xa0: {  	[sflag:s22] =	ssyncadd.s32 s3;
	_ =	sdelay $0x1  }
0xa1: {  	s23 =	simm.s32 $0x1B8B  }
0xa2: {  	_ =	swait.ge [sflag:s23], $0x1  }
0xa3: {  	[sflag:s23] =	ssyncset.done $0x0  }
0xa4: {  	s25 =	simm.s32 $0x1B8E;
	s24 =	sld [smem:$0x3FFE];
	[sflag:s23] =	ssyncadd.s32 $0xFFFFFFFF  }
0xa5: {  	s26 =	simm.s32 $execute0_lowered;
	[smem:$0x3FD2] =	sst s25  }
0xa6: {  	s4 =	sshll.u32 s26, $0x1;
	_ =	strace $0x80000046;
	[dreg:$0x1] =	wrdreg $0xFFFFFFFF  }
0xa7: {  	s28 =	simm.s32 $_size_execute0_lowered;
	s2 =	sadd.s32 s2, s4;
	[dreg:$0x0] =	wrdreg $0x0  }
0xa8: {  	s4 =	sshll.u32 s28, $0x1;
	[dreg:$0x2] =	wrdreg s2  }
0xa9: {  	[dreg:$0x3] =	wrdreg s4  }
0xaa: {  	[dreg:$0x4] =	wrdreg $0xC0  }
0xab: {  	_ =	task [dreg:s6], $0x5FFFF  }
0xac: {  	[dreg:$0x1] =	wrdreg $0xFFFFFFFF  }
0xad: {  	[dreg:$0x0] =	wrdreg $0x60  }
0xae: {  	[dreg:$0x2] =	wrdreg s24  }
0xaf: {  	[dreg:$0x3] =	wrdreg $0x51900  }
0xb0: {  	[dreg:$0x4] =	wrdreg $0x9  }
0xb1: {  	_ =	task.clear_ibuf [dreg:s6], $0x5FFFF;
	_ =	strace $0x90000046  }
0xb2: {  	s29 =	simm.s32 $0x9;
	_ =	strace $0x80000048  }
0xb3: {  	_ =	swait.ge [sflag:s29], $0x1  }
0xb4: {  	[sflag:s29] =	ssyncadd.s32 $0xFFFFFFFF  }
0xb5: {  	_ =	strace $0x90000048  }
0xb6: {  	_ =	sfence  }
0xb7: {  	s30 =	sld [smem:$0x0];
	_ =	sdelay $0x2  }
0xb8: {  	s31 =	sshll.u32 s1, $0xD;
	s1 =	sshrl.u32 s1, $0x2  }
0xb9: {  	s3 =	sand.u32 $0x4000, s31;
	s1 =	sadd.s32 s1, s30  }
0xba: {  	s0 =	sor.u32 s3, s0;
	s1 =	sshll.u32 s1, $0x11  }
0xbb: {  	s0 =	sor.u32 s1, s0  }
0xbc: {  	s0 =	sadd.s32 $0x8F2B, s0  }
0xbd: {  	[sflag:s0] =	ssyncadd.remote.s32 $0x1  }
0xbe: {  	_ =	sfence.sel $0xFFFF  }
0xbf: {  	[dreg:$0x0] =	wrdreg $0xFFFFFFFF;
	(pc) =	sbr.abs _section_cstart, $3  }
0xc0: {  	[dreg:$0x1] =	wrdreg $0xFFFFFFFF  }
0xc1: {  	_ =	task.clear_ibuf [dreg:s6], $0x2FFFF;
	_ =	strace $0x9FFFFFFF  }
0xc2: {  	(tm) =	ssettm $0x7FFFFFFF  }
0xc3: {  	_ =	shalt  }
tec
execute0_lowered:
.L_overlay_start_1:
0x0: {  	(tag) =	ssettag $0x1  }
0x1: {  	s1 =	srdreg.scid  }
0x2: {  	s0 =	stileid.u32;
	s6 =	rddreg [dreg:$0x0]  }
0x3: {  	s2 =	rddreg [dreg:$0x1];
	s3 =	simm.s32 $0x0;
	s14 =	simm.s32 $0x280  }
0x4: {  	s15 =	simm.s32 $0x0;
	s5 =	sand.u32 $0x1, s1;
	s1 =	rddreg [dreg:$0x2]  }
0x5: {  	s29 =	sshll.u32 s0, $0x1;
	[smem:$0x7FF] =	sst s3;
	s7 =	smul.u32 $0x50, s0  }
0x6: {  	s11 =	smul.u32 $0xA00, s0;
	s12 =	sshll.u32 s0, $0x6;
	s4 =	sor.u32 s5, s29  }
0x7: {  	_ =	strace $0x80000047;
	s9 =	smul.u32 $0x500, s5;
	s10 =	ssub.s32 $0x2, s5  }
0x8: {  	s5 =	sadd.s32 $0x19400, s6;
	s12 =	sor.u32 $0x1C01, s12;
	s4 =	smul.u32 $0x4E2, s4  }
0x9: {  	s30 =	sshrl.u32 s10, $0x1;
	s31 =	sshrl.u32 s11, $0x2;
	s11 =	simm.s32 $0x4F10  }
0xa: {  	s7 =	sadd.s32 s7, s9;
	s9 =	ssub.s32 s10, s30;
	s13 =	sadd.s32 s31, s2  }
0xb: {  	s10 =	simm.s32 $0x2710;
	s8 =	sadd.s32 s4, s6;
	s4 =	sadd.s32 $0x18E00, s6  }
0xc: {  	s7 =	sadd.s32 s7, s6;
	s13 =	sshrl.u32 s13, $0x3;
	s6 =	sadd.s32 $0xF040, s8  }
0xd: {  	v0 =	vimm.f32 $1.000000000e+00;
	s7 =	sadd.s32 $0x19600, s7;
	s8 =	smax.u32 s9, $0x1;
	s9 =	simm.s32 $0x1  }
.LBB2_1:
0xe: {  	[tilespmem:s3], [sflag:$0x1] =	stream.linear.gather [hbm4b:s6+s3], $0x2710, $0x38;
	[tilespmem:$0x5410] =	vst v63  }
0xf: {  	_ =	swait.ge [sflag:s9], $0x2710  }
0x10: {  	[sflag:s9] =	ssyncset.done $0x0  }
0x11: {  	[sflag:s9] =	ssyncadd.s32 $0xFFFFD8F0  }
0x12: {  	[tilespmem:s10], [sflag:$0x1] =	stream.linear.gather [hbm4b:s4+s3], $0x2800, $0x38;
	[tilespmem:$0x5410] =	vst v63  }
0x13: {  	_ =	swait.ge [sflag:s9], $0x2800  }
0x14: {  	[sflag:s9] =	ssyncset.done $0x0  }
0x15: {  	[sflag:s9] =	ssyncadd.s32 $0xFFFFD800  }
0x16: {  	[tilespmem:s11], [sflag:$0x1] =	stream.linear.gather [hbm4b:s5+s3], $0x280, $0x38;
	[tilespmem:$0x5410] =	vst v63  }
0x17: {  	_ =	swait.ge [sflag:s9], $0x280  }
0x18: {  	[sflag:s9] =	ssyncset.done $0x0  }
0x19: {  	[sflag:s9] =	ssyncadd.s32 $0xFFFFFD80  }
0x1a: {  	[spmem:s13], [sflag:s12] =	dma.local [hbm:s4], $0x50  }
0x1b: {  	_ =	swait.ge [sflag:s9], $0x50  }
0x1c: {  	[sflag:s9] =	ssyncset.done $0x0  }
0x1d: {  	[sflag:s9] =	ssyncadd.s32 $0xFFFFFFB0  }
0x1e: {  	s17 =	simm.s32 $0x0;
	s16 =	simm.s32 $0x40;
	[bflag:$0x0] =	sbarrier.arrive $0xFFFF  }
.LBB2_2:
0x1f: {  	p0 =	sne.s32 s16, $0x9C00;
	v1 =	vld [tilespmem:s17+$0x0];
	_ =	sdelay $0x3  }
.Ltmp0:
0x20: {  	(pc) =	sbr.rel @p0 .LBB2_2-.Ltmp0, $2  }
0x21: {  	_ =	sdelay $0x2  }
0x22: {  	s17 =	sshra.s32 s16, $0x2;
	s16 =	sadd.s32 $0x40, s16;
	[tilespmem:v1+s10+$0x0] =	vst.idx.add.f32.msk $0xffff, v0  }
0x23: {  	v1 =	vld [tilespmem:s17+$0x0];
	_ =	sdelay $0x7  }
0x24: {  	[tilespmem:v1+s10+$0x0] =	vst.idx.add.f32.msk $0xffff, v0  }
0x25: {  	[spmem:s2] =	stream.indirect.scatter.add.f32 [tilespmem:s10], [sflag:$0x1], $0x10, s11, s14, $0xb8;
	[tilespmem:$0x5410] =	vst v63  }
0x26: {  	_ =	swait.ge [sflag:s9], $0x2800  }
0x27: {  	s15 =	sadd.s32 $0x1, s15;
	[sflag:s9] =	ssyncset.done $0x0  }
0x28: {  	p0 =	sne.s32 s15, s8;
	[sflag:s9] =	ssyncadd.s32 $0xFFFFD800  }
.Ltmp1:
0x29: {  	[bflag:$0x0] =	sbarrier.arrive $0xFFFF;
	(pc) =	sbr.rel @p0 .LBB2_1-.Ltmp1, $4  }
0x2a: {  	[hbm:s7], [sflag:s12] =	dma.local [spmem:s13], $0x50  }
0x2b: {  	_ =	swait.ge [sflag:s9], $0x50  }
0x2c: {  	[sflag:s9] =	ssyncset.done $0x0  }
0x2d: {  	[sflag:s9] =	ssyncadd.s32 $0xFFFFFFB0  }
0x2e: {  	_ =	sfence.sel $0x180000  }
0x2f: {  	[bflag:$0x0] =	sbarrier.arrive $0xFFFF  }
0x30: {  	p0 =	sne.s32 s0, $0x0;
	_ =	strace $0x90000047  }
0x31: {  	s0 =	sadd.s32 @!p0 $0x100000, s1;
	[bflag:$0x2] =	sbarrier.arrive $0xFFFF  }
0x32: {  	[sflag:s0] =	ssyncadd.tile.s32 @!p0 $0x1;
	_ =	shalt  }
.Lfunc_end2:
_tile_overlayer_lowered:
.L_overlay_start_2:
0x33: {  	(tag) =	ssettag $0x2  }
0x34: {  	s0 =	rddreg [dreg:$0x0];
	s2 =	stileid.u32  }
0x35: {  	s1 =	rddreg [dreg:$0x1];
	p0 =	sne.s32 s2, $0x0  }
0x36: {  	s3 =	rddreg [dreg:$0x2];
	[bflag:$0x3] =	sbarrier.arrive $0xFFFF;
	s2 =	simm.s32 @!p0 $0x1C01  }
0x37: {  	[timem:s3], [sflag:s2] =	dma.local @!p0 [hbm:s0], s1  }
0x38: {  	s0 =	simm.s32 @!p0 $0x1  }
0x39: {  	_ =	swait.ge @!p0 [sflag:s0], s1  }
0x3a: {  	s1 =	ssub.s32 @!p0 $0x0, s1;
	[sflag:s0] =	ssyncset.done @!p0 $0x0  }
0x3b: {  	[sflag:s0] =	ssyncadd.s32 @!p0 s1  }
0x3c: {  	[bflag:$0x3] =	sbarrier.arrive $0xFFFF  }
0x3d: {  	_ =	shalt  }

// kernel: kernel.13.cloned.1.call-start
scs
__scs_entry_jumppad:
0x0: {  	(pc) =	sbr.rel $0x88, $3  }
0x1: {  	(tag) =	ssettag $0x0;
	lr =	simm.s32 $0x1  }
0x2: {  	[smem:$0x3F96] =	sst lr;
	_ =	strace $0xD0000000  }
0x3: {  	_ = 	snop  }
0x4: {  	_ = 	snop  }
0x5: {  	_ = 	snop  }
0x6: {  	_ = 	snop  }
0x7: {  	_ = 	snop  }
__scs_overlays_trampoline_lowered:
0x8: {  	[smem:$0x3FA5] =	sst s0  }
0x9: {  	[smem:$0x3FA6] =	sst s1  }
0xa: {  	[smem:$0x3FA7] =	sst s2  }
0xb: {  	[smem:$0x3FA8] =	sst s3  }
0xc: {  	[smem:$0x3FA9] =	sst s4  }
0xd: {  	[smem:$0x3FAA] =	sst s5  }
0xe: {  	[smem:$0x3FAB] =	sst s6  }
0xf: {  	[smem:$0x3FAC] =	sst s7  }
0x10: {  	[smem:$0x3FAD] =	sst s8  }
0x11: {  	[smem:$0x3FAE] =	sst s9;
	s0 =	simm.s32 @!p0 $0x0  }
0x12: {  	s1 =	sld [smem:$0x3F94];
	s0 =	simm.s32 @p0 $0x1  }
0x13: {  	[smem:$0x3FAF] =	sst s0;
	s0 =	simm.s32 @!p1 $0x0  }
0x14: {  	s2 =	sld [smem:$0x3F93];
	s0 =	simm.s32 @p1 $0x1  }
0x15: {  	[smem:$0x3FB0] =	sst s0;
	s0 =	simm.s32 @!p2 $0x0  }
0x16: {  	s3 =	sld [smem:$0x3FDB];
	s0 =	simm.s32 @p2 $0x1  }
0x17: {  	s4 =	simm.s32 $0x1BF5;
	[smem:$0x3FB2] =	sst s0  }
0x18: {  	s0 =	sld [smem:$0x3F95];
	_ =	swait.ge [sflag:s4], $0x0  }
0x19: {  	s7 =	sld [smem:$0x3F96]  }
0x1a: {  	s8 =	sadd.s32 $0xFFFFE003, lr  }
0x1b: {  	s9 =	sadd.s32 $0xFFFFFEF7, lr;
	s5 =	simm.s32 $0xFFFFFFFF;
	p2 =	slt.u32 s8, $0xFFFFF086  }
0x1c: {  	p1 =	slt.u32 s9, $0xF7A;
	s5 =	simm.s32 @!p2 $0x0  }
0x1d: {  	s5 =	simm.s32 @p1 $0x1;
	p0 =	seq.s32 s7, s2  }
0x1e: {  	s7 =	smul.u32 @!p0 $0xF7A, s2;
	p2 =	seq.s32 @!p0 s5, $0x0  }
0x1f: {  	s9 =	smul.u32 $0xF7A, s1;
	s8 =	simm.s32 @!p0 $0x1BF5;
	p2 =	por !p2, p0  }
0x20: {  	[sflag:s8] =	ssyncset.s32 @!p0 $0xFFFFF086;
	s6 =	sadd.s32 @!p0 s3, s7;
	s7 =	simm.s32 @!p0 $0x108  }
0x21: {  	s3 =	sadd.s32 s3, s9;
	s6 =	sadd.s32 @!p0 $0x88, s6;
	s7 =	simm.s32 @p2 $0x1082  }
0x22: {  	[simem:s7], [sflag:s8] =	dma.local @!p0 [hbm:s6], $0xF7A  }
0x23: {  	s9 =	sor.u32 $0xD0000000, s2;
	s6 =	simm.s32 $0x108;
	_ =	swait.ge @!p0 [sflag:s8], $0x0  }
0x24: {  	s3 =	sadd.s32 $0x88, s3;
	s6 =	simm.s32 @!p1 $0x1082;
	[sflag:s4] =	ssyncset.s32 $0xFFFFF086  }
0x25: {  	[simem:s6], [sflag:s4] =	dma.local [hbm:s3], $0xF7A  }
0x26: {  	[smem:$0x3F96] =	sst s1;
	(tag) =	ssettag s2;
	_ =	strace s9  }
0x27: {  	s1 =	sld [smem:$0x3FA6]  }
0x28: {  	s2 =	sld [smem:$0x3FA7]  }
0x29: {  	s4 =	sld [smem:$0x3FA9]  }
0x2a: {  	p0 =	seq.s32 s5, $0x0;
	s5 =	sld [smem:$0x3FAA]  }
0x2b: {  	s6 =	sld [smem:$0x3FAB]  }
0x2c: {  	s7 =	sld [smem:$0x3FAC]  }
0x2d: {  	s3 =	simm.s32 $0x108;
	s8 =	sld [smem:$0x3FAD]  }
0x2e: {  	s3 =	simm.s32 @!p0 $0x1082;
	s9 =	sld [smem:$0x3FAE]  }
0x2f: {  	lr =	sadd.s32 s0, s3;
	s0 =	sld [smem:$0x3FA5]  }
0x30: {  	s3 =	sld [smem:$0x3FA8]  }
0x31: {  	[smem:$0x3FB1] =	sst s10  }
0x32: {  	s10 =	sld [smem:$0x3FAF];
	_ =	sdelay $0x3  }
0x33: {  	p0 =	seq.s32 s10, $0x1;
	s10 =	sld [smem:$0x3FB1];
	_ =	sdelay $0x3  }
0x34: {  	[smem:$0x3FB1] =	sst s10  }
0x35: {  	s10 =	sld [smem:$0x3FB0];
	_ =	sdelay $0x3  }
0x36: {  	p1 =	seq.s32 s10, $0x1;
	s10 =	sld [smem:$0x3FB1];
	_ =	sdelay $0x3  }
0x37: {  	[smem:$0x3FB1] =	sst s10  }
0x38: {  	s10 =	sld [smem:$0x3FB2]  }
0x39: {  	_ = 	snop;
	(pc) =	sbr.ind lr, $3  }
0x3a: {  	_ = 	snop  }
0x3b: {  	_ = 	snop  }
0x3c: {  	p2 =	seq.s32 s10, $0x1;
	s10 =	sld [smem:$0x3FB1]  }
0x3d: {  	_ =	shalt  }
0x3e: {  	_ =	shalt  }
0x3f: {  	_ =	shalt  }
0x40: {  	_ =	shalt  }
0x41: {  	_ =	shalt  }
0x42: {  	_ =	shalt  }
0x43: {  	_ =	shalt  }
0x44: {  	_ =	shalt  }
0x45: {  	_ =	shalt  }
0x46: {  	_ =	shalt  }
0x47: {  	_ =	shalt  }
0x48: {  	_ =	shalt  }
0x49: {  	_ =	shalt  }
0x4a: {  	_ =	shalt  }
0x4b: {  	_ =	shalt  }
0x4c: {  	_ =	shalt  }
0x4d: {  	_ =	shalt  }
0x4e: {  	_ =	shalt  }
0x4f: {  	_ =	shalt  }
0x50: {  	_ =	shalt  }
0x51: {  	_ =	shalt  }
0x52: {  	_ =	shalt  }
0x53: {  	_ =	shalt  }
0x54: {  	_ =	shalt  }
0x55: {  	_ =	shalt  }
0x56: {  	_ =	shalt  }
0x57: {  	_ =	shalt  }
0x58: {  	_ =	shalt  }
0x59: {  	_ =	shalt  }
0x5a: {  	_ =	shalt  }
0x5b: {  	_ =	shalt  }
0x5c: {  	_ =	shalt  }
0x5d: {  	_ =	shalt  }
0x5e: {  	_ =	shalt  }
0x5f: {  	_ =	shalt  }
0x60: {  	_ =	shalt  }
0x61: {  	_ =	shalt  }
0x62: {  	_ =	shalt  }
0x63: {  	_ =	shalt  }
0x64: {  	_ =	shalt  }
0x65: {  	_ =	shalt  }
0x66: {  	_ =	shalt  }
0x67: {  	_ =	shalt  }
0x68: {  	_ =	shalt  }
0x69: {  	_ =	shalt  }
0x6a: {  	_ =	shalt  }
0x6b: {  	_ =	shalt  }
0x6c: {  	_ =	shalt  }
0x6d: {  	_ =	shalt  }
0x6e: {  	_ =	shalt  }
0x6f: {  	_ =	shalt  }
0x70: {  	_ =	shalt  }
0x71: {  	_ =	shalt  }
0x72: {  	_ =	shalt  }
0x73: {  	_ =	shalt  }
0x74: {  	_ =	shalt  }
0x75: {  	_ =	shalt  }
0x76: {  	_ =	shalt  }
0x77: {  	_ =	shalt  }
0x78: {  	_ =	shalt  }
0x79: {  	_ =	shalt  }
0x7a: {  	_ =	shalt  }
0x7b: {  	_ =	shalt  }
0x7c: {  	_ =	shalt  }
0x7d: {  	_ =	shalt  }
0x7e: {  	_ =	shalt  }
0x7f: {  	_ =	shalt  }
0x80: {  	_ =	shalt  }
0x81: {  	_ =	shalt  }
0x82: {  	_ =	shalt  }
0x83: {  	_ =	shalt  }
0x84: {  	_ =	shalt  }
0x85: {  	_ =	shalt  }
0x86: {  	_ =	shalt  }
0x87: {  	_ =	shalt  }
.Lfunc_end0:
.L_simem_size_0:
called_computation.1_lowered:
.L_overlay_start_0:
0x88: {  	s2 =	sld [smem:$0x3FD9]  }
0x89: {  	s3 =	sld [smem:$0x3FFE];
	_ =	sdelay $0x1  }
0x8a: {  	s1 =	srdreg.scid  }
0x8b: {  	s0 =	sand.u32 $0x1, s1  }
0x8c: {  	s17 =	sshll.u32 s0, $0xA;
	s2 =	sadd.s32 s3, s2  }
0x8d: {  	s2 =	sadd.s32 s2, s17  }
0x8e: {  	[smem:$0x3FBD] =	sst s2  }
0x8f: {  	_ = 	snop  }
0x90: {  	s18 =	sld [smem:$0x3FD0];
	(tm) =	ssettm $0x1  }
0x91: {  	s19 =	sld [smem:$0x3FFB];
	_ =	sdelay $0x3  }
0x92: {  	_ =	strace s19  }
0x93: {  	s2 =	sld [smem:$0x3FFC];
	_ =	sdelay $0x3  }
0x94: {  	_ =	strace s2  }
0x95: {  	s2 =	sld [smem:$0x3FFD];
	_ =	sdelay $0x3  }
0x96: {  	_ =	strace s2  }
0x97: {  	_ =	strace $0x8FFFFFFF  }
0x98: {  	s20 =	sld [smem:$0x3FDB];
	_ =	sdelay $0x1  }
0x99: {  	s4 =	simm.s32 $_scs_section_size  }
0x9a: {  	s5 =	simm.s32 $_size__tile_overlayer_lowered;
	s6 =	simm.s32 $_tile_overlayer_lowered  }
0x9b: {  	s7 =	simm.s32 $0x1BFF;
	s21 =	sshll.u32 s6, $0x1;
	s4 =	sadd.s32 s4, s20  }
0x9c: {  	s22 =	simm.s32 $0x0;
	s5 =	sshll.u32 s5, $0x1;
	s6 =	sadd.s32 s21, s4  }
0x9d: {  	[timem:s22], [sflag:s7] =	dma.local [hbm:s6], s5  }
0x9e: {  	_ =	swait.ge [sflag:s7], s5  }
0x9f: {  	s5 =	ssub.s32 $0x0, s5;
	[sflag:s7] =	ssyncset.done $0x0  }
0xa0: {  	[sflag:s7] =	ssyncadd.s32 s5;
	_ =	sdelay $0x1  }
0xa1: {  	s23 =	simm.s32 $0x1B8B  }
0xa2: {  	_ =	swait.ge [sflag:s23], $0x1  }
0xa3: {  	[sflag:s23] =	ssyncset.done $0x0  }
0xa4: {  	[sflag:s23] =	ssyncadd.s32 $0xFFFFFFFF  }
0xa5: {  	s5 =	sld [smem:$0x0]  }
0xa6: {  	s6 =	sand.u32 $0xFFFFFFFE, s1  }
0xa7: {  	p0 =	sne.s32 s1, s6  }
0xa8: {  	s6 =	sshll.u32 @p0 s6, $0xE  }
0xa9: {  	s6 =	sadd.s32 @p0 $0x11B8D, s6;
	s7 =	sshll.u32 @p0 s5, $0x11  }
0xaa: {  	s6 =	sor.u32 @p0 s7, s6  }
0xab: {  	[sflag:s6] =	ssyncadd.remote.s32 @p0 $0x1;
	_ =	sdelay $0x1  }
0xac: {  	s6 =	simm.s32 @p0 $0x1B8D  }
0xad: {  	_ =	swait.eq @p0 [sflag:s6], $0x1  }
0xae: {  	[sflag:s6] =	ssyncadd.s32 @p0 $0xFFFFFFFF  }
0xaf: {  	s7 =	sshll.u32 @!p0 s1, $0xE  }
0xb0: {  	s7 =	sor.u32 @!p0 $0x4000, s7;
	s6 =	simm.s32 @!p0 $0x1B8D  }
0xb1: {  	s5 =	sshll.u32 @!p0 s5, $0x11;
	s7 =	sadd.s32 @!p0 $0x11B8D, s7;
	_ =	swait.eq @!p0 [sflag:s6], $0x1  }
0xb2: {  	s5 =	sor.u32 @!p0 s5, s7;
	[sflag:s6] =	ssyncadd.s32 @!p0 $0xFFFFFFFF  }
0xb3: {  	s25 =	simm.s32 $0x1B8E;
	s24 =	sld [smem:$0x3FFE];
	[sflag:s5] =	ssyncadd.remote.s32 @!p0 $0x1  }
0xb4: {  	s26 =	simm.s32 $execute0_lowered;
	[smem:$0x3FD2] =	sst s25  }
0xb5: {  	s6 =	sshll.u32 s26, $0x1;
	_ =	strace $0x80000049;
	[dreg:$0x1] =	wrdreg $0xFFFFFFFF  }
0xb6: {  	s28 =	simm.s32 $_size_execute0_lowered;
	s4 =	sadd.s32 s4, s6;
	[dreg:$0x0] =	wrdreg $0x0  }
0xb7: {  	s6 =	sshll.u32 s28, $0x1;
	[dreg:$0x2] =	wrdreg s4  }
0xb8: {  	[dreg:$0x3] =	wrdreg s6  }
0xb9: {  	[dreg:$0x4] =	wrdreg $0xC0  }
0xba: {  	_ =	task [dreg:s22], $0x5FFFF  }
0xbb: {  	[dreg:$0x1] =	wrdreg $0xFFFFFFFF  }
0xbc: {  	[dreg:$0x0] =	wrdreg $0x60  }
0xbd: {  	[dreg:$0x2] =	wrdreg s24  }
0xbe: {  	[dreg:$0x3] =	wrdreg s18  }
0xbf: {  	[dreg:$0x4] =	wrdreg $0x14A000  }
0xc0: {  	[dreg:$0x5] =	wrdreg $0xA  }
0xc1: {  	_ =	task.clear_ibuf [dreg:s22], $0x6FFFF;
	_ =	strace $0x90000049  }
0xc2: {  	s29 =	simm.s32 $0xA;
	_ =	strace $0x8000004B  }
0xc3: {  	_ =	swait.ge [sflag:s29], $0x1  }
0xc4: {  	[sflag:s29] =	ssyncadd.s32 $0xFFFFFFFF  }
0xc5: {  	_ =	strace $0x9000004B  }
0xc6: {  	_ =	sfence  }
0xc7: {  	s30 =	sld [smem:$0x0];
	_ =	sdelay $0x2  }
0xc8: {  	s31 =	sshll.u32 s1, $0xD;
	s1 =	sshrl.u32 s1, $0x2  }
0xc9: {  	s4 =	sand.u32 $0x4000, s31;
	s1 =	sadd.s32 s1, s30  }
0xca: {  	s0 =	sor.u32 s4, s0;
	s1 =	sshll.u32 s1, $0x11  }
0xcb: {  	s0 =	sor.u32 s1, s0  }
0xcc: {  	s0 =	sadd.s32 $0x8F2B, s0  }
0xcd: {  	[sflag:s0] =	ssyncadd.remote.s32 $0x1  }
0xce: {  	_ =	sfence.sel $0xFFFF  }
0xcf: {  	[dreg:$0x0] =	wrdreg $0xFFFFFFFF;
	(pc) =	sbr.abs _section_cstart, $3  }
0xd0: {  	[dreg:$0x1] =	wrdreg $0xFFFFFFFF  }
0xd1: {  	_ =	task.clear_ibuf [dreg:s22], $0x2FFFF;
	_ =	strace $0x9FFFFFFF  }
0xd2: {  	(tm) =	ssettm $0x7FFFFFFF  }
0xd3: {  	_ =	shalt  }
tec
execute0_lowered:
.L_overlay_start_1:
0x0: {  	(tag) =	ssettag $0x1  }
0x1: {  	s8 =	rddreg [dreg:$0x0]  }
0x2: {  	s6 =	rddreg [dreg:$0x1]  }
0x3: {  	s2 =	rddreg [dreg:$0x2]  }
0x4: {  	s0 =	rddreg [dreg:$0x3];
	s4 =	srdreg.scid  }
0x5: {  	s1 =	stileid.u32;
	s3 =	simm.s32 $0x0;
	s15 =	simm.s32 $0x7D  }
0x6: {  	s16 =	simm.s32 $0xDAC0;
	s17 =	simm.s32 $0x1F40;
	s18 =	simm.s32 $0x0  }
0x7: {  	s7 =	sand.u32 $0x1, s4;
	s30 =	sshll.u32 s1, $0x1;
	[smem:$0x7FF] =	sst s3  }
0x8: {  	s5 =	sadd.s32 $0x1A000, s8;
	s31 =	smul.u32 $0x14000, s1;
	s13 =	sshll.u32 s1, $0x6  }
0x9: {  	s4 =	sor.u32 s7, s30;
	_ =	strace $0x8000004A;
	s9 =	ssub.s32 $0x2, s7  }
0xa: {  	p0 =	seq.s32 s7, $0x1;
	s13 =	sor.u32 $0x1C11, s13;
	s10 =	smul.u32 $0x2800, s4  }
0xb: {  	s4 =	sadd.s32 $0x1B400, s8;
	s11 =	sshrl.u32 s9, $0x1;
	s12 =	sshrl.u32 s31, $0x1  }
0xc: {  	s9 =	ssub.s32 s9, s11;
	s14 =	sadd.s32 s12, s2;
	s10 =	sshrl.u32 s10, $0x3  }
0xd: {  	s11 =	sshrl.u32 s31, $0x4;
	s6 =	sadd.s32 s6, s10;
	s10 =	simm.s32 $0x42E00  }
0xe: {  	s12 =	simm.s32 $0x12200;
	s14 =	sshrl.u32 s14, $0x3;
	s10 =	simm.s32 @!p0 $0x2EE00  }
0xf: {  	s7 =	sadd.s32 $0xA000, s6;
	s10 =	sadd.s32 s10, s8;
	s8 =	smax.u32 s9, $0x1  }
0x10: {  	s9 =	sadd.s32 s10, s11;
	s10 =	simm.s32 $0xFA00;
	s11 =	simm.s32 $0x11  }
.LBB2_1:
0x11: {  	[tilespmem:s10], [sflag:$0x11] =	stream.linear.gather [hbm4b:s6+s3], $0x2800, $0x38;
	[tilespmem:$0x1EA00] =	vst v63  }
0x12: {  	_ =	swait.ge [sflag:s11], $0x2800  }
0x13: {  	[sflag:s11] =	ssyncset.done $0x0  }
0x14: {  	[sflag:s11] =	ssyncadd.s32 $0xFFFFD800  }
0x15: {  	[tilespmem:s12], [sflag:$0x11] =	stream.linear.gather [hbm4b:s7+s3], $0x2800, $0x38;
	[tilespmem:$0x1EA00] =	vst v63  }
0x16: {  	_ =	swait.ge [sflag:s11], $0x2800  }
0x17: {  	[sflag:s11] =	ssyncset.done $0x0  }
0x18: {  	[sflag:s11] =	ssyncadd.s32 $0xFFFFD800  }
0x19: {  	[spmem:s14], [sflag:s13] =	dma.local [hbm:s5], $0x1400  }
0x1a: {  	_ =	swait.ge [sflag:s11], $0x1400  }
0x1b: {  	[sflag:s11] =	ssyncset.done $0x0  }
0x1c: {  	[sflag:s11] =	ssyncadd.s32 $0xFFFFEC00  }
0x1d: {  	s19 =	simm.s32 $0x7;
	s20 =	simm.s32 $0x0;
	[bflag:$0x0] =	sbarrier.arrive $0xFFFF  }
.LBB2_2:
0x1e: {  	s21 =	sadd.s32 $0xFFFFFFF1, s19  }
0x1f: {  	p0 =	sgt.u32 s21, $0x4F  }
0x20: {  	s21 =	simm.s32 @!p0 $0x9  }
0x21: {  	_ =	swait.ge @!p0 [sflag:s21], $0x1F40  }
0x22: {  	p1 =	seq.s32 s20, $0xA000;
	[sflag:s21] =	ssyncset.done @!p0 $0x0  }
0x23: {  	[sflag:s21] =	ssyncadd.s32 @!p0 $0xFFFFE0C0;
	s21 =	sshra.s32 @!p1 s20, $0x2  }
0x24: {  	s22 =	simm.s32 @!p1 $0x7D;
	s24 =	simm.s32 @!p1 $0x0;
	s23 =	sadd.s32 @!p1 $0xFA00, s21  }
0x25: {  	[tilespmem:s24], [sflag:$0x1] =	stream.indirect.gather @!p1 [hbm4b:s4+s22], $0x40, s23, s22, $0xb8;
	[tilespmem:$0x1EA00] =	vst v63  }
0x26: {  	s23 =	simm.s32 @!p0 $0x8  }
0x27: {  	_ =	swait.ge @!p0 [sflag:s23], $0x1F40  }
0x28: {  	[sflag:s23] =	ssyncset.done @!p0 $0x0  }
0x29: {  	p2 =	seq.s32 s20, $0x0;
	[sflag:s23] =	ssyncadd.s32 @!p0 $0xFFFFE0C0;
	s23 =	sshra.s32 @!p0 s20, $0x2  }
0x2a: {  	s25 =	simm.s32 @!p0 $0xDAC0;
	s24 =	simm.s32 @!p0 $0x7D;
	s23 =	sadd.s32 @!p0 $0x12180, s23  }
0x2b: {  	[spmem:s2] =	stream.indirect.scatter.add.bf16 @!p0 [tilespmem:s25], [sflag:$0x10], $0x40, s23, s24, $0xb8;
	[tilespmem:$0x1EA00] =	vst v63  }
0x2c: {  	s23 =	simm.s32 @!p2 $0xA  }
0x2d: {  	p3 =	seq.s32 @!p2 s20, $0xA000;
	_ =	swait.ge @!p2 [sflag:s23], $0x1F40  }
0x2e: {  	p3 =	por p2, !p3;
	[sflag:s23] =	ssyncset.done @!p2 $0x0  }
0x2f: {  	s25 =	sadd.s32 $0xFFFFFFFA, s19;
	[sflag:s23] =	ssyncadd.s32 @!p2 $0xFFFFE0C0;
	s23 =	sshra.s32 @p3 s20, $0x2  }
0x30: {  	p4 =	sgt.u32 s25, $0x50;
	s23 =	sadd.s32 @p3 $0xFA80, s23  }
0x31: {  	[tilespmem:s17], [sflag:$0x2] =	stream.indirect.gather @p3 [hbm4b:s4+s15], $0x40, s23, s15, $0xb8;
	[tilespmem:$0x1EA00] =	vst v63  }
0x32: {  	s23 =	simm.s32 @!p4 $0x1  }
0x33: {  	_ =	swait.ge @!p4 [sflag:s23], $0x1F40  }
0x34: {  	[sflag:s23] =	ssyncset.done @!p4 $0x0  }
0x35: {  	[sflag:s23] =	ssyncadd.s32 @!p4 $0xFFFFE0C0;
	s23 =	sshra.s32 @!p4 s20, $0x2  }
0x36: {  	s24 =	simm.s32 @!p4 $0x7D;
	s25 =	simm.s32 @!p4 $0x0;
	s23 =	sadd.s32 @!p4 $0x12200, s23  }
0x37: {  	[spmem:s2] =	stream.indirect.scatter.add.bf16 @!p4 [tilespmem:s25], [sflag:$0x9], $0x40, s23, s24, $0xb8;
	[tilespmem:$0x1EA00] =	vst v63  }
0x38: {  	s23 =	simm.s32 @!p0 $0xB  }
0x39: {  	_ =	swait.ge @!p0 [sflag:s23], $0x1F40  }
0x3a: {  	s26 =	sadd.s32 $0xFFFFFFFB, s19;
	s25 =	simm.s32 @!p1 $0x3E80;
	[sflag:s23] =	ssyncset.done @!p0 $0x0  }
0x3b: {  	p4 =	sgt.u32 s26, $0x50;
	[sflag:s23] =	ssyncadd.s32 @!p0 $0xFFFFE0C0;
	s23 =	sadd.s32 @!p1 $0xFB00, s21  }
0x3c: {  	[tilespmem:s25], [sflag:$0x3] =	stream.indirect.gather @!p1 [hbm4b:s4+s22], $0x40, s23, s22, $0xb8;
	[tilespmem:$0x1EA00] =	vst v63  }
0x3d: {  	s23 =	simm.s32 @!p4 $0x2  }
0x3e: {  	_ =	swait.ge @!p4 [sflag:s23], $0x1F40  }
0x3f: {  	[sflag:s23] =	ssyncset.done @!p4 $0x0  }
0x40: {  	[sflag:s23] =	ssyncadd.s32 @!p4 $0xFFFFE0C0;
	s23 =	sshra.s32 @!p4 s20, $0x2  }
0x41: {  	s24 =	simm.s32 @!p4 $0x7D;
	s25 =	simm.s32 @!p4 $0x1F40;
	s23 =	sadd.s32 @!p4 $0x12280, s23  }
0x42: {  	[spmem:s2] =	stream.indirect.scatter.add.bf16 @!p4 [tilespmem:s25], [sflag:$0xA], $0x40, s23, s24, $0xb8;
	[tilespmem:$0x1EA00] =	vst v63  }
0x43: {  	s23 =	simm.s32 @!p0 $0xC  }
0x44: {  	_ =	swait.ge @!p0 [sflag:s23], $0x1F40  }
0x45: {  	s28 =	sadd.s32 $0xFFFFFFFC, s19;
	s25 =	simm.s32 @!p1 $0x5DC0;
	[sflag:s23] =	ssyncset.done @!p0 $0x0  }
0x46: {  	p4 =	sgt.u32 s28, $0x50;
	[sflag:s23] =	ssyncadd.s32 @!p0 $0xFFFFE0C0;
	s23 =	sadd.s32 @!p1 $0xFB80, s21  }
0x47: {  	[tilespmem:s25], [sflag:$0x4] =	stream.indirect.gather @!p1 [hbm4b:s4+s22], $0x40, s23, s22, $0xb8;
	[tilespmem:$0x1EA00] =	vst v63  }
0x48: {  	s23 =	simm.s32 @!p4 $0x3  }
0x49: {  	_ =	swait.ge @!p4 [sflag:s23], $0x1F40  }
0x4a: {  	[sflag:s23] =	ssyncset.done @!p4 $0x0  }
0x4b: {  	[sflag:s23] =	ssyncadd.s32 @!p4 $0xFFFFE0C0;
	s23 =	sshra.s32 @!p4 s20, $0x2  }
0x4c: {  	s24 =	simm.s32 @!p4 $0x7D;
	s25 =	simm.s32 @!p4 $0x3E80;
	s23 =	sadd.s32 @!p4 $0x12300, s23  }
0x4d: {  	[spmem:s2] =	stream.indirect.scatter.add.bf16 @!p4 [tilespmem:s25], [sflag:$0xB], $0x40, s23, s24, $0xb8;
	[tilespmem:$0x1EA00] =	vst v63  }
0x4e: {  	s23 =	simm.s32 @!p0 $0xD  }
0x4f: {  	_ =	swait.ge @!p0 [sflag:s23], $0x1F40  }
0x50: {  	s29 =	sadd.s32 $0xFFFFFFFD, s19;
	s25 =	simm.s32 @!p1 $0x7D00;
	[sflag:s23] =	ssyncset.done @!p0 $0x0  }
0x51: {  	p4 =	sgt.u32 s29, $0x50;
	[sflag:s23] =	ssyncadd.s32 @!p0 $0xFFFFE0C0;
	s23 =	sadd.s32 @!p1 $0xFC00, s21  }
0x52: {  	[tilespmem:s25], [sflag:$0x5] =	stream.indirect.gather @!p1 [hbm4b:s4+s22], $0x40, s23, s22, $0xb8;
	[tilespmem:$0x1EA00] =	vst v63  }
0x53: {  	s23 =	simm.s32 @!p4 $0x4  }
0x54: {  	_ =	swait.ge @!p4 [sflag:s23], $0x1F40  }
0x55: {  	[sflag:s23] =	ssyncset.done @!p4 $0x0  }
0x56: {  	[sflag:s23] =	ssyncadd.s32 @!p4 $0xFFFFE0C0;
	s23 =	sshra.s32 @!p4 s20, $0x2  }
0x57: {  	s24 =	simm.s32 @!p4 $0x7D;
	s25 =	simm.s32 @!p4 $0x5DC0;
	s23 =	sadd.s32 @!p4 $0x12380, s23  }
0x58: {  	[spmem:s2] =	stream.indirect.scatter.add.bf16 @!p4 [tilespmem:s25], [sflag:$0xC], $0x40, s23, s24, $0xb8;
	[tilespmem:$0x1EA00] =	vst v63  }
0x59: {  	s23 =	simm.s32 @!p0 $0xE  }
0x5a: {  	_ =	swait.ge @!p0 [sflag:s23], $0x1F40  }
0x5b: {  	s30 =	sadd.s32 $0xFFFFFFFE, s19;
	s25 =	simm.s32 @!p1 $0x9C40;
	[sflag:s23] =	ssyncset.done @!p0 $0x0  }
0x5c: {  	p4 =	sgt.u32 s30, $0x50;
	[sflag:s23] =	ssyncadd.s32 @!p0 $0xFFFFE0C0;
	s23 =	sadd.s32 @!p1 $0xFC80, s21  }
0x5d: {  	[tilespmem:s25], [sflag:$0x6] =	stream.indirect.gather @!p1 [hbm4b:s4+s22], $0x40, s23, s22, $0xb8;
	[tilespmem:$0x1EA00] =	vst v63  }
0x5e: {  	s23 =	simm.s32 @!p4 $0x5  }
0x5f: {  	_ =	swait.ge @!p4 [sflag:s23], $0x1F40  }
0x60: {  	[sflag:s23] =	ssyncset.done @!p4 $0x0  }
0x61: {  	[sflag:s23] =	ssyncadd.s32 @!p4 $0xFFFFE0C0;
	s23 =	sshra.s32 @!p4 s20, $0x2  }
0x62: {  	s24 =	simm.s32 @!p4 $0x7D;
	s25 =	simm.s32 @!p4 $0x7D00;
	s23 =	sadd.s32 @!p4 $0x12400, s23  }
0x63: {  	[spmem:s2] =	stream.indirect.scatter.add.bf16 @!p4 [tilespmem:s25], [sflag:$0xD], $0x40, s23, s24, $0xb8;
	[tilespmem:$0x1EA00] =	vst v63  }
0x64: {  	s23 =	simm.s32 @!p0 $0xF  }
0x65: {  	_ =	swait.ge @!p0 [sflag:s23], $0x1F40  }
0x66: {  	s31 =	sadd.s32 $0xFFFFFFFF, s19;
	s21 =	sadd.s32 @!p1 $0xFD00, s21;
	[sflag:s23] =	ssyncset.done @!p0 $0x0  }
0x67: {  	[sflag:s23] =	ssyncadd.s32 @!p0 $0xFFFFE0C0;
	s23 =	simm.s32 @!p1 $0xBB80;
	p0 =	sgt.u32 s31, $0x50  }
0x68: {  	[tilespmem:s23], [sflag:$0x7] =	stream.indirect.gather @!p1 [hbm4b:s4+s22], $0x40, s21, s22, $0xb8;
	[tilespmem:$0x1EA00] =	vst v63  }
0x69: {  	s21 =	simm.s32 @!p0 $0x6  }
0x6a: {  	_ =	swait.ge @!p0 [sflag:s21], $0x1F40  }
0x6b: {  	[sflag:s21] =	ssyncset.done @!p0 $0x0  }
0x6c: {  	[sflag:s21] =	ssyncadd.s32 @!p0 $0xFFFFE0C0;
	s21 =	sshra.s32 @!p0 s20, $0x2  }
0x6d: {  	s22 =	simm.s32 @!p0 $0x7D;
	s23 =	simm.s32 @!p0 $0x9C40;
	s21 =	sadd.s32 @!p0 $0x12480, s21  }
0x6e: {  	[spmem:s2] =	stream.indirect.scatter.add.bf16 @!p0 [tilespmem:s23], [sflag:$0xE], $0x40, s21, s22, $0xb8;
	[tilespmem:$0x1EA00] =	vst v63  }
0x6f: {  	s21 =	simm.s32 @!p2 $0x10  }
0x70: {  	_ =	swait.ge @!p2 [sflag:s21], $0x1F40  }
0x71: {  	[sflag:s21] =	ssyncset.done @!p2 $0x0  }
0x72: {  	[sflag:s21] =	ssyncadd.s32 @!p2 $0xFFFFE0C0;
	s21 =	sshra.s32 @p3 s20, $0x2  }
0x73: {  	p0 =	sgt.u32 s19, $0x50;
	s21 =	sadd.s32 @p3 $0xFD80, s21  }
0x74: {  	[tilespmem:s16], [sflag:$0x8] =	stream.indirect.gather @p3 [hbm4b:s4+s15], $0x40, s21, s15, $0xb8;
	[tilespmem:$0x1EA00] =	vst v63  }
0x75: {  	s21 =	simm.s32 @!p0 $0x7  }
0x76: {  	_ =	swait.ge @!p0 [sflag:s21], $0x1F40  }
0x77: {  	[sflag:s21] =	ssyncset.done @!p0 $0x0  }
0x78: {  	s22 =	simm.s32 @!p0 $0x7D;
	[sflag:s21] =	ssyncadd.s32 @!p0 $0xFFFFE0C0;
	s21 =	sshra.s32 @!p0 s20, $0x2  }
0x79: {  	s23 =	simm.s32 @!p0 $0xBB80;
	s20 =	sadd.s32 $0x1000, s20;
	s21 =	sadd.s32 @!p0 $0x12500, s21  }
0x7a: {  	[spmem:s2] =	stream.indirect.scatter.add.bf16 @!p0 [tilespmem:s23], [sflag:$0xF], $0x40, s21, s22, $0xb8;
	[tilespmem:$0x1EA00] =	vst v63  }
0x7b: {  	p0 =	sne.s32 s20, $0xB000  }
.Ltmp0:
0x7c: {  	_ = 	snop;
	(pc) =	sbr.rel @p0 .LBB2_2-.Ltmp0, $2  }
0x7d: {  	_ =	sdelay $0x2  }
0x7e: {  	s19 =	sadd.s32 $0x8, s19  }
0x7f: {  	s18 =	sadd.s32 $0x1, s18  }
0x80: {  	p0 =	sne.s32 s18, s8  }
.Ltmp1:
0x81: {  	[bflag:$0x0] =	sbarrier.arrive $0xFFFF;
	(pc) =	sbr.rel @p0 .LBB2_1-.Ltmp1, $4  }
0x82: {  	[hbm:s9], [sflag:s13] =	dma.local [spmem:s14], $0x1400  }
0x83: {  	_ =	swait.ge [sflag:s11], $0x1400  }
0x84: {  	[sflag:s11] =	ssyncset.done $0x0  }
0x85: {  	[sflag:s11] =	ssyncadd.s32 $0xFFFFEC00  }
0x86: {  	_ =	sfence.sel $0x180000  }
0x87: {  	[bflag:$0x0] =	sbarrier.arrive $0xFFFF  }
0x88: {  	p0 =	sne.s32 s1, $0x0;
	_ =	strace $0x9000004A  }
0x89: {  	s0 =	sadd.s32 @!p0 $0x100000, s0;
	[bflag:$0x2] =	sbarrier.arrive $0xFFFF  }
0x8a: {  	[sflag:s0] =	ssyncadd.tile.s32 @!p0 $0x1;
	_ =	shalt  }
.Lfunc_end2:
_tile_overlayer_lowered:
.L_overlay_start_2:
0x8b: {  	(tag) =	ssettag $0x2  }
0x8c: {  	s0 =	rddreg [dreg:$0x0];
	s2 =	stileid.u32  }
0x8d: {  	s1 =	rddreg [dreg:$0x1];
	p0 =	sne.s32 s2, $0x0  }
0x8e: {  	s3 =	rddreg [dreg:$0x2];
	[bflag:$0x3] =	sbarrier.arrive $0xFFFF;
	s2 =	simm.s32 @!p0 $0x1C11  }
0x8f: {  	[timem:s3], [sflag:s2] =	dma.local @!p0 [hbm:s0], s1  }
0x90: {  	s0 =	simm.s32 @!p0 $0x11  }
0x91: {  	_ =	swait.ge @!p0 [sflag:s0], s1  }
0x92: {  	s1 =	ssub.s32 @!p0 $0x0, s1;
	[sflag:s0] =	ssyncset.done @!p0 $0x0  }
0x93: {  	[sflag:s0] =	ssyncadd.s32 @!p0 s1  }
0x94: {  	[bflag:$0x3] =	sbarrier.arrive $0xFFFF  }
0x95: {  	_ =	shalt  }

// kernel: kernel.16.cloned.1.call-start
scs
__scs_entry_jumppad:
0x0: {  	(pc) =	sbr.rel $0x88, $3  }
0x1: {  	(tag) =	ssettag $0x0;
	lr =	simm.s32 $0x1  }
0x2: {  	[smem:$0x3F96] =	sst lr;
	_ =	strace $0xD0000000  }
0x3: {  	_ = 	snop  }
0x4: {  	_ = 	snop  }
0x5: {  	_ = 	snop  }
0x6: {  	_ = 	snop  }
0x7: {  	_ = 	snop  }
__scs_overlays_trampoline_lowered:
0x8: {  	[smem:$0x3FA5] =	sst s0  }
0x9: {  	[smem:$0x3FA6] =	sst s1  }
0xa: {  	[smem:$0x3FA7] =	sst s2  }
0xb: {  	[smem:$0x3FA8] =	sst s3  }
0xc: {  	[smem:$0x3FA9] =	sst s4  }
0xd: {  	[smem:$0x3FAA] =	sst s5  }
0xe: {  	[smem:$0x3FAB] =	sst s6  }
0xf: {  	[smem:$0x3FAC] =	sst s7  }
0x10: {  	[smem:$0x3FAD] =	sst s8  }
0x11: {  	[smem:$0x3FAE] =	sst s9;
	s0 =	simm.s32 @!p0 $0x0  }
0x12: {  	s1 =	sld [smem:$0x3F94];
	s0 =	simm.s32 @p0 $0x1  }
0x13: {  	[smem:$0x3FAF] =	sst s0;
	s0 =	simm.s32 @!p1 $0x0  }
0x14: {  	s2 =	sld [smem:$0x3F93];
	s0 =	simm.s32 @p1 $0x1  }
0x15: {  	[smem:$0x3FB0] =	sst s0;
	s0 =	simm.s32 @!p2 $0x0  }
0x16: {  	s3 =	sld [smem:$0x3FDB];
	s0 =	simm.s32 @p2 $0x1  }
0x17: {  	s4 =	simm.s32 $0x1BF5;
	[smem:$0x3FB2] =	sst s0  }
0x18: {  	s0 =	sld [smem:$0x3F95];
	_ =	swait.ge [sflag:s4], $0x0  }
0x19: {  	s7 =	sld [smem:$0x3F96]  }
0x1a: {  	s8 =	sadd.s32 $0xFFFFE003, lr  }
0x1b: {  	s9 =	sadd.s32 $0xFFFFFEF7, lr;
	s5 =	simm.s32 $0xFFFFFFFF;
	p2 =	slt.u32 s8, $0xFFFFF086  }
0x1c: {  	p1 =	slt.u32 s9, $0xF7A;
	s5 =	simm.s32 @!p2 $0x0  }
0x1d: {  	s5 =	simm.s32 @p1 $0x1;
	p0 =	seq.s32 s7, s2  }
0x1e: {  	s7 =	smul.u32 @!p0 $0xF7A, s2;
	p2 =	seq.s32 @!p0 s5, $0x0  }
0x1f: {  	s9 =	smul.u32 $0xF7A, s1;
	s8 =	simm.s32 @!p0 $0x1BF5;
	p2 =	por !p2, p0  }
0x20: {  	[sflag:s8] =	ssyncset.s32 @!p0 $0xFFFFF086;
	s6 =	sadd.s32 @!p0 s3, s7;
	s7 =	simm.s32 @!p0 $0x108  }
0x21: {  	s3 =	sadd.s32 s3, s9;
	s6 =	sadd.s32 @!p0 $0x88, s6;
	s7 =	simm.s32 @p2 $0x1082  }
0x22: {  	[simem:s7], [sflag:s8] =	dma.local @!p0 [hbm:s6], $0xF7A  }
0x23: {  	s9 =	sor.u32 $0xD0000000, s2;
	s6 =	simm.s32 $0x108;
	_ =	swait.ge @!p0 [sflag:s8], $0x0  }
0x24: {  	s3 =	sadd.s32 $0x88, s3;
	s6 =	simm.s32 @!p1 $0x1082;
	[sflag:s4] =	ssyncset.s32 $0xFFFFF086  }
0x25: {  	[simem:s6], [sflag:s4] =	dma.local [hbm:s3], $0xF7A  }
0x26: {  	[smem:$0x3F96] =	sst s1;
	(tag) =	ssettag s2;
	_ =	strace s9  }
0x27: {  	s1 =	sld [smem:$0x3FA6]  }
0x28: {  	s2 =	sld [smem:$0x3FA7]  }
0x29: {  	s4 =	sld [smem:$0x3FA9]  }
0x2a: {  	p0 =	seq.s32 s5, $0x0;
	s5 =	sld [smem:$0x3FAA]  }
0x2b: {  	s6 =	sld [smem:$0x3FAB]  }
0x2c: {  	s7 =	sld [smem:$0x3FAC]  }
0x2d: {  	s3 =	simm.s32 $0x108;
	s8 =	sld [smem:$0x3FAD]  }
0x2e: {  	s3 =	simm.s32 @!p0 $0x1082;
	s9 =	sld [smem:$0x3FAE]  }
0x2f: {  	lr =	sadd.s32 s0, s3;
	s0 =	sld [smem:$0x3FA5]  }
0x30: {  	s3 =	sld [smem:$0x3FA8]  }
0x31: {  	[smem:$0x3FB1] =	sst s10  }
0x32: {  	s10 =	sld [smem:$0x3FAF];
	_ =	sdelay $0x3  }
0x33: {  	p0 =	seq.s32 s10, $0x1;
	s10 =	sld [smem:$0x3FB1];
	_ =	sdelay $0x3  }
0x34: {  	[smem:$0x3FB1] =	sst s10  }
0x35: {  	s10 =	sld [smem:$0x3FB0];
	_ =	sdelay $0x3  }
0x36: {  	p1 =	seq.s32 s10, $0x1;
	s10 =	sld [smem:$0x3FB1];
	_ =	sdelay $0x3  }
0x37: {  	[smem:$0x3FB1] =	sst s10  }
0x38: {  	s10 =	sld [smem:$0x3FB2]  }
0x39: {  	_ = 	snop;
	(pc) =	sbr.ind lr, $3  }
0x3a: {  	_ = 	snop  }
0x3b: {  	_ = 	snop  }
0x3c: {  	p2 =	seq.s32 s10, $0x1;
	s10 =	sld [smem:$0x3FB1]  }
0x3d: {  	_ =	shalt  }
0x3e: {  	_ =	shalt  }
0x3f: {  	_ =	shalt  }
0x40: {  	_ =	shalt  }
0x41: {  	_ =	shalt  }
0x42: {  	_ =	shalt  }
0x43: {  	_ =	shalt  }
0x44: {  	_ =	shalt  }
0x45: {  	_ =	shalt  }
0x46: {  	_ =	shalt  }
0x47: {  	_ =	shalt  }
0x48: {  	_ =	shalt  }
0x49: {  	_ =	shalt  }
0x4a: {  	_ =	shalt  }
0x4b: {  	_ =	shalt  }
0x4c: {  	_ =	shalt  }
0x4d: {  	_ =	shalt  }
0x4e: {  	_ =	shalt  }
0x4f: {  	_ =	shalt  }
0x50: {  	_ =	shalt  }
0x51: {  	_ =	shalt  }
0x52: {  	_ =	shalt  }
0x53: {  	_ =	shalt  }
0x54: {  	_ =	shalt  }
0x55: {  	_ =	shalt  }
0x56: {  	_ =	shalt  }
0x57: {  	_ =	shalt  }
0x58: {  	_ =	shalt  }
0x59: {  	_ =	shalt  }
0x5a: {  	_ =	shalt  }
0x5b: {  	_ =	shalt  }
0x5c: {  	_ =	shalt  }
0x5d: {  	_ =	shalt  }
0x5e: {  	_ =	shalt  }
0x5f: {  	_ =	shalt  }
0x60: {  	_ =	shalt  }
0x61: {  	_ =	shalt  }
0x62: {  	_ =	shalt  }
0x63: {  	_ =	shalt  }
0x64: {  	_ =	shalt  }
0x65: {  	_ =	shalt  }
0x66: {  	_ =	shalt  }
0x67: {  	_ =	shalt  }
0x68: {  	_ =	shalt  }
0x69: {  	_ =	shalt  }
0x6a: {  	_ =	shalt  }
0x6b: {  	_ =	shalt  }
0x6c: {  	_ =	shalt  }
0x6d: {  	_ =	shalt  }
0x6e: {  	_ =	shalt  }
0x6f: {  	_ =	shalt  }
0x70: {  	_ =	shalt  }
0x71: {  	_ =	shalt  }
0x72: {  	_ =	shalt  }
0x73: {  	_ =	shalt  }
0x74: {  	_ =	shalt  }
0x75: {  	_ =	shalt  }
0x76: {  	_ =	shalt  }
0x77: {  	_ =	shalt  }
0x78: {  	_ =	shalt  }
0x79: {  	_ =	shalt  }
0x7a: {  	_ =	shalt  }
0x7b: {  	_ =	shalt  }
0x7c: {  	_ =	shalt  }
0x7d: {  	_ =	shalt  }
0x7e: {  	_ =	shalt  }
0x7f: {  	_ =	shalt  }
0x80: {  	_ =	shalt  }
0x81: {  	_ =	shalt  }
0x82: {  	_ =	shalt  }
0x83: {  	_ =	shalt  }
0x84: {  	_ =	shalt  }
0x85: {  	_ =	shalt  }
0x86: {  	_ =	shalt  }
0x87: {  	_ =	shalt  }
.Lfunc_end0:
.L_simem_size_0:
called_computation.2_lowered:
.L_overlay_start_0:
0x88: {  	s2 =	sld [smem:$0x3FD9]  }
0x89: {  	s3 =	sld [smem:$0x3FFE];
	_ =	sdelay $0x1  }
0x8a: {  	s1 =	srdreg.scid  }
0x8b: {  	s0 =	sand.u32 $0x1, s1  }
0x8c: {  	s17 =	sshll.u32 s0, $0xA;
	s2 =	sadd.s32 s3, s2  }
0x8d: {  	s2 =	sadd.s32 s2, s17  }
0x8e: {  	[smem:$0x3FBD] =	sst s2  }
0x8f: {  	_ = 	snop  }
0x90: {  	s2 =	sld [smem:$0x3FD0];
	(tm) =	ssettm $0x1  }
0x91: {  	s18 =	sld [smem:$0x3FFB];
	_ =	sdelay $0x3  }
0x92: {  	_ =	strace s18  }
0x93: {  	s3 =	sld [smem:$0x3FFC];
	_ =	sdelay $0x3  }
0x94: {  	_ =	strace s3  }
0x95: {  	s3 =	sld [smem:$0x3FFD];
	_ =	sdelay $0x3  }
0x96: {  	_ =	strace s3  }
0x97: {  	_ =	strace $0x8FFFFFFF  }
0x98: {  	s19 =	sld [smem:$0x3FDB];
	_ =	sdelay $0x1  }
0x99: {  	s4 =	simm.s32 $_scs_section_size  }
0x9a: {  	s5 =	simm.s32 $_size__tile_overlayer_lowered;
	s6 =	simm.s32 $_tile_overlayer_lowered  }
0x9b: {  	s22 =	simm.s32 $0x1BFF;
	s21 =	sshll.u32 s6, $0x1;
	s3 =	sadd.s32 s4, s19  }
0x9c: {  	s7 =	simm.s32 $0x0;
	s20 =	sshll.u32 s5, $0x1;
	s5 =	sadd.s32 s21, s3  }
0x9d: {  	[timem:s7], [sflag:s22] =	dma.local [hbm:s5], s20  }
0x9e: {  	_ =	swait.ge [sflag:s22], s20  }
0x9f: {  	s4 =	ssub.s32 $0x0, s20;
	[sflag:s22] =	ssyncset.done $0x0  }
0xa0: {  	[sflag:s22] =	ssyncadd.s32 s4;
	_ =	sdelay $0x1  }
0xa1: {  	s23 =	simm.s32 $0x1B8B  }
0xa2: {  	_ =	swait.ge [sflag:s23], $0x1  }
0xa3: {  	[sflag:s23] =	ssyncset.done $0x0  }
0xa4: {  	s25 =	simm.s32 $0x1B8E;
	s24 =	sld [smem:$0x3FFE];
	[sflag:s23] =	ssyncadd.s32 $0xFFFFFFFF  }
0xa5: {  	s26 =	simm.s32 $execute0_lowered;
	[smem:$0x3FD2] =	sst s25  }
0xa6: {  	s5 =	sshll.u32 s26, $0x1;
	_ =	strace $0x8000004C;
	[dreg:$0x1] =	wrdreg $0xFFFFFFFF  }
0xa7: {  	s28 =	simm.s32 $_size_execute0_lowered;
	s3 =	sadd.s32 s3, s5;
	[dreg:$0x0] =	wrdreg $0x0  }
0xa8: {  	s5 =	sshll.u32 s28, $0x1;
	[dreg:$0x2] =	wrdreg s3  }
0xa9: {  	[dreg:$0x3] =	wrdreg s5  }
0xaa: {  	[dreg:$0x4] =	wrdreg $0xC0  }
0xab: {  	_ =	task [dreg:s7], $0x5FFFF  }
0xac: {  	[dreg:$0x1] =	wrdreg $0xFFFFFFFF  }
0xad: {  	[dreg:$0x0] =	wrdreg $0x60  }
0xae: {  	[dreg:$0x2] =	wrdreg s24  }
0xaf: {  	[dreg:$0x3] =	wrdreg s2  }
0xb0: {  	[dreg:$0x4] =	wrdreg $0x14A000  }
0xb1: {  	[dreg:$0x5] =	wrdreg $0x9  }
0xb2: {  	_ =	task.clear_ibuf [dreg:s7], $0x6FFFF;
	_ =	strace $0x9000004C  }
0xb3: {  	s29 =	simm.s32 $0x9;
	_ =	strace $0x8000004E  }
0xb4: {  	_ =	swait.ge [sflag:s29], $0x1  }
0xb5: {  	[sflag:s29] =	ssyncadd.s32 $0xFFFFFFFF  }
0xb6: {  	_ =	strace $0x9000004E  }
0xb7: {  	_ =	sfence  }
0xb8: {  	s30 =	sld [smem:$0x0];
	_ =	sdelay $0x2  }
0xb9: {  	s31 =	sshll.u32 s1, $0xD;
	s1 =	sshrl.u32 s1, $0x2  }
0xba: {  	s3 =	sand.u32 $0x4000, s31;
	s1 =	sadd.s32 s1, s30  }
0xbb: {  	s0 =	sor.u32 s3, s0;
	s1 =	sshll.u32 s1, $0x11  }
0xbc: {  	s0 =	sor.u32 s1, s0  }
0xbd: {  	s0 =	sadd.s32 $0x8F2B, s0  }
0xbe: {  	[sflag:s0] =	ssyncadd.remote.s32 $0x1  }
0xbf: {  	_ =	sfence.sel $0xFFFF  }
0xc0: {  	[dreg:$0x0] =	wrdreg $0xFFFFFFFF;
	(pc) =	sbr.abs _section_cstart, $3  }
0xc1: {  	[dreg:$0x1] =	wrdreg $0xFFFFFFFF  }
0xc2: {  	_ =	task.clear_ibuf [dreg:s7], $0x2FFFF;
	_ =	strace $0x9FFFFFFF  }
0xc3: {  	(tm) =	ssettm $0x7FFFFFFF  }
tec
execute0_lowered:
.L_overlay_start_1:
0x0: {  	(tag) =	ssettag $0x1  }
0x1: {  	s8 =	rddreg [dreg:$0x0]  }
0x2: {  	s6 =	rddreg [dreg:$0x1]  }
0x3: {  	s2 =	rddreg [dreg:$0x2]  }
0x4: {  	s0 =	rddreg [dreg:$0x3];
	s4 =	srdreg.scid  }
0x5: {  	s1 =	stileid.u32;
	s3 =	simm.s32 $0x0;
	s15 =	simm.s32 $0x7D  }
0x6: {  	s16 =	simm.s32 $0xDAC0;
	s17 =	simm.s32 $0x1F40;
	s18 =	simm.s32 $0x0  }
0x7: {  	s7 =	sand.u32 $0x1, s4;
	s30 =	sshll.u32 s1, $0x1;
	[smem:$0x7FF] =	sst s3  }
0x8: {  	s5 =	sadd.s32 $0x1A000, s8;
	s31 =	smul.u32 $0x14000, s1;
	s13 =	sshll.u32 s1, $0x6  }
0x9: {  	s4 =	sor.u32 s7, s30;
	_ =	strace $0x8000004D;
	s9 =	ssub.s32 $0x2, s7  }
0xa: {  	p0 =	seq.s32 s7, $0x1;
	s13 =	sor.u32 $0x1C11, s13;
	s10 =	smul.u32 $0x2800, s4  }
0xb: {  	s4 =	sadd.s32 $0x5400, s8;
	s11 =	sshrl.u32 s9, $0x1;
	s12 =	sshrl.u32 s31, $0x1  }
0xc: {  	s9 =	ssub.s32 s9, s11;
	s14 =	sadd.s32 s12, s2;
	s10 =	sshrl.u32 s10, $0x3  }
0xd: {  	s11 =	sshrl.u32 s31, $0x4;
	s6 =	sadd.s32 s6, s10;
	s10 =	simm.s32 $0x7F400  }
0xe: {  	s12 =	simm.s32 $0x12200;
	s14 =	sshrl.u32 s14, $0x3;
	s10 =	simm.s32 @!p0 $0x6B400  }
0xf: {  	s7 =	sadd.s32 $0xA000, s6;
	s10 =	sadd.s32 s10, s8;
	s8 =	smax.u32 s9, $0x1  }
0x10: {  	s9 =	sadd.s32 s10, s11;
	s10 =	simm.s32 $0xFA00;
	s11 =	simm.s32 $0x11  }
.LBB2_1:
0x11: {  	[tilespmem:s10], [sflag:$0x11] =	stream.linear.gather [hbm4b:s6+s3], $0x2800, $0x38;
	[tilespmem:$0x1EA00] =	vst v63  }
0x12: {  	_ =	swait.ge [sflag:s11], $0x2800  }
0x13: {  	[sflag:s11] =	ssyncset.done $0x0  }
0x14: {  	[sflag:s11] =	ssyncadd.s32 $0xFFFFD800  }
0x15: {  	[tilespmem:s12], [sflag:$0x11] =	stream.linear.gather [hbm4b:s7+s3], $0x2800, $0x38;
	[tilespmem:$0x1EA00] =	vst v63  }
0x16: {  	_ =	swait.ge [sflag:s11], $0x2800  }
0x17: {  	[sflag:s11] =	ssyncset.done $0x0  }
0x18: {  	[sflag:s11] =	ssyncadd.s32 $0xFFFFD800  }
0x19: {  	[spmem:s14], [sflag:s13] =	dma.local [hbm:s5], $0x1400  }
0x1a: {  	_ =	swait.ge [sflag:s11], $0x1400  }
0x1b: {  	[sflag:s11] =	ssyncset.done $0x0  }
0x1c: {  	[sflag:s11] =	ssyncadd.s32 $0xFFFFEC00  }
0x1d: {  	s19 =	simm.s32 $0x7;
	s20 =	simm.s32 $0x0;
	[bflag:$0x0] =	sbarrier.arrive $0xFFFF  }
.LBB2_2:
0x1e: {  	s21 =	sadd.s32 $0xFFFFFFF1, s19  }
0x1f: {  	p0 =	sgt.u32 s21, $0x4F  }
0x20: {  	s21 =	simm.s32 @!p0 $0x9  }
0x21: {  	_ =	swait.ge @!p0 [sflag:s21], $0x1F40  }
0x22: {  	p1 =	seq.s32 s20, $0xA000;
	[sflag:s21] =	ssyncset.done @!p0 $0x0  }
0x23: {  	[sflag:s21] =	ssyncadd.s32 @!p0 $0xFFFFE0C0;
	s21 =	sshra.s32 @!p1 s20, $0x2  }
0x24: {  	s22 =	simm.s32 @!p1 $0x7D;
	s24 =	simm.s32 @!p1 $0x0;
	s23 =	sadd.s32 @!p1 $0xFA00, s21  }
0x25: {  	[tilespmem:s24], [sflag:$0x1] =	stream.indirect.gather @!p1 [hbm4b:s4+s22], $0x40, s23, s22, $0xb8;
	[tilespmem:$0x1EA00] =	vst v63  }
0x26: {  	s23 =	simm.s32 @!p0 $0x8  }
0x27: {  	_ =	swait.ge @!p0 [sflag:s23], $0x1F40  }
0x28: {  	[sflag:s23] =	ssyncset.done @!p0 $0x0  }
0x29: {  	p2 =	seq.s32 s20, $0x0;
	[sflag:s23] =	ssyncadd.s32 @!p0 $0xFFFFE0C0;
	s23 =	sshra.s32 @!p0 s20, $0x2  }
0x2a: {  	s25 =	simm.s32 @!p0 $0xDAC0;
	s24 =	simm.s32 @!p0 $0x7D;
	s23 =	sadd.s32 @!p0 $0x12180, s23  }
0x2b: {  	[spmem:s2] =	stream.indirect.scatter.add.bf16 @!p0 [tilespmem:s25], [sflag:$0x10], $0x40, s23, s24, $0xb8;
	[tilespmem:$0x1EA00] =	vst v63  }
0x2c: {  	s23 =	simm.s32 @!p2 $0xA  }
0x2d: {  	p3 =	seq.s32 @!p2 s20, $0xA000;
	_ =	swait.ge @!p2 [sflag:s23], $0x1F40  }
0x2e: {  	p3 =	por p2, !p3;
	[sflag:s23] =	ssyncset.done @!p2 $0x0  }
0x2f: {  	s25 =	sadd.s32 $0xFFFFFFFA, s19;
	[sflag:s23] =	ssyncadd.s32 @!p2 $0xFFFFE0C0;
	s23 =	sshra.s32 @p3 s20, $0x2  }
0x30: {  	p4 =	sgt.u32 s25, $0x50;
	s23 =	sadd.s32 @p3 $0xFA80, s23  }
0x31: {  	[tilespmem:s17], [sflag:$0x2] =	stream.indirect.gather @p3 [hbm4b:s4+s15], $0x40, s23, s15, $0xb8;
	[tilespmem:$0x1EA00] =	vst v63  }
0x32: {  	s23 =	simm.s32 @!p4 $0x1  }
0x33: {  	_ =	swait.ge @!p4 [sflag:s23], $0x1F40  }
0x34: {  	[sflag:s23] =	ssyncset.done @!p4 $0x0  }
0x35: {  	[sflag:s23] =	ssyncadd.s32 @!p4 $0xFFFFE0C0;
	s23 =	sshra.s32 @!p4 s20, $0x2  }
0x36: {  	s24 =	simm.s32 @!p4 $0x7D;
	s25 =	simm.s32 @!p4 $0x0;
	s23 =	sadd.s32 @!p4 $0x12200, s23  }
0x37: {  	[spmem:s2] =	stream.indirect.scatter.add.bf16 @!p4 [tilespmem:s25], [sflag:$0x9], $0x40, s23, s24, $0xb8;
	[tilespmem:$0x1EA00] =	vst v63  }
0x38: {  	s23 =	simm.s32 @!p0 $0xB  }
0x39: {  	_ =	swait.ge @!p0 [sflag:s23], $0x1F40  }
0x3a: {  	s26 =	sadd.s32 $0xFFFFFFFB, s19;
	s25 =	simm.s32 @!p1 $0x3E80;
	[sflag:s23] =	ssyncset.done @!p0 $0x0  }
0x3b: {  	p4 =	sgt.u32 s26, $0x50;
	[sflag:s23] =	ssyncadd.s32 @!p0 $0xFFFFE0C0;
	s23 =	sadd.s32 @!p1 $0xFB00, s21  }
0x3c: {  	[tilespmem:s25], [sflag:$0x3] =	stream.indirect.gather @!p1 [hbm4b:s4+s22], $0x40, s23, s22, $0xb8;
	[tilespmem:$0x1EA00] =	vst v63  }
0x3d: {  	s23 =	simm.s32 @!p4 $0x2  }
0x3e: {  	_ =	swait.ge @!p4 [sflag:s23], $0x1F40  }
0x3f: {  	[sflag:s23] =	ssyncset.done @!p4 $0x0  }
0x40: {  	[sflag:s23] =	ssyncadd.s32 @!p4 $0xFFFFE0C0;
	s23 =	sshra.s32 @!p4 s20, $0x2  }
0x41: {  	s24 =	simm.s32 @!p4 $0x7D;
	s25 =	simm.s32 @!p4 $0x1F40;
	s23 =	sadd.s32 @!p4 $0x12280, s23  }
0x42: {  	[spmem:s2] =	stream.indirect.scatter.add.bf16 @!p4 [tilespmem:s25], [sflag:$0xA], $0x40, s23, s24, $0xb8;
	[tilespmem:$0x1EA00] =	vst v63  }
0x43: {  	s23 =	simm.s32 @!p0 $0xC  }
0x44: {  	_ =	swait.ge @!p0 [sflag:s23], $0x1F40  }
0x45: {  	s28 =	sadd.s32 $0xFFFFFFFC, s19;
	s25 =	simm.s32 @!p1 $0x5DC0;
	[sflag:s23] =	ssyncset.done @!p0 $0x0  }
0x46: {  	p4 =	sgt.u32 s28, $0x50;
	[sflag:s23] =	ssyncadd.s32 @!p0 $0xFFFFE0C0;
	s23 =	sadd.s32 @!p1 $0xFB80, s21  }
0x47: {  	[tilespmem:s25], [sflag:$0x4] =	stream.indirect.gather @!p1 [hbm4b:s4+s22], $0x40, s23, s22, $0xb8;
	[tilespmem:$0x1EA00] =	vst v63  }
0x48: {  	s23 =	simm.s32 @!p4 $0x3  }
0x49: {  	_ =	swait.ge @!p4 [sflag:s23], $0x1F40  }
0x4a: {  	[sflag:s23] =	ssyncset.done @!p4 $0x0  }
0x4b: {  	[sflag:s23] =	ssyncadd.s32 @!p4 $0xFFFFE0C0;
	s23 =	sshra.s32 @!p4 s20, $0x2  }
0x4c: {  	s24 =	simm.s32 @!p4 $0x7D;
	s25 =	simm.s32 @!p4 $0x3E80;
	s23 =	sadd.s32 @!p4 $0x12300, s23  }
0x4d: {  	[spmem:s2] =	stream.indirect.scatter.add.bf16 @!p4 [tilespmem:s25], [sflag:$0xB], $0x40, s23, s24, $0xb8;
	[tilespmem:$0x1EA00] =	vst v63  }
0x4e: {  	s23 =	simm.s32 @!p0 $0xD  }
0x4f: {  	_ =	swait.ge @!p0 [sflag:s23], $0x1F40  }
0x50: {  	s29 =	sadd.s32 $0xFFFFFFFD, s19;
	s25 =	simm.s32 @!p1 $0x7D00;
	[sflag:s23] =	ssyncset.done @!p0 $0x0  }
0x51: {  	p4 =	sgt.u32 s29, $0x50;
	[sflag:s23] =	ssyncadd.s32 @!p0 $0xFFFFE0C0;
	s23 =	sadd.s32 @!p1 $0xFC00, s21  }
0x52: {  	[tilespmem:s25], [sflag:$0x5] =	stream.indirect.gather @!p1 [hbm4b:s4+s22], $0x40, s23, s22, $0xb8;
	[tilespmem:$0x1EA00] =	vst v63  }
0x53: {  	s23 =	simm.s32 @!p4 $0x4  }
0x54: {  	_ =	swait.ge @!p4 [sflag:s23], $0x1F40  }
0x55: {  	[sflag:s23] =	ssyncset.done @!p4 $0x0  }
0x56: {  	[sflag:s23] =	ssyncadd.s32 @!p4 $0xFFFFE0C0;
	s23 =	sshra.s32 @!p4 s20, $0x2  }
0x57: {  	s24 =	simm.s32 @!p4 $0x7D;
	s25 =	simm.s32 @!p4 $0x5DC0;
	s23 =	sadd.s32 @!p4 $0x12380, s23  }
0x58: {  	[spmem:s2] =	stream.indirect.scatter.add.bf16 @!p4 [tilespmem:s25], [sflag:$0xC], $0x40, s23, s24, $0xb8;
	[tilespmem:$0x1EA00] =	vst v63  }
0x59: {  	s23 =	simm.s32 @!p0 $0xE  }
0x5a: {  	_ =	swait.ge @!p0 [sflag:s23], $0x1F40  }
0x5b: {  	s30 =	sadd.s32 $0xFFFFFFFE, s19;
	s25 =	simm.s32 @!p1 $0x9C40;
	[sflag:s23] =	ssyncset.done @!p0 $0x0  }
0x5c: {  	p4 =	sgt.u32 s30, $0x50;
	[sflag:s23] =	ssyncadd.s32 @!p0 $0xFFFFE0C0;
	s23 =	sadd.s32 @!p1 $0xFC80, s21  }
0x5d: {  	[tilespmem:s25], [sflag:$0x6] =	stream.indirect.gather @!p1 [hbm4b:s4+s22], $0x40, s23, s22, $0xb8;
	[tilespmem:$0x1EA00] =	vst v63  }
0x5e: {  	s23 =	simm.s32 @!p4 $0x5  }
0x5f: {  	_ =	swait.ge @!p4 [sflag:s23], $0x1F40  }
0x60: {  	[sflag:s23] =	ssyncset.done @!p4 $0x0  }
0x61: {  	[sflag:s23] =	ssyncadd.s32 @!p4 $0xFFFFE0C0;
	s23 =	sshra.s32 @!p4 s20, $0x2  }
0x62: {  	s24 =	simm.s32 @!p4 $0x7D;
	s25 =	simm.s32 @!p4 $0x7D00;
	s23 =	sadd.s32 @!p4 $0x12400, s23  }
0x63: {  	[spmem:s2] =	stream.indirect.scatter.add.bf16 @!p4 [tilespmem:s25], [sflag:$0xD], $0x40, s23, s24, $0xb8;
	[tilespmem:$0x1EA00] =	vst v63  }
0x64: {  	s23 =	simm.s32 @!p0 $0xF  }
0x65: {  	_ =	swait.ge @!p0 [sflag:s23], $0x1F40  }
0x66: {  	s31 =	sadd.s32 $0xFFFFFFFF, s19;
	s21 =	sadd.s32 @!p1 $0xFD00, s21;
	[sflag:s23] =	ssyncset.done @!p0 $0x0  }
0x67: {  	[sflag:s23] =	ssyncadd.s32 @!p0 $0xFFFFE0C0;
	s23 =	simm.s32 @!p1 $0xBB80;
	p0 =	sgt.u32 s31, $0x50  }
0x68: {  	[tilespmem:s23], [sflag:$0x7] =	stream.indirect.gather @!p1 [hbm4b:s4+s22], $0x40, s21, s22, $0xb8;
	[tilespmem:$0x1EA00] =	vst v63  }
0x69: {  	s21 =	simm.s32 @!p0 $0x6  }
0x6a: {  	_ =	swait.ge @!p0 [sflag:s21], $0x1F40  }
0x6b: {  	[sflag:s21] =	ssyncset.done @!p0 $0x0  }
0x6c: {  	[sflag:s21] =	ssyncadd.s32 @!p0 $0xFFFFE0C0;
	s21 =	sshra.s32 @!p0 s20, $0x2  }
0x6d: {  	s22 =	simm.s32 @!p0 $0x7D;
	s23 =	simm.s32 @!p0 $0x9C40;
	s21 =	sadd.s32 @!p0 $0x12480, s21  }
0x6e: {  	[spmem:s2] =	stream.indirect.scatter.add.bf16 @!p0 [tilespmem:s23], [sflag:$0xE], $0x40, s21, s22, $0xb8;
	[tilespmem:$0x1EA00] =	vst v63  }
0x6f: {  	s21 =	simm.s32 @!p2 $0x10  }
0x70: {  	_ =	swait.ge @!p2 [sflag:s21], $0x1F40  }
0x71: {  	[sflag:s21] =	ssyncset.done @!p2 $0x0  }
0x72: {  	[sflag:s21] =	ssyncadd.s32 @!p2 $0xFFFFE0C0;
	s21 =	sshra.s32 @p3 s20, $0x2  }
0x73: {  	p0 =	sgt.u32 s19, $0x50;
	s21 =	sadd.s32 @p3 $0xFD80, s21  }
0x74: {  	[tilespmem:s16], [sflag:$0x8] =	stream.indirect.gather @p3 [hbm4b:s4+s15], $0x40, s21, s15, $0xb8;
	[tilespmem:$0x1EA00] =	vst v63  }
0x75: {  	s21 =	simm.s32 @!p0 $0x7  }
0x76: {  	_ =	swait.ge @!p0 [sflag:s21], $0x1F40  }
0x77: {  	[sflag:s21] =	ssyncset.done @!p0 $0x0  }
0x78: {  	s22 =	simm.s32 @!p0 $0x7D;
	[sflag:s21] =	ssyncadd.s32 @!p0 $0xFFFFE0C0;
	s21 =	sshra.s32 @!p0 s20, $0x2  }
0x79: {  	s23 =	simm.s32 @!p0 $0xBB80;
	s20 =	sadd.s32 $0x1000, s20;
	s21 =	sadd.s32 @!p0 $0x12500, s21  }
0x7a: {  	[spmem:s2] =	stream.indirect.scatter.add.bf16 @!p0 [tilespmem:s23], [sflag:$0xF], $0x40, s21, s22, $0xb8;
	[tilespmem:$0x1EA00] =	vst v63  }
0x7b: {  	p0 =	sne.s32 s20, $0xB000  }
.Ltmp0:
0x7c: {  	_ = 	snop;
	(pc) =	sbr.rel @p0 .LBB2_2-.Ltmp0, $2  }
0x7d: {  	_ =	sdelay $0x2  }
0x7e: {  	s19 =	sadd.s32 $0x8, s19  }
0x7f: {  	s18 =	sadd.s32 $0x1, s18  }
0x80: {  	p0 =	sne.s32 s18, s8  }
.Ltmp1:
0x81: {  	[bflag:$0x0] =	sbarrier.arrive $0xFFFF;
	(pc) =	sbr.rel @p0 .LBB2_1-.Ltmp1, $4  }
0x82: {  	[hbm:s9], [sflag:s13] =	dma.local [spmem:s14], $0x1400  }
0x83: {  	_ =	swait.ge [sflag:s11], $0x1400  }
0x84: {  	[sflag:s11] =	ssyncset.done $0x0  }
0x85: {  	[sflag:s11] =	ssyncadd.s32 $0xFFFFEC00  }
0x86: {  	_ =	sfence.sel $0x180000  }
0x87: {  	[bflag:$0x0] =	sbarrier.arrive $0xFFFF  }
0x88: {  	p0 =	sne.s32 s1, $0x0;
	_ =	strace $0x9000004D  }
0x89: {  	s0 =	sadd.s32 @!p0 $0x100000, s0;
	[bflag:$0x2] =	sbarrier.arrive $0xFFFF  }
0x8a: {  	[sflag:s0] =	ssyncadd.tile.s32 @!p0 $0x1;
	_ =	shalt  }
.Lfunc_end2:
_tile_overlayer_lowered:
.L_overlay_start_2:
0x8b: {  	(tag) =	ssettag $0x2  }
0x8c: {  	s0 =	rddreg [dreg:$0x0];
	s2 =	stileid.u32  }
0x8d: {  	s1 =	rddreg [dreg:$0x1];
	p0 =	sne.s32 s2, $0x0  }
0x8e: {  	s3 =	rddreg [dreg:$0x2];
	[bflag:$0x3] =	sbarrier.arrive $0xFFFF;
	s2 =	simm.s32 @!p0 $0x1C11  }
0x8f: {  	[timem:s3], [sflag:s2] =	dma.local @!p0 [hbm:s0], s1  }
0x90: {  	s0 =	simm.s32 @!p0 $0x11  }
0x91: {  	_ =	swait.ge @!p0 [sflag:s0], s1  }
0x92: {  	s1 =	ssub.s32 @!p0 $0x0, s1;
	[sflag:s0] =	ssyncset.done @!p0 $0x0  }
0x93: {  	[sflag:s0] =	ssyncadd.s32 @!p0 s1  }
0x94: {  	[bflag:$0x3] =	sbarrier.arrive $0xFFFF  }
0x95: {  	_ =	shalt  }

// kernel: kernel.19.cloned.1.call-start
scs
__scs_entry_jumppad:
0x0: {  	(pc) =	sbr.rel $0x88, $3  }
0x1: {  	(tag) =	ssettag $0x0;
	lr =	simm.s32 $0x1  }
0x2: {  	[smem:$0x3F96] =	sst lr;
	_ =	strace $0xD0000000  }
0x3: {  	_ = 	snop  }
0x4: {  	_ = 	snop  }
0x5: {  	_ = 	snop  }
0x6: {  	_ = 	snop  }
0x7: {  	_ = 	snop  }
__scs_overlays_trampoline_lowered:
0x8: {  	[smem:$0x3FA5] =	sst s0  }
0x9: {  	[smem:$0x3FA6] =	sst s1  }
0xa: {  	[smem:$0x3FA7] =	sst s2  }
0xb: {  	[smem:$0x3FA8] =	sst s3  }
0xc: {  	[smem:$0x3FA9] =	sst s4  }
0xd: {  	[smem:$0x3FAA] =	sst s5  }
0xe: {  	[smem:$0x3FAB] =	sst s6  }
0xf: {  	[smem:$0x3FAC] =	sst s7  }
0x10: {  	[smem:$0x3FAD] =	sst s8  }
0x11: {  	[smem:$0x3FAE] =	sst s9;
	s0 =	simm.s32 @!p0 $0x0  }
0x12: {  	s1 =	sld [smem:$0x3F94];
	s0 =	simm.s32 @p0 $0x1  }
0x13: {  	[smem:$0x3FAF] =	sst s0;
	s0 =	simm.s32 @!p1 $0x0  }
0x14: {  	s2 =	sld [smem:$0x3F93];
	s0 =	simm.s32 @p1 $0x1  }
0x15: {  	[smem:$0x3FB0] =	sst s0;
	s0 =	simm.s32 @!p2 $0x0  }
0x16: {  	s3 =	sld [smem:$0x3FDB];
	s0 =	simm.s32 @p2 $0x1  }
0x17: {  	s4 =	simm.s32 $0x1BF5;
	[smem:$0x3FB2] =	sst s0  }
0x18: {  	s0 =	sld [smem:$0x3F95];
	_ =	swait.ge [sflag:s4], $0x0  }
0x19: {  	s7 =	sld [smem:$0x3F96]  }
0x1a: {  	s8 =	sadd.s32 $0xFFFFE003, lr  }
0x1b: {  	s9 =	sadd.s32 $0xFFFFFEF7, lr;
	s5 =	simm.s32 $0xFFFFFFFF;
	p2 =	slt.u32 s8, $0xFFFFF086  }
0x1c: {  	p1 =	slt.u32 s9, $0xF7A;
	s5 =	simm.s32 @!p2 $0x0  }
0x1d: {  	s5 =	simm.s32 @p1 $0x1;
	p0 =	seq.s32 s7, s2  }
0x1e: {  	s7 =	smul.u32 @!p0 $0xF7A, s2;
	p2 =	seq.s32 @!p0 s5, $0x0  }
0x1f: {  	s9 =	smul.u32 $0xF7A, s1;
	s8 =	simm.s32 @!p0 $0x1BF5;
	p2 =	por !p2, p0  }
0x20: {  	[sflag:s8] =	ssyncset.s32 @!p0 $0xFFFFF086;
	s6 =	sadd.s32 @!p0 s3, s7;
	s7 =	simm.s32 @!p0 $0x108  }
0x21: {  	s3 =	sadd.s32 s3, s9;
	s6 =	sadd.s32 @!p0 $0x88, s6;
	s7 =	simm.s32 @p2 $0x1082  }
0x22: {  	[simem:s7], [sflag:s8] =	dma.local @!p0 [hbm:s6], $0xF7A  }
0x23: {  	s9 =	sor.u32 $0xD0000000, s2;
	s6 =	simm.s32 $0x108;
	_ =	swait.ge @!p0 [sflag:s8], $0x0  }
0x24: {  	s3 =	sadd.s32 $0x88, s3;
	s6 =	simm.s32 @!p1 $0x1082;
	[sflag:s4] =	ssyncset.s32 $0xFFFFF086  }
0x25: {  	[simem:s6], [sflag:s4] =	dma.local [hbm:s3], $0xF7A  }
0x26: {  	[smem:$0x3F96] =	sst s1;
	(tag) =	ssettag s2;
	_ =	strace s9  }
0x27: {  	s1 =	sld [smem:$0x3FA6]  }
0x28: {  	s2 =	sld [smem:$0x3FA7]  }
0x29: {  	s4 =	sld [smem:$0x3FA9]  }
0x2a: {  	p0 =	seq.s32 s5, $0x0;
	s5 =	sld [smem:$0x3FAA]  }
0x2b: {  	s6 =	sld [smem:$0x3FAB]  }
0x2c: {  	s7 =	sld [smem:$0x3FAC]  }
0x2d: {  	s3 =	simm.s32 $0x108;
	s8 =	sld [smem:$0x3FAD]  }
0x2e: {  	s3 =	simm.s32 @!p0 $0x1082;
	s9 =	sld [smem:$0x3FAE]  }
0x2f: {  	lr =	sadd.s32 s0, s3;
	s0 =	sld [smem:$0x3FA5]  }
0x30: {  	s3 =	sld [smem:$0x3FA8]  }
0x31: {  	[smem:$0x3FB1] =	sst s10  }
0x32: {  	s10 =	sld [smem:$0x3FAF];
	_ =	sdelay $0x3  }
0x33: {  	p0 =	seq.s32 s10, $0x1;
	s10 =	sld [smem:$0x3FB1];
	_ =	sdelay $0x3  }
0x34: {  	[smem:$0x3FB1] =	sst s10  }
0x35: {  	s10 =	sld [smem:$0x3FB0];
	_ =	sdelay $0x3  }
0x36: {  	p1 =	seq.s32 s10, $0x1;
	s10 =	sld [smem:$0x3FB1];
	_ =	sdelay $0x3  }
0x37: {  	[smem:$0x3FB1] =	sst s10  }
0x38: {  	s10 =	sld [smem:$0x3FB2]  }
0x39: {  	_ = 	snop;
	(pc) =	sbr.ind lr, $3  }
0x3a: {  	_ = 	snop  }
0x3b: {  	_ = 	snop  }
0x3c: {  	p2 =	seq.s32 s10, $0x1;
	s10 =	sld [smem:$0x3FB1]  }
0x3d: {  	_ =	shalt  }
0x3e: {  	_ =	shalt  }
0x3f: {  	_ =	shalt  }
0x40: {  	_ =	shalt  }
0x41: {  	_ =	shalt  }
0x42: {  	_ =	shalt  }
0x43: {  	_ =	shalt  }
0x44: {  	_ =	shalt  }
0x45: {  	_ =	shalt  }
0x46: {  	_ =	shalt  }
0x47: {  	_ =	shalt  }
0x48: {  	_ =	shalt  }
0x49: {  	_ =	shalt  }
0x4a: {  	_ =	shalt  }
0x4b: {  	_ =	shalt  }
0x4c: {  	_ =	shalt  }
0x4d: {  	_ =	shalt  }
0x4e: {  	_ =	shalt  }
0x4f: {  	_ =	shalt  }
0x50: {  	_ =	shalt  }
0x51: {  	_ =	shalt  }
0x52: {  	_ =	shalt  }
0x53: {  	_ =	shalt  }
0x54: {  	_ =	shalt  }
0x55: {  	_ =	shalt  }
0x56: {  	_ =	shalt  }
0x57: {  	_ =	shalt  }
0x58: {  	_ =	shalt  }
0x59: {  	_ =	shalt  }
0x5a: {  	_ =	shalt  }
0x5b: {  	_ =	shalt  }
0x5c: {  	_ =	shalt  }
0x5d: {  	_ =	shalt  }
0x5e: {  	_ =	shalt  }
0x5f: {  	_ =	shalt  }
0x60: {  	_ =	shalt  }
0x61: {  	_ =	shalt  }
0x62: {  	_ =	shalt  }
0x63: {  	_ =	shalt  }
0x64: {  	_ =	shalt  }
0x65: {  	_ =	shalt  }
0x66: {  	_ =	shalt  }
0x67: {  	_ =	shalt  }
0x68: {  	_ =	shalt  }
0x69: {  	_ =	shalt  }
0x6a: {  	_ =	shalt  }
0x6b: {  	_ =	shalt  }
0x6c: {  	_ =	shalt  }
0x6d: {  	_ =	shalt  }
0x6e: {  	_ =	shalt  }
0x6f: {  	_ =	shalt  }
0x70: {  	_ =	shalt  }
0x71: {  	_ =	shalt  }
0x72: {  	_ =	shalt  }
0x73: {  	_ =	shalt  }
0x74: {  	_ =	shalt  }
0x75: {  	_ =	shalt  }
0x76: {  	_ =	shalt  }
0x77: {  	_ =	shalt  }
0x78: {  	_ =	shalt  }
0x79: {  	_ =	shalt  }
0x7a: {  	_ =	shalt  }
0x7b: {  	_ =	shalt  }
0x7c: {  	_ =	shalt  }
0x7d: {  	_ =	shalt  }
0x7e: {  	_ =	shalt  }
0x7f: {  	_ =	shalt  }
0x80: {  	_ =	shalt  }
0x81: {  	_ =	shalt  }
0x82: {  	_ =	shalt  }
0x83: {  	_ =	shalt  }
0x84: {  	_ =	shalt  }
0x85: {  	_ =	shalt  }
0x86: {  	_ =	shalt  }
0x87: {  	_ =	shalt  }
.Lfunc_end0:
.L_simem_size_0:
called_computation.3_lowered:
.L_overlay_start_0:
0x88: {  	s2 =	sld [smem:$0x3FD9]  }
0x89: {  	s3 =	sld [smem:$0x3FFE];
	_ =	sdelay $0x1  }
0x8a: {  	s1 =	srdreg.scid  }
0x8b: {  	s0 =	sand.u32 $0x1, s1  }
0x8c: {  	s17 =	sshll.u32 s0, $0xA;
	s2 =	sadd.s32 s3, s2  }
0x8d: {  	s2 =	sadd.s32 s2, s17  }
0x8e: {  	[smem:$0x3FBD] =	sst s2  }
0x8f: {  	_ = 	snop  }
0x90: {  	s2 =	sld [smem:$0x3FD0];
	(tm) =	ssettm $0x1  }
0x91: {  	s18 =	sld [smem:$0x3FFB];
	_ =	sdelay $0x3  }
0x92: {  	_ =	strace s18  }
0x93: {  	s3 =	sld [smem:$0x3FFC];
	_ =	sdelay $0x3  }
0x94: {  	_ =	strace s3  }
0x95: {  	s3 =	sld [smem:$0x3FFD];
	_ =	sdelay $0x3  }
0x96: {  	_ =	strace s3  }
0x97: {  	_ =	strace $0x8FFFFFFF  }
0x98: {  	s19 =	sld [smem:$0x3FDB];
	_ =	sdelay $0x1  }
0x99: {  	s4 =	simm.s32 $_scs_section_size  }
0x9a: {  	s5 =	simm.s32 $_size__tile_overlayer_lowered;
	s6 =	simm.s32 $_tile_overlayer_lowered  }
0x9b: {  	s22 =	simm.s32 $0x1BFF;
	s21 =	sshll.u32 s6, $0x1;
	s3 =	sadd.s32 s4, s19  }
0x9c: {  	s7 =	simm.s32 $0x0;
	s20 =	sshll.u32 s5, $0x1;
	s5 =	sadd.s32 s21, s3  }
0x9d: {  	[timem:s7], [sflag:s22] =	dma.local [hbm:s5], s20  }
0x9e: {  	_ =	swait.ge [sflag:s22], s20  }
0x9f: {  	s4 =	ssub.s32 $0x0, s20;
	[sflag:s22] =	ssyncset.done $0x0  }
0xa0: {  	[sflag:s22] =	ssyncadd.s32 s4;
	_ =	sdelay $0x1  }
0xa1: {  	s23 =	simm.s32 $0x1B8B  }
0xa2: {  	_ =	swait.ge [sflag:s23], $0x1  }
0xa3: {  	[sflag:s23] =	ssyncset.done $0x0  }
0xa4: {  	s25 =	simm.s32 $0x1B8E;
	s24 =	sld [smem:$0x3FFE];
	[sflag:s23] =	ssyncadd.s32 $0xFFFFFFFF  }
0xa5: {  	s26 =	simm.s32 $execute0_lowered;
	[smem:$0x3FD2] =	sst s25  }
0xa6: {  	s5 =	sshll.u32 s26, $0x1;
	_ =	strace $0x8000004F;
	[dreg:$0x1] =	wrdreg $0xFFFFFFFF  }
0xa7: {  	s28 =	simm.s32 $_size_execute0_lowered;
	s3 =	sadd.s32 s3, s5;
	[dreg:$0x0] =	wrdreg $0x0  }
0xa8: {  	s5 =	sshll.u32 s28, $0x1;
	[dreg:$0x2] =	wrdreg s3  }
0xa9: {  	[dreg:$0x3] =	wrdreg s5  }
0xaa: {  	[dreg:$0x4] =	wrdreg $0xC0  }
0xab: {  	_ =	task [dreg:s7], $0x5FFFF  }
0xac: {  	[dreg:$0x1] =	wrdreg $0xFFFFFFFF  }
0xad: {  	[dreg:$0x0] =	wrdreg $0x60  }
0xae: {  	[dreg:$0x2] =	wrdreg s24  }
0xaf: {  	[dreg:$0x3] =	wrdreg s2  }
0xb0: {  	[dreg:$0x4] =	wrdreg $0x14A000  }
0xb1: {  	[dreg:$0x5] =	wrdreg $0x9  }
0xb2: {  	_ =	task.clear_ibuf [dreg:s7], $0x6FFFF;
	_ =	strace $0x9000004F  }
0xb3: {  	s29 =	simm.s32 $0x9;
	_ =	strace $0x80000051  }
0xb4: {  	_ =	swait.ge [sflag:s29], $0x1  }
0xb5: {  	[sflag:s29] =	ssyncadd.s32 $0xFFFFFFFF  }
0xb6: {  	_ =	strace $0x90000051  }
0xb7: {  	_ =	sfence  }
0xb8: {  	s30 =	sld [smem:$0x0];
	_ =	sdelay $0x2  }
0xb9: {  	s31 =	sshll.u32 s1, $0xD;
	s1 =	sshrl.u32 s1, $0x2  }
0xba: {  	s3 =	sand.u32 $0x4000, s31;
	s1 =	sadd.s32 s1, s30  }
0xbb: {  	s0 =	sor.u32 s3, s0;
	s1 =	sshll.u32 s1, $0x11  }
0xbc: {  	s0 =	sor.u32 s1, s0  }
0xbd: {  	s0 =	sadd.s32 $0x8F2B, s0  }
0xbe: {  	[sflag:s0] =	ssyncadd.remote.s32 $0x1  }
0xbf: {  	_ =	sfence.sel $0xFFFF  }
0xc0: {  	[dreg:$0x0] =	wrdreg $0xFFFFFFFF;
	(pc) =	sbr.abs _section_cstart, $3  }
0xc1: {  	[dreg:$0x1] =	wrdreg $0xFFFFFFFF  }
0xc2: {  	_ =	task.clear_ibuf [dreg:s7], $0x2FFFF;
	_ =	strace $0x9FFFFFFF  }
0xc3: {  	(tm) =	ssettm $0x7FFFFFFF  }
tec
execute0_lowered:
.L_overlay_start_1:
0x0: {  	(tag) =	ssettag $0x1  }
0x1: {  	s8 =	rddreg [dreg:$0x0]  }
0x2: {  	s6 =	rddreg [dreg:$0x1]  }
0x3: {  	s2 =	rddreg [dreg:$0x2]  }
0x4: {  	s0 =	rddreg [dreg:$0x3];
	s4 =	srdreg.scid  }
0x5: {  	s1 =	stileid.u32;
	s3 =	simm.s32 $0x0;
	s15 =	simm.s32 $0x7D  }
0x6: {  	s16 =	simm.s32 $0xDAC0;
	s17 =	simm.s32 $0x1F40;
	s18 =	simm.s32 $0x0  }
0x7: {  	s7 =	sand.u32 $0x1, s4;
	s30 =	sshll.u32 s1, $0x1;
	[smem:$0x7FF] =	sst s3  }
0x8: {  	s5 =	sadd.s32 $0x1A000, s8;
	s31 =	smul.u32 $0x14000, s1;
	s13 =	sshll.u32 s1, $0x6  }
0x9: {  	s4 =	sor.u32 s7, s30;
	_ =	strace $0x80000050;
	s9 =	ssub.s32 $0x2, s7  }
0xa: {  	p0 =	seq.s32 s7, $0x1;
	s13 =	sor.u32 $0x1C11, s13;
	s10 =	smul.u32 $0x2800, s4  }
0xb: {  	s4 =	sadd.s32 $0x5400, s8;
	s11 =	sshrl.u32 s9, $0x1;
	s12 =	sshrl.u32 s31, $0x1  }
0xc: {  	s9 =	ssub.s32 s9, s11;
	s14 =	sadd.s32 s12, s2;
	s10 =	sshrl.u32 s10, $0x3  }
0xd: {  	s11 =	sshrl.u32 s31, $0x4;
	s6 =	sadd.s32 s6, s10;
	s10 =	simm.s32 $0x7F400  }
0xe: {  	s12 =	simm.s32 $0x12200;
	s14 =	sshrl.u32 s14, $0x3;
	s10 =	simm.s32 @!p0 $0x6B400  }
0xf: {  	s7 =	sadd.s32 $0xA000, s6;
	s10 =	sadd.s32 s10, s8;
	s8 =	smax.u32 s9, $0x1  }
0x10: {  	s9 =	sadd.s32 s10, s11;
	s10 =	simm.s32 $0xFA00;
	s11 =	simm.s32 $0x11  }
.LBB2_1:
0x11: {  	[tilespmem:s10], [sflag:$0x11] =	stream.linear.gather [hbm4b:s6+s3], $0x2800, $0x38;
	[tilespmem:$0x1EA00] =	vst v63  }
0x12: {  	_ =	swait.ge [sflag:s11], $0x2800  }
0x13: {  	[sflag:s11] =	ssyncset.done $0x0  }
0x14: {  	[sflag:s11] =	ssyncadd.s32 $0xFFFFD800  }
0x15: {  	[tilespmem:s12], [sflag:$0x11] =	stream.linear.gather [hbm4b:s7+s3], $0x2800, $0x38;
	[tilespmem:$0x1EA00] =	vst v63  }
0x16: {  	_ =	swait.ge [sflag:s11], $0x2800  }
0x17: {  	[sflag:s11] =	ssyncset.done $0x0  }
0x18: {  	[sflag:s11] =	ssyncadd.s32 $0xFFFFD800  }
0x19: {  	[spmem:s14], [sflag:s13] =	dma.local [hbm:s5], $0x1400  }
0x1a: {  	_ =	swait.ge [sflag:s11], $0x1400  }
0x1b: {  	[sflag:s11] =	ssyncset.done $0x0  }
0x1c: {  	[sflag:s11] =	ssyncadd.s32 $0xFFFFEC00  }
0x1d: {  	s19 =	simm.s32 $0x7;
	s20 =	simm.s32 $0x0;
	[bflag:$0x0] =	sbarrier.arrive $0xFFFF  }
.LBB2_2:
0x1e: {  	s21 =	sadd.s32 $0xFFFFFFF1, s19  }
0x1f: {  	p0 =	sgt.u32 s21, $0x4F  }
0x20: {  	s21 =	simm.s32 @!p0 $0x9  }
0x21: {  	_ =	swait.ge @!p0 [sflag:s21], $0x1F40  }
0x22: {  	p1 =	seq.s32 s20, $0xA000;
	[sflag:s21] =	ssyncset.done @!p0 $0x0  }
0x23: {  	[sflag:s21] =	ssyncadd.s32 @!p0 $0xFFFFE0C0;
	s21 =	sshra.s32 @!p1 s20, $0x2  }
0x24: {  	s22 =	simm.s32 @!p1 $0x7D;
	s24 =	simm.s32 @!p1 $0x0;
	s23 =	sadd.s32 @!p1 $0xFA00, s21  }
0x25: {  	[tilespmem:s24], [sflag:$0x1] =	stream.indirect.gather @!p1 [hbm4b:s4+s22], $0x40, s23, s22, $0xb8;
	[tilespmem:$0x1EA00] =	vst v63  }
0x26: {  	s23 =	simm.s32 @!p0 $0x8  }
0x27: {  	_ =	swait.ge @!p0 [sflag:s23], $0x1F40  }
0x28: {  	[sflag:s23] =	ssyncset.done @!p0 $0x0  }
0x29: {  	p2 =	seq.s32 s20, $0x0;
	[sflag:s23] =	ssyncadd.s32 @!p0 $0xFFFFE0C0;
	s23 =	sshra.s32 @!p0 s20, $0x2  }
0x2a: {  	s25 =	simm.s32 @!p0 $0xDAC0;
	s24 =	simm.s32 @!p0 $0x7D;
	s23 =	sadd.s32 @!p0 $0x12180, s23  }
0x2b: {  	[spmem:s2] =	stream.indirect.scatter.add.bf16 @!p0 [tilespmem:s25], [sflag:$0x10], $0x40, s23, s24, $0xb8;
	[tilespmem:$0x1EA00] =	vst v63  }
0x2c: {  	s23 =	simm.s32 @!p2 $0xA  }
0x2d: {  	p3 =	seq.s32 @!p2 s20, $0xA000;
	_ =	swait.ge @!p2 [sflag:s23], $0x1F40  }
0x2e: {  	p3 =	por p2, !p3;
	[sflag:s23] =	ssyncset.done @!p2 $0x0  }
0x2f: {  	s25 =	sadd.s32 $0xFFFFFFFA, s19;
	[sflag:s23] =	ssyncadd.s32 @!p2 $0xFFFFE0C0;
	s23 =	sshra.s32 @p3 s20, $0x2  }
0x30: {  	p4 =	sgt.u32 s25, $0x50;
	s23 =	sadd.s32 @p3 $0xFA80, s23  }
0x31: {  	[tilespmem:s17], [sflag:$0x2] =	stream.indirect.gather @p3 [hbm4b:s4+s15], $0x40, s23, s15, $0xb8;
	[tilespmem:$0x1EA00] =	vst v63  }
0x32: {  	s23 =	simm.s32 @!p4 $0x1  }
0x33: {  	_ =	swait.ge @!p4 [sflag:s23], $0x1F40  }
0x34: {  	[sflag:s23] =	ssyncset.done @!p4 $0x0  }
0x35: {  	[sflag:s23] =	ssyncadd.s32 @!p4 $0xFFFFE0C0;
	s23 =	sshra.s32 @!p4 s20, $0x2  }
0x36: {  	s24 =	simm.s32 @!p4 $0x7D;
	s25 =	simm.s32 @!p4 $0x0;
	s23 =	sadd.s32 @!p4 $0x12200, s23  }
0x37: {  	[spmem:s2] =	stream.indirect.scatter.add.bf16 @!p4 [tilespmem:s25], [sflag:$0x9], $0x40, s23, s24, $0xb8;
	[tilespmem:$0x1EA00] =	vst v63  }
0x38: {  	s23 =	simm.s32 @!p0 $0xB  }
0x39: {  	_ =	swait.ge @!p0 [sflag:s23], $0x1F40  }
0x3a: {  	s26 =	sadd.s32 $0xFFFFFFFB, s19;
	s25 =	simm.s32 @!p1 $0x3E80;
	[sflag:s23] =	ssyncset.done @!p0 $0x0  }
0x3b: {  	p4 =	sgt.u32 s26, $0x50;
	[sflag:s23] =	ssyncadd.s32 @!p0 $0xFFFFE0C0;
	s23 =	sadd.s32 @!p1 $0xFB00, s21  }
0x3c: {  	[tilespmem:s25], [sflag:$0x3] =	stream.indirect.gather @!p1 [hbm4b:s4+s22], $0x40, s23, s22, $0xb8;
	[tilespmem:$0x1EA00] =	vst v63  }
0x3d: {  	s23 =	simm.s32 @!p4 $0x2  }
0x3e: {  	_ =	swait.ge @!p4 [sflag:s23], $0x1F40  }
0x3f: {  	[sflag:s23] =	ssyncset.done @!p4 $0x0  }
0x40: {  	[sflag:s23] =	ssyncadd.s32 @!p4 $0xFFFFE0C0;
	s23 =	sshra.s32 @!p4 s20, $0x2  }
0x41: {  	s24 =	simm.s32 @!p4 $0x7D;
	s25 =	simm.s32 @!p4 $0x1F40;
	s23 =	sadd.s32 @!p4 $0x12280, s23  }
0x42: {  	[spmem:s2] =	stream.indirect.scatter.add.bf16 @!p4 [tilespmem:s25], [sflag:$0xA], $0x40, s23, s24, $0xb8;
	[tilespmem:$0x1EA00] =	vst v63  }
0x43: {  	s23 =	simm.s32 @!p0 $0xC  }
0x44: {  	_ =	swait.ge @!p0 [sflag:s23], $0x1F40  }
0x45: {  	s28 =	sadd.s32 $0xFFFFFFFC, s19;
	s25 =	simm.s32 @!p1 $0x5DC0;
	[sflag:s23] =	ssyncset.done @!p0 $0x0  }
0x46: {  	p4 =	sgt.u32 s28, $0x50;
	[sflag:s23] =	ssyncadd.s32 @!p0 $0xFFFFE0C0;
	s23 =	sadd.s32 @!p1 $0xFB80, s21  }
0x47: {  	[tilespmem:s25], [sflag:$0x4] =	stream.indirect.gather @!p1 [hbm4b:s4+s22], $0x40, s23, s22, $0xb8;
	[tilespmem:$0x1EA00] =	vst v63  }
0x48: {  	s23 =	simm.s32 @!p4 $0x3  }
0x49: {  	_ =	swait.ge @!p4 [sflag:s23], $0x1F40  }
0x4a: {  	[sflag:s23] =	ssyncset.done @!p4 $0x0  }
0x4b: {  	[sflag:s23] =	ssyncadd.s32 @!p4 $0xFFFFE0C0;
	s23 =	sshra.s32 @!p4 s20, $0x2  }
0x4c: {  	s24 =	simm.s32 @!p4 $0x7D;
	s25 =	simm.s32 @!p4 $0x3E80;
	s23 =	sadd.s32 @!p4 $0x12300, s23  }
0x4d: {  	[spmem:s2] =	stream.indirect.scatter.add.bf16 @!p4 [tilespmem:s25], [sflag:$0xB], $0x40, s23, s24, $0xb8;
	[tilespmem:$0x1EA00] =	vst v63  }
0x4e: {  	s23 =	simm.s32 @!p0 $0xD  }
0x4f: {  	_ =	swait.ge @!p0 [sflag:s23], $0x1F40  }
0x50: {  	s29 =	sadd.s32 $0xFFFFFFFD, s19;
	s25 =	simm.s32 @!p1 $0x7D00;
	[sflag:s23] =	ssyncset.done @!p0 $0x0  }
0x51: {  	p4 =	sgt.u32 s29, $0x50;
	[sflag:s23] =	ssyncadd.s32 @!p0 $0xFFFFE0C0;
	s23 =	sadd.s32 @!p1 $0xFC00, s21  }
0x52: {  	[tilespmem:s25], [sflag:$0x5] =	stream.indirect.gather @!p1 [hbm4b:s4+s22], $0x40, s23, s22, $0xb8;
	[tilespmem:$0x1EA00] =	vst v63  }
0x53: {  	s23 =	simm.s32 @!p4 $0x4  }
0x54: {  	_ =	swait.ge @!p4 [sflag:s23], $0x1F40  }
0x55: {  	[sflag:s23] =	ssyncset.done @!p4 $0x0  }
0x56: {  	[sflag:s23] =	ssyncadd.s32 @!p4 $0xFFFFE0C0;
	s23 =	sshra.s32 @!p4 s20, $0x2  }
0x57: {  	s24 =	simm.s32 @!p4 $0x7D;
	s25 =	simm.s32 @!p4 $0x5DC0;
	s23 =	sadd.s32 @!p4 $0x12380, s23  }
0x58: {  	[spmem:s2] =	stream.indirect.scatter.add.bf16 @!p4 [tilespmem:s25], [sflag:$0xC], $0x40, s23, s24, $0xb8;
	[tilespmem:$0x1EA00] =	vst v63  }
0x59: {  	s23 =	simm.s32 @!p0 $0xE  }
0x5a: {  	_ =	swait.ge @!p0 [sflag:s23], $0x1F40  }
0x5b: {  	s30 =	sadd.s32 $0xFFFFFFFE, s19;
	s25 =	simm.s32 @!p1 $0x9C40;
	[sflag:s23] =	ssyncset.done @!p0 $0x0  }
0x5c: {  	p4 =	sgt.u32 s30, $0x50;
	[sflag:s23] =	ssyncadd.s32 @!p0 $0xFFFFE0C0;
	s23 =	sadd.s32 @!p1 $0xFC80, s21  }
0x5d: {  	[tilespmem:s25], [sflag:$0x6] =	stream.indirect.gather @!p1 [hbm4b:s4+s22], $0x40, s23, s22, $0xb8;
	[tilespmem:$0x1EA00] =	vst v63  }
0x5e: {  	s23 =	simm.s32 @!p4 $0x5  }
0x5f: {  	_ =	swait.ge @!p4 [sflag:s23], $0x1F40  }
0x60: {  	[sflag:s23] =	ssyncset.done @!p4 $0x0  }
0x61: {  	[sflag:s23] =	ssyncadd.s32 @!p4 $0xFFFFE0C0;
	s23 =	sshra.s32 @!p4 s20, $0x2  }
0x62: {  	s24 =	simm.s32 @!p4 $0x7D;
	s25 =	simm.s32 @!p4 $0x7D00;
	s23 =	sadd.s32 @!p4 $0x12400, s23  }
0x63: {  	[spmem:s2] =	stream.indirect.scatter.add.bf16 @!p4 [tilespmem:s25], [sflag:$0xD], $0x40, s23, s24, $0xb8;
	[tilespmem:$0x1EA00] =	vst v63  }
0x64: {  	s23 =	simm.s32 @!p0 $0xF  }
0x65: {  	_ =	swait.ge @!p0 [sflag:s23], $0x1F40  }
0x66: {  	s31 =	sadd.s32 $0xFFFFFFFF, s19;
	s21 =	sadd.s32 @!p1 $0xFD00, s21;
	[sflag:s23] =	ssyncset.done @!p0 $0x0  }
0x67: {  	[sflag:s23] =	ssyncadd.s32 @!p0 $0xFFFFE0C0;
	s23 =	simm.s32 @!p1 $0xBB80;
	p0 =	sgt.u32 s31, $0x50  }
0x68: {  	[tilespmem:s23], [sflag:$0x7] =	stream.indirect.gather @!p1 [hbm4b:s4+s22], $0x40, s21, s22, $0xb8;
	[tilespmem:$0x1EA00] =	vst v63  }
0x69: {  	s21 =	simm.s32 @!p0 $0x6  }
0x6a: {  	_ =	swait.ge @!p0 [sflag:s21], $0x1F40  }
0x6b: {  	[sflag:s21] =	ssyncset.done @!p0 $0x0  }
0x6c: {  	[sflag:s21] =	ssyncadd.s32 @!p0 $0xFFFFE0C0;
	s21 =	sshra.s32 @!p0 s20, $0x2  }
0x6d: {  	s22 =	simm.s32 @!p0 $0x7D;
	s23 =	simm.s32 @!p0 $0x9C40;
	s21 =	sadd.s32 @!p0 $0x12480, s21  }
0x6e: {  	[spmem:s2] =	stream.indirect.scatter.add.bf16 @!p0 [tilespmem:s23], [sflag:$0xE], $0x40, s21, s22, $0xb8;
	[tilespmem:$0x1EA00] =	vst v63  }
0x6f: {  	s21 =	simm.s32 @!p2 $0x10  }
0x70: {  	_ =	swait.ge @!p2 [sflag:s21], $0x1F40  }
0x71: {  	[sflag:s21] =	ssyncset.done @!p2 $0x0  }
0x72: {  	[sflag:s21] =	ssyncadd.s32 @!p2 $0xFFFFE0C0;
	s21 =	sshra.s32 @p3 s20, $0x2  }
0x73: {  	p0 =	sgt.u32 s19, $0x50;
	s21 =	sadd.s32 @p3 $0xFD80, s21  }
0x74: {  	[tilespmem:s16], [sflag:$0x8] =	stream.indirect.gather @p3 [hbm4b:s4+s15], $0x40, s21, s15, $0xb8;
	[tilespmem:$0x1EA00] =	vst v63  }
0x75: {  	s21 =	simm.s32 @!p0 $0x7  }
0x76: {  	_ =	swait.ge @!p0 [sflag:s21], $0x1F40  }
0x77: {  	[sflag:s21] =	ssyncset.done @!p0 $0x0  }
0x78: {  	s22 =	simm.s32 @!p0 $0x7D;
	[sflag:s21] =	ssyncadd.s32 @!p0 $0xFFFFE0C0;
	s21 =	sshra.s32 @!p0 s20, $0x2  }
0x79: {  	s23 =	simm.s32 @!p0 $0xBB80;
	s20 =	sadd.s32 $0x1000, s20;
	s21 =	sadd.s32 @!p0 $0x12500, s21  }
0x7a: {  	[spmem:s2] =	stream.indirect.scatter.add.bf16 @!p0 [tilespmem:s23], [sflag:$0xF], $0x40, s21, s22, $0xb8;
	[tilespmem:$0x1EA00] =	vst v63  }
0x7b: {  	p0 =	sne.s32 s20, $0xB000  }
.Ltmp0:
0x7c: {  	_ = 	snop;
	(pc) =	sbr.rel @p0 .LBB2_2-.Ltmp0, $2  }
0x7d: {  	_ =	sdelay $0x2  }
0x7e: {  	s19 =	sadd.s32 $0x8, s19  }
0x7f: {  	s18 =	sadd.s32 $0x1, s18  }
0x80: {  	p0 =	sne.s32 s18, s8  }
.Ltmp1:
0x81: {  	[bflag:$0x0] =	sbarrier.arrive $0xFFFF;
	(pc) =	sbr.rel @p0 .LBB2_1-.Ltmp1, $4  }
0x82: {  	[hbm:s9], [sflag:s13] =	dma.local [spmem:s14], $0x1400  }
0x83: {  	_ =	swait.ge [sflag:s11], $0x1400  }
0x84: {  	[sflag:s11] =	ssyncset.done $0x0  }
0x85: {  	[sflag:s11] =	ssyncadd.s32 $0xFFFFEC00  }
0x86: {  	_ =	sfence.sel $0x180000  }
0x87: {  	[bflag:$0x0] =	sbarrier.arrive $0xFFFF  }
0x88: {  	p0 =	sne.s32 s1, $0x0;
	_ =	strace $0x90000050  }
0x89: {  	s0 =	sadd.s32 @!p0 $0x100000, s0;
	[bflag:$0x2] =	sbarrier.arrive $0xFFFF  }
0x8a: {  	[sflag:s0] =	ssyncadd.tile.s32 @!p0 $0x1;
	_ =	shalt  }
.Lfunc_end2:
_tile_overlayer_lowered:
.L_overlay_start_2:
0x8b: {  	(tag) =	ssettag $0x2  }
0x8c: {  	s0 =	rddreg [dreg:$0x0];
	s2 =	stileid.u32  }
0x8d: {  	s1 =	rddreg [dreg:$0x1];
	p0 =	sne.s32 s2, $0x0  }
0x8e: {  	s3 =	rddreg [dreg:$0x2];
	[bflag:$0x3] =	sbarrier.arrive $0xFFFF;
	s2 =	simm.s32 @!p0 $0x1C11  }
0x8f: {  	[timem:s3], [sflag:s2] =	dma.local @!p0 [hbm:s0], s1  }
0x90: {  	s0 =	simm.s32 @!p0 $0x11  }
0x91: {  	_ =	swait.ge @!p0 [sflag:s0], s1  }
0x92: {  	s1 =	ssub.s32 @!p0 $0x0, s1;
	[sflag:s0] =	ssyncset.done @!p0 $0x0  }
0x93: {  	[sflag:s0] =	ssyncadd.s32 @!p0 s1  }
0x94: {  	[bflag:$0x3] =	sbarrier.arrive $0xFFFF  }
0x95: {  	_ =	shalt  }

</sc_bundles>
